<compile_context>
chip_gen: v7x
topology: tpu7x:2x2x1
jax: 0.10.2.dev20260603
libtpu: 0.0.44.dev20260713+nightly
codegen_flags: <defaults>
</compile_context>

<pallas_src>
import functools

import jax
import jax.numpy as jnp
from jax import lax
from jax.experimental import pallas as pl
from jax.experimental.pallas import tpu as pltpu
from jax.experimental.pallas import tpu_sc as plsc

B = 256
N = 512
P = 6
D = 768
H = 384
K = 40

_SQRT_HALF = 0.7071067811865476


def _ln(x, g, b, eps=1e-5):
    m = jnp.mean(x, axis=-1, keepdims=True)
    xm = x - m
    v = jnp.mean(xm * xm, axis=-1, keepdims=True)
    return xm / jnp.sqrt(v + eps) * g + b


def _gelu(x):
    return 0.5 * x * (1.0 - lax.erf(-x * _SQRT_HALF))


_BB1 = 4


def _fe_imp_body(pc_ref, fw1_ref, fb1_ref, l1g_ref, l1b_ref, fw2_ref, fb2_ref,
                 l2g_ref, l2b_ref, iw1_ref, ib1_ref, ilg_ref, ilb_ref,
                 iw2_ref, ib2_ref, feat_ref, sc_ref):
    pc = pc_ref[...].reshape(_BB1 * N, P)
    h = jnp.dot(pc, fw1_ref[...], preferred_element_type=jnp.float32) + fb1_ref[...]
    h = _ln(h, l1g_ref[...], l1b_ref[...])
    h = jnp.maximum(h, 0.0)
    h = jnp.dot(h, fw2_ref[...], preferred_element_type=jnp.float32) + fb2_ref[...]
    feat = _ln(h, l2g_ref[...], l2b_ref[...])
    feat_ref[...] = feat.reshape(_BB1, N, D)
    s = jnp.dot(feat, iw1_ref[...], preferred_element_type=jnp.float32) + ib1_ref[...]
    s = _ln(s, ilg_ref[...], ilb_ref[...])
    s = _gelu(s)
    s2 = jnp.dot(s, iw2_ref[...], preferred_element_type=jnp.float32) + ib2_ref[...]
    sc_ref[...] = jax.nn.sigmoid(s2).reshape(_BB1, N, 1)


def _fe_imp(pc, fw1, fb1, l1g, l1b, fw2, fb2, l2g, l2b, iw1, ib1, ilg, ilb,
            iw2, ib2):
    full = lambda shape: pl.BlockSpec(shape, lambda i: (0,) * len(shape))
    return pl.pallas_call(
        _fe_imp_body,
        grid=(B // _BB1,),
        in_specs=[
            pl.BlockSpec((_BB1, N, P), lambda i: (i, 0, 0)),
            full((P, 256)), full((1, 256)), full((1, 256)), full((1, 256)),
            full((256, D)), full((1, D)), full((1, D)), full((1, D)),
            full((D, H)), full((1, H)), full((1, H)), full((1, H)),
            full((H, 1)), full((1, 1)),
        ],
        out_specs=[
            pl.BlockSpec((_BB1, N, D), lambda i: (i, 0, 0)),
            pl.BlockSpec((_BB1, N, 1), lambda i: (i, 0, 0)),
        ],
        out_shape=[
            jax.ShapeDtypeStruct((B, N, D), jnp.float32),
            jax.ShapeDtypeStruct((B, N, 1), jnp.float32),
        ],
    )(pc, fw1, fb1, l1g, l1b, fw2, fb2, l2g, l2b, iw1, ib1, ilg, ilb, iw2, ib2)


_NC = 2
_NS = 16
_NW = _NC * _NS
_BPW = B // _NW
_NCHUNK = N // 16


_TAKE_DNUMS = lax.GatherDimensionNumbers(
    offset_dims=(), collapsed_slice_dims=(0,), start_index_map=(0,))


def _take16(x, idx):
    return lax.gather(x, idx[:, None], _TAKE_DNUMS, (1,),
                      mode=lax.GatherScatterMode.PROMISE_IN_BOUNDS)


def _bcast_max(x, lane):
    for s in (1, 2, 4, 8):
        x = jnp.maximum(x, _take16(x, lane ^ s))
    return x


def _bcast_min(x, lane):
    for s in (1, 2, 4, 8):
        x = jnp.minimum(x, _take16(x, lane ^ s))
    return x


def _sc_topk_body(scores_hbm, feat_hbm, idx_hbm, tok_hbm, sc_v, idx_v, gidx_v,
                  tok_v, sem):
    wid = lax.axis_index("s") * _NC + lax.axis_index("c")
    base = wid * _BPW
    pltpu.sync_copy(scores_hbm.at[pl.ds(base * N, _BPW * N)], sc_v)
    lane = lax.iota(jnp.int32, 16)
    lane0 = lane == 0
    zeros16 = jnp.zeros((16,), jnp.int32)
    for r in range(_BPW):
        row_ids = zeros16 + r

        def step(t, _):
            def chunk(j, carry):
                bv, bi = carry
                v = sc_v[pl.ds(r * N + j * 16, 16)]
                cand_idx = j * 16 + lane
                better = v > bv
                return (jnp.where(better, v, bv),
                        jnp.where(better, cand_idx, bi))

            bv0 = jnp.full((16,), -2.0, jnp.float32)
            bv, bi = lax.fori_loop(0, _NCHUNK, chunk, (bv0, zeros16))
            m = _bcast_max(bv, lane)
            cand = jnp.where(bv == m, bi, jnp.int32(1 << 30))
            fiv = _bcast_min(cand, lane)
            tv = zeros16 + t
            plsc.store_scatter(sc_v, [row_ids * N + fiv],
                               jnp.full((16,), -2.0, jnp.float32), mask=lane0)
            plsc.store_scatter(idx_v, [row_ids, tv], fiv, mask=lane0)
            plsc.store_scatter(gidx_v, [tv], (base + r) * N + fiv, mask=lane0)
            return 0

        lax.fori_loop(0, K, step, 0)
        pltpu.async_copy(feat_hbm.at[gidx_v], tok_v, sem).wait()
        pltpu.sync_copy(tok_v, tok_hbm.at[base + r])
    pltpu.sync_copy(idx_v, idx_hbm.at[pl.ds(base, _BPW)])


def _sc_topk_gather(scores_flat, feat2d):
    mesh = plsc.VectorSubcoreMesh(core_axis_name="c", subcore_axis_name="s")
    f = functools.partial(
        pl.kernel,
        out_type=(
            jax.ShapeDtypeStruct((B, K), jnp.int32),
            jax.ShapeDtypeStruct((B, K, D), jnp.float32),
        ),
        mesh=mesh,
        scratch_types=(
            pltpu.VMEM((_BPW * N,), jnp.float32),
            pltpu.VMEM((_BPW, K), jnp.int32),
            pltpu.VMEM((K,), jnp.int32),
            pltpu.VMEM((K, D), jnp.float32),
            pltpu.SemaphoreType.DMA,
        ),
        compiler_params=pltpu.CompilerParams(needs_layout_passes=False),
    )(_sc_topk_body)
    return f(scores_flat, feat2d)


_BB3 = 64


def _cls_body(tok_ref, cw1_ref, cb1_ref, clg_ref, clb_ref, cw2_ref, cb2_ref,
              lg_ref, pr_ref, pc_ref, cf_ref):
    tok = tok_ref[...]
    avg = jnp.mean(tok, axis=1)
    c = jnp.dot(avg, cw1_ref[...], preferred_element_type=jnp.float32) + cb1_ref[...]
    c = _ln(c, clg_ref[...], clb_ref[...])
    c = _gelu(c)
    logits = jnp.dot(c, cw2_ref[...], preferred_element_type=jnp.float32) + cb2_ref[...]
    mx = jnp.max(logits, axis=-1, keepdims=True)
    e = jnp.exp(logits - mx)
    probs = e / jnp.sum(e, axis=-1, keepdims=True)
    lg_ref[...] = logits
    pr_ref[...] = probs
    p0 = probs[:, 0:1]
    p1 = probs[:, 1:2]
    p2 = probs[:, 2:3]
    v01 = jnp.maximum(p0, p1)
    b01 = jnp.where(p1 > p0, 1, 0).astype(jnp.int32)
    pc_ref[...] = jnp.where(p2 > v01, 2, b01).astype(jnp.int32)
    cf_ref[...] = jnp.maximum(v01, p2)


def _classifier(tokens, cw1, cb1, clg, clb, cw2, cb2):
    full = lambda shape: pl.BlockSpec(shape, lambda i: (0,) * len(shape))
    return pl.pallas_call(
        _cls_body,
        grid=(B // _BB3,),
        in_specs=[
            pl.BlockSpec((_BB3, K, D), lambda i: (i, 0, 0)),
            full((D, H)), full((1, H)), full((1, H)), full((1, H)),
            full((H, 3)), full((1, 3)),
        ],
        out_specs=[
            pl.BlockSpec((_BB3, 3), lambda i: (i, 0)),
            pl.BlockSpec((_BB3, 3), lambda i: (i, 0)),
            pl.BlockSpec((_BB3, 1), lambda i: (i, 0)),
            pl.BlockSpec((_BB3, 1), lambda i: (i, 0)),
        ],
        out_shape=[
            jax.ShapeDtypeStruct((B, 3), jnp.float32),
            jax.ShapeDtypeStruct((B, 3), jnp.float32),
            jax.ShapeDtypeStruct((B, 1), jnp.int32),
            jax.ShapeDtypeStruct((B, 1), jnp.float32),
        ],
    )(tokens, cw1, cb1, clg, clb, cw2, cb2)


def kernel(point_cloud, fe_w1, fe_b1, fe_ln1_g, fe_ln1_b, fe_w2, fe_b2,
           fe_ln2_g, fe_ln2_b, imp_w1, imp_b1, imp_ln_g, imp_ln_b, imp_w2,
           imp_b2, cls_w1, cls_b1, cls_ln_g, cls_ln_b, cls_w2, cls_b2):
    r2 = lambda x: x.reshape(1, -1)
    features, scores3 = _fe_imp(
        point_cloud, fe_w1, r2(fe_b1), r2(fe_ln1_g), r2(fe_ln1_b), fe_w2,
        r2(fe_b2), r2(fe_ln2_g), r2(fe_ln2_b), imp_w1, r2(imp_b1),
        r2(imp_ln_g), r2(imp_ln_b), imp_w2, imp_b2.reshape(1, 1))
    scores_flat = scores3.reshape(B * N)
    indices, safety_tokens = _sc_topk_gather(scores_flat,
                                             features.reshape(B * N, D))
    logits, probs, pred, conf = _classifier(
        safety_tokens, cls_w1, r2(cls_b1), r2(cls_ln_g), r2(cls_ln_b), cls_w2,
        r2(cls_b2))
    return (safety_tokens, indices, logits, probs, features,
            pred.reshape(B), conf.reshape(B))

# --- scband reference (transcript-rebuilt; emitter-appended) ---
"""Pipeline reference for scband-scaffold-safety-wrapper-32220844654685 (READ-ONLY COPY).

The authoritative reference and input builder live on the scoring server;
editing this copy changes nothing except your own understanding.
"""

import jax, jax.numpy as jnp
import numpy as np

TOKEN_COUNT = 40

def _layernorm(x, g, b, eps=1e-5):
    m = jnp.mean(x, axis=-1, keepdims=True)
    v = jnp.var(x, axis=-1, keepdims=True)
    return (x - m) / jnp.sqrt(v + eps) * g + b

def setup_inputs(seed: int = 0):
    key = jax.random.key(seed)
    ks = [jax.random.fold_in(key, i) for i in range(16)]
    B, N, P = 256, 512, 6
    D, H = 768, 384
    def w(k, shape, fan_in):
        return jax.random.normal(k, shape, dtype=jnp.float32) * (1.0 / np.sqrt(fan_in))
    inp = {}
    inp["point_cloud"] = jax.random.normal(ks[0], (B, N, P), dtype=jnp.float32)
    inp["fe_w1"] = w(ks[1], (P, 256), P); inp["fe_b1"] = jnp.zeros((256,), jnp.float32)
    inp["fe_ln1_g"] = jnp.ones((256,), jnp.float32); inp["fe_ln1_b"] = jnp.zeros((256,), jnp.float32)
    inp["fe_w2"] = w(ks[2], (256, D), 256); inp["fe_b2"] = jnp.zeros((D,), jnp.float32)
    inp["fe_ln2_g"] = jnp.ones((D,), jnp.float32); inp["fe_ln2_b"] = jnp.zeros((D,), jnp.float32)
    inp["imp_w1"] = w(ks[3], (D, H), D); inp["imp_b1"] = jnp.zeros((H,), jnp.float32)
    inp["imp_ln_g"] = jnp.ones((H,), jnp.float32); inp["imp_ln_b"] = jnp.zeros((H,), jnp.float32)
    inp["imp_w2"] = w(ks[4], (H, 1), H); inp["imp_b2"] = jnp.zeros((1,), jnp.float32)
    inp["cls_w1"] = w(ks[5], (D, H), D); inp["cls_b1"] = jnp.zeros((H,), jnp.float32)
    inp["cls_ln_g"] = jnp.ones((H,), jnp.float32); inp["cls_ln_b"] = jnp.zeros((H,), jnp.float32)
    inp["cls_w2"] = w(ks[6], (H, 3), H); inp["cls_b2"] = jnp.zeros((3,), jnp.float32)
    return inp

def reference(point_cloud, fe_w1, fe_b1, fe_ln1_g, fe_ln1_b, fe_w2, fe_b2, fe_ln2_g, fe_ln2_b,
              imp_w1, imp_b1, imp_ln_g, imp_ln_b, imp_w2, imp_b2,
              cls_w1, cls_b1, cls_ln_g, cls_ln_b, cls_w2, cls_b2):
    # mock feature extractor (num_points == 512 so no resample/pad branch)
    h = point_cloud @ fe_w1 + fe_b1
    h = _layernorm(h, fe_ln1_g, fe_ln1_b)
    h = jax.nn.relu(h)
    h = h @ fe_w2 + fe_b2
    features = _layernorm(h, fe_ln2_g, fe_ln2_b)
    # importance network (Dropout is identity in eval)
    s = features @ imp_w1 + imp_b1
    s = _layernorm(s, imp_ln_g, imp_ln_b)
    s = jax.nn.gelu(s, approximate=False)
    s = s @ imp_w2 + imp_b2
    scores = jax.nn.sigmoid(s)[..., 0]
    k = min(TOKEN_COUNT, scores.shape[1])
    _, indices = jax.lax.top_k(scores, k)
    safety_tokens = jnp.take_along_axis(features, indices[:, :, None], axis=1)
    avg = jnp.mean(safety_tokens, axis=1)
    c = avg @ cls_w1 + cls_b1
    c = _layernorm(c, cls_ln_g, cls_ln_b)
    c = jax.nn.gelu(c, approximate=False)
    safety_logits = c @ cls_w2 + cls_b2
    safety_probs = jax.nn.softmax(safety_logits, axis=-1)
    predicted_class = jnp.argmax(safety_probs, axis=-1)
    confidence = jnp.max(safety_probs, axis=-1)
    return (safety_tokens, indices, safety_logits, safety_probs, features, predicted_class, confidence)

if __name__ == "__main__":
    import jax
    _d = setup_inputs()
    print(jax.jit(kernel)(*tuple(_d.values())))

</pallas_src>

<mosaic_0001>
#map = affine_map<(d0, d1) -> (0)>
#map1 = affine_map<(d0, d1) -> (0, 0)>
#map2 = affine_map<(d0, d1) -> (0, 0, 0)>
module attributes {stable_mosaic.version = 14 : i64} {
  func.func @_sc_topk_body(%arg0: i32, %arg1: i32, %arg2: memref<131072xf32, #tpu.memory_space<hbm>>, %arg3: memref<131072x768xf32, #tpu.memory_space<hbm>>, %arg4: memref<256x40xi32, #tpu.memory_space<hbm>>, %arg5: memref<256x40x768xf32, #tpu.memory_space<hbm>>, %arg6: memref<4096xf32, #tpu.memory_space<vmem>>, %arg7: memref<8x40xi32, #tpu.memory_space<vmem>>, %arg8: memref<40xi32, #tpu.memory_space<vmem>>, %arg9: memref<40x768xf32, #tpu.memory_space<vmem>>, %arg10: memref<!tpu.dma_semaphore, #tpu.memory_space<semaphore_mem>>) attributes {dimension_semantics = [#tpu.dimension_semantics<core_parallel>, #tpu.dimension_semantics<subcore_parallel>], iteration_bounds = array<i64: 2, 16>, scalar_prefetch = 0 : i64, scratch_operands = 5 : i64, tpu.core_type = #tpu.core_type<sc_vector_subcore>, window_params = [{transform_indices = #map}, {transform_indices = #map1}, {transform_indices = #map1}, {transform_indices = #map2}]} {
    %mul3A = arith.constant 2 : i32
    %mul3A_0 = arith.muli %arg1, %mul3A : i32
    %add3A = arith.addi %mul3A_0, %arg0 : i32
    %mul3A_1 = arith.constant 8 : i32
    %mul3A_2 = arith.muli %add3A, %mul3A_1 : i32
    %mul3A_3 = arith.constant 512 : i32
    %mul3A_4 = arith.muli %mul3A_2, %mul3A_3 : i32
    "tpu.region"() ({
      %run_scoped3A = tpu.sem_alloc : memref<!tpu.dma_semaphore, #tpu.memory_space<semaphore_mem>>
      %dma_start3A_149 = tpu.memref_slice %arg2[%mul3A_4] : memref<131072xf32, #tpu.memory_space<hbm>> -> memref<4096xf32, #tpu.memory_space<hbm>>
      %dma_start3A_150 = tpu.memref_slice %arg2[%mul3A_4] : memref<131072xf32, #tpu.memory_space<hbm>> -> memref<4096xf32, #tpu.memory_space<hbm>>
      tpu.enqueue_dma source(%dma_start3A_150 : memref<4096xf32, #tpu.memory_space<hbm>>) target(%arg6 : memref<4096xf32, #tpu.memory_space<vmem>>) target_semaphore(%run_scoped3A : memref<!tpu.dma_semaphore, #tpu.memory_space<semaphore_mem>>)
      %dma_wait3A_151 = tpu.memref_slice %arg2[%mul3A_4] : memref<131072xf32, #tpu.memory_space<hbm>> -> memref<4096xf32, #tpu.memory_space<hbm>>
      %dma_wait3A_152 = tpu.memref_slice %arg2[%mul3A_4] : memref<131072xf32, #tpu.memory_space<hbm>> -> memref<4096xf32, #tpu.memory_space<hbm>>
      tpu.wait_dma2 semaphore(%run_scoped3A : memref<!tpu.dma_semaphore, #tpu.memory_space<semaphore_mem>>) src(%dma_wait3A_152 : memref<4096xf32, #tpu.memory_space<hbm>>) dst(%arg6 : memref<4096xf32, #tpu.memory_space<vmem>>)
      tpu.yield
    }) : () -> ()
    %iota3A = tpu.iota {dimensions = array<i32: 0>} : vector<16xi32>
    %eq3A = arith.constant 0 : i32
    %eq3A_5 = vector.broadcast %eq3A : i32 to vector<16xi32>
    %eq3A_6 = arith.cmpi eq, %iota3A, %eq3A_5 : vector<16xi32>
    %broadcast_in_dim3A = arith.constant 0 : i32
    %broadcast_in_dim3A_7 = vector.broadcast %broadcast_in_dim3A : i32 to vector<16xi32>
    %add3A_8 = arith.constant 0 : i32
    %add3A_9 = vector.broadcast %add3A_8 : i32 to vector<16xi32>
    %add3A_10 = arith.addi %broadcast_in_dim3A_7, %add3A_9 : vector<16xi32>
    %scan3A = arith.constant 0 : i32
    %scan3A_11 = arith.constant 0 : i32
    %scan3A_12 = arith.constant 40 : i32
    %scan3A_13 = arith.addi %scan3A_11, %scan3A_12 : i32
    %scan3A_14 = arith.constant 1 : i32
    %scan3A_15 = scf.for %scan3A_149 = %scan3A_11 to %scan3A_13 step %scan3A_14 iter_args(%scan3A_150 = %scan3A) -> (i32)  : i32 {
      %broadcast_in_dim3A_151 = arith.constant -2.000000e+00 : f32
      %broadcast_in_dim3A_152 = vector.broadcast %broadcast_in_dim3A_151 : f32 to vector<16xf32>
      %scan3A_153 = arith.constant 0 : i32
      %scan3A_154 = arith.constant 32 : i32
      %scan3A_155 = arith.addi %scan3A_153, %scan3A_154 : i32
      %scan3A_156 = arith.constant 1 : i32
      %scan3A_157:2 = scf.for %scan3A_228 = %scan3A_153 to %scan3A_155 step %scan3A_156 iter_args(%scan3A_229 = %broadcast_in_dim3A_152, %scan3A_230 = %broadcast_in_dim3A_7) -> (vector<16xf32>, vector<16xi32>)  : i32 {
        %mul3A_231 = arith.constant 16 : i32
        %mul3A_232 = arith.muli %scan3A_228, %mul3A_231 : i32
        %add3A_233 = arith.constant 0 : i32
        %add3A_234 = arith.addi %add3A_233, %mul3A_232 : i32
        %get3A = arith.index_cast %add3A_234 : i32 to index
        %get3A_235 = tpu.vector_load %arg6[%get3A] {strides = array<i32>} : memref<4096xf32, #tpu.memory_space<vmem>>, vector<16xf32>,
        %mul3A_236 = arith.constant 16 : i32
        %mul3A_237 = arith.muli %scan3A_228, %mul3A_236 : i32
        %add3A_238 = vector.broadcast %mul3A_237 : i32 to vector<16xi32>
        %add3A_239 = arith.addi %add3A_238, %iota3A : vector<16xi32>
        %gt3A = arith.cmpf ogt, %get3A_235, %scan3A_229 : vector<16xf32>
        %select_n3A_240 = arith.select %gt3A, %get3A_235, %scan3A_229 : vector<16xi1>, vector<16xf32>
        %select_n3A_241 = arith.select %gt3A, %add3A_239, %scan3A_230 : vector<16xi1>, vector<16xi32>
        scf.yield %select_n3A_240, %select_n3A_241 : vector<16xf32>, vector<16xi32>
      }
      %scan3A_158 = arith.constant 32 : i32
      %xor3A = arith.constant 1 : i32
      %xor3A_159 = vector.broadcast %xor3A : i32 to vector<16xi32>
      %xor3A_160 = arith.xori %iota3A, %xor3A_159 : vector<16xi32>
      %broadcast_in_dim3A_161 = vector.shape_cast %xor3A_160 : vector<16xi32> to vector<16x1xi32>
      %gather3A = vector.shape_cast %broadcast_in_dim3A_161 : vector<16x1xi32> to vector<16xi32>
      %gather3A_162 = tpu.dynamic_gather %scan3A_157#0[%gather3A] in [0] : vector<16xf32>, vector<16xi32> -> vector<16xf32>
      %max3A = arith.maximumf %scan3A_157#0, %gather3A_162 : vector<16xf32>
      %xor3A_163 = arith.constant 2 : i32
      %xor3A_164 = vector.broadcast %xor3A_163 : i32 to vector<16xi32>
      %xor3A_165 = arith.xori %iota3A, %xor3A_164 : vector<16xi32>
      %broadcast_in_dim3A_166 = vector.shape_cast %xor3A_165 : vector<16xi32> to vector<16x1xi32>
      %gather3A_167 = vector.shape_cast %broadcast_in_dim3A_166 : vector<16x1xi32> to vector<16xi32>
      %gather3A_168 = tpu.dynamic_gather %max3A[%gather3A_167] in [0] : vector<16xf32>, vector<16xi32> -> vector<16xf32>
      %max3A_169 = arith.maximumf %max3A, %gather3A_168 : vector<16xf32>
      %xor3A_170 = arith.constant 4 : i32
      %xor3A_171 = vector.broadcast %xor3A_170 : i32 to vector<16xi32>
      %xor3A_172 = arith.xori %iota3A, %xor3A_171 : vector<16xi32>
      %broadcast_in_dim3A_173 = vector.shape_cast %xor3A_172 : vector<16xi32> to vector<16x1xi32>
      %gather3A_174 = vector.shape_cast %broadcast_in_dim3A_173 : vector<16x1xi32> to vector<16xi32>
      %gather3A_175 = tpu.dynamic_gather %max3A_169[%gather3A_174] in [0] : vector<16xf32>, vector<16xi32> -> vector<16xf32>
      %max3A_176 = arith.maximumf %max3A_169, %gather3A_175 : vector<16xf32>
      %xor3A_177 = arith.constant 8 : i32
      %xor3A_178 = vector.broadcast %xor3A_177 : i32 to vector<16xi32>
      %xor3A_179 = arith.xori %iota3A, %xor3A_178 : vector<16xi32>
      %broadcast_in_dim3A_180 = vector.shape_cast %xor3A_179 : vector<16xi32> to vector<16x1xi32>
      %gather3A_181 = vector.shape_cast %broadcast_in_dim3A_180 : vector<16x1xi32> to vector<16xi32>
      %gather3A_182 = tpu.dynamic_gather %max3A_176[%gather3A_181] in [0] : vector<16xf32>, vector<16xi32> -> vector<16xf32>
      %max3A_183 = arith.maximumf %max3A_176, %gather3A_182 : vector<16xf32>
      %eq3A_184 = arith.cmpf oeq, %scan3A_157#0, %max3A_183 : vector<16xf32>
      %jit3A = arith.constant 1073741824 : i32
      %broadcast_in_dim3A_185 = vector.broadcast %jit3A : i32 to vector<16xi32>
      %select_n3A = arith.select %eq3A_184, %scan3A_157#1, %broadcast_in_dim3A_185 : vector<16xi1>, vector<16xi32>
      %xor3A_186 = arith.constant 1 : i32
      %xor3A_187 = vector.broadcast %xor3A_186 : i32 to vector<16xi32>
      %xor3A_188 = arith.xori %iota3A, %xor3A_187 : vector<16xi32>
      %broadcast_in_dim3A_189 = vector.shape_cast %xor3A_188 : vector<16xi32> to vector<16x1xi32>
      %gather3A_190 = vector.shape_cast %broadcast_in_dim3A_189 : vector<16x1xi32> to vector<16xi32>
      %gather3A_191 = tpu.dynamic_gather %select_n3A[%gather3A_190] in [0] : vector<16xi32>, vector<16xi32> -> vector<16xi32>
      %min3A = arith.minsi %select_n3A, %gather3A_191 : vector<16xi32>
      %xor3A_192 = arith.constant 2 : i32
      %xor3A_193 = vector.broadcast %xor3A_192 : i32 to vector<16xi32>
      %xor3A_194 = arith.xori %iota3A, %xor3A_193 : vector<16xi32>
      %broadcast_in_dim3A_195 = vector.shape_cast %xor3A_194 : vector<16xi32> to vector<16x1xi32>
      %gather3A_196 = vector.shape_cast %broadcast_in_dim3A_195 : vector<16x1xi32> to vector<16xi32>
      %gather3A_197 = tpu.dynamic_gather %min3A[%gather3A_196] in [0] : vector<16xi32>, vector<16xi32> -> vector<16xi32>
      %min3A_198 = arith.minsi %min3A, %gather3A_197 : vector<16xi32>
      %xor3A_199 = arith.constant 4 : i32
      %xor3A_200 = vector.broadcast %xor3A_199 : i32 to vector<16xi32>
      %xor3A_201 = arith.xori %iota3A, %xor3A_200 : vector<16xi32>
      %broadcast_in_dim3A_202 = vector.shape_cast %xor3A_201 : vector<16xi32> to vector<16x1xi32>
      %gather3A_203 = vector.shape_cast %broadcast_in_dim3A_202 : vector<16x1xi32> to vector<16xi32>
      %gather3A_204 = tpu.dynamic_gather %min3A_198[%gather3A_203] in [0] : vector<16xi32>, vector<16xi32> -> vector<16xi32>
      %min3A_205 = arith.minsi %min3A_198, %gather3A_204 : vector<16xi32>
      %xor3A_206 = arith.constant 8 : i32
      %xor3A_207 = vector.broadcast %xor3A_206 : i32 to vector<16xi32>
      %xor3A_208 = arith.xori %iota3A, %xor3A_207 : vector<16xi32>
      %broadcast_in_dim3A_209 = vector.shape_cast %xor3A_208 : vector<16xi32> to vector<16x1xi32>
      %gather3A_210 = vector.shape_cast %broadcast_in_dim3A_209 : vector<16x1xi32> to vector<16xi32>
      %gather3A_211 = tpu.dynamic_gather %min3A_205[%gather3A_210] in [0] : vector<16xi32>, vector<16xi32> -> vector<16xi32>
      %min3A_212 = arith.minsi %min3A_205, %gather3A_211 : vector<16xi32>
      %add3A_213 = vector.broadcast %scan3A_149 : i32 to vector<16xi32>
      %add3A_214 = arith.addi %broadcast_in_dim3A_7, %add3A_213 : vector<16xi32>
      %mul3A_215 = arith.constant 512 : i32
      %mul3A_216 = vector.broadcast %mul3A_215 : i32 to vector<16xi32>
      %mul3A_217 = arith.muli %add3A_10, %mul3A_216 : vector<16xi32>
      %add3A_218 = arith.addi %mul3A_217, %min3A_212 : vector<16xi32>
      %broadcast_in_dim3A_219 = arith.constant -2.000000e+00 : f32
      %broadcast_in_dim3A_220 = vector.broadcast %broadcast_in_dim3A_219 : f32 to vector<16xf32>
      tpu.vector_store_idx %arg6[%add3A_218], %broadcast_in_dim3A_220 masked %eq3A_6 : memref<4096xf32, #tpu.memory_space<vmem>>[vector<16xi32>], vector<16xf32>, vector<16xi1>
      tpu.vector_store_idx %arg7[%add3A_10, %add3A_214], %min3A_212 masked %eq3A_6 : memref<8x40xi32, #tpu.memory_space<vmem>>[vector<16xi32>, vector<16xi32>], vector<16xi32>, vector<16xi1>
      %add3A_221 = arith.constant 0 : i32
      %add3A_222 = arith.addi %mul3A_2, %add3A_221 : i32
      %mul3A_223 = arith.constant 512 : i32
      %mul3A_224 = arith.muli %add3A_222, %mul3A_223 : i32
      %add3A_225 = vector.broadcast %mul3A_224 : i32 to vector<16xi32>
      %add3A_226 = arith.addi %add3A_225, %min3A_212 : vector<16xi32>
      tpu.vector_store_idx %arg8[%add3A_214], %add3A_226 masked %eq3A_6 : memref<40xi32, #tpu.memory_space<vmem>>[vector<16xi32>], vector<16xi32>, vector<16xi1>
      %scan3A_227 = arith.constant 0 : i32
      scf.yield %scan3A_227 : i32
    }
    %scan3A_16 = arith.constant 40 : i32
    %dma_start3A = arith.constant 0 : i32
    %dma_start3A_17 = arith.constant 0 : i32
    %dma_start3A_18 = tpu.memref_slice %arg3[%dma_start3A, %dma_start3A_17] : memref<131072x768xf32, #tpu.memory_space<hbm>> -> memref<131072x768xf32, #tpu.memory_space<hbm>>
    tpu.enqueue_indirect_dma source(%dma_start3A_18 : memref<131072x768xf32, #tpu.memory_space<hbm>>) target(%arg9 : memref<40x768xf32, #tpu.memory_space<vmem>>) offsets(%arg8 : memref<40xi32, #tpu.memory_space<vmem>>) semaphore(%arg10 : memref<!tpu.dma_semaphore, #tpu.memory_space<semaphore_mem>>)
    %dma_wait3A = arith.constant 0 : i32
    %dma_wait3A_19 = arith.constant 0 : i32
    %dma_wait3A_20 = tpu.memref_slice %arg3[%dma_wait3A, %dma_wait3A_19] : memref<131072x768xf32, #tpu.memory_space<hbm>> -> memref<131072x768xf32, #tpu.memory_space<hbm>>
    tpu.wait_indirect_dma semaphore(%arg10 : memref<!tpu.dma_semaphore, #tpu.memory_space<semaphore_mem>>) src(%dma_wait3A_20 : memref<131072x768xf32, #tpu.memory_space<hbm>>) dst(%arg9 : memref<40x768xf32, #tpu.memory_space<vmem>>)
    %add3A_21 = arith.constant 0 : i32
    %add3A_22 = arith.addi %mul3A_2, %add3A_21 : i32
    "tpu.region"() ({
      %run_scoped3A = tpu.sem_alloc : memref<!tpu.dma_semaphore, #tpu.memory_space<semaphore_mem>>
      %dma_start3A_149 = arith.constant 0 : i32
      %dma_start3A_150 = arith.constant 0 : i32
      %dma_start3A_151 = tpu.memref_slice %arg5[%add3A_22, %dma_start3A_149, %dma_start3A_150] : memref<256x40x768xf32, #tpu.memory_space<hbm>> -> memref<1x40x768xf32, #tpu.memory_space<hbm>>
      %dma_start3A_152 = tpu.memref_squeeze %dma_start3A_151 : memref<1x40x768xf32, #tpu.memory_space<hbm>> -> memref<40x768xf32, #tpu.memory_space<hbm>>
      %dma_start3A_153 = arith.constant 0 : i32
      %dma_start3A_154 = arith.constant 0 : i32
      %dma_start3A_155 = tpu.memref_slice %arg5[%add3A_22, %dma_start3A_153, %dma_start3A_154] : memref<256x40x768xf32, #tpu.memory_space<hbm>> -> memref<1x40x768xf32, #tpu.memory_space<hbm>>
      %dma_start3A_156 = tpu.memref_squeeze %dma_start3A_155 : memref<1x40x768xf32, #tpu.memory_space<hbm>> -> memref<40x768xf32, #tpu.memory_space<hbm>>
      tpu.enqueue_dma source(%arg9 : memref<40x768xf32, #tpu.memory_space<vmem>>) target(%dma_start3A_156 : memref<40x768xf32, #tpu.memory_space<hbm>>) target_semaphore(%run_scoped3A : memref<!tpu.dma_semaphore, #tpu.memory_space<semaphore_mem>>)
      %dma_wait3A_157 = arith.constant 0 : i32
      %dma_wait3A_158 = arith.constant 0 : i32
      %dma_wait3A_159 = tpu.memref_slice %arg5[%add3A_22, %dma_wait3A_157, %dma_wait3A_158] : memref<256x40x768xf32, #tpu.memory_space<hbm>> -> memref<1x40x768xf32, #tpu.memory_space<hbm>>
      %dma_wait3A_160 = tpu.memref_squeeze %dma_wait3A_159 : memref<1x40x768xf32, #tpu.memory_space<hbm>> -> memref<40x768xf32, #tpu.memory_space<hbm>>
      %dma_wait3A_161 = arith.constant 0 : i32
      %dma_wait3A_162 = arith.constant 0 : i32
      %dma_wait3A_163 = tpu.memref_slice %arg5[%add3A_22, %dma_wait3A_161, %dma_wait3A_162] : memref<256x40x768xf32, #tpu.memory_space<hbm>> -> memref<1x40x768xf32, #tpu.memory_space<hbm>>
      %dma_wait3A_164 = tpu.memref_squeeze %dma_wait3A_163 : memref<1x40x768xf32, #tpu.memory_space<hbm>> -> memref<40x768xf32, #tpu.memory_space<hbm>>
      tpu.wait_dma2 semaphore(%run_scoped3A : memref<!tpu.dma_semaphore, #tpu.memory_space<semaphore_mem>>) src(%arg9 : memref<40x768xf32, #tpu.memory_space<vmem>>) dst(%dma_wait3A_164 : memref<40x768xf32, #tpu.memory_space<hbm>>)
      tpu.yield
    }) : () -> ()
    %add3A_23 = arith.constant 1 : i32
    %add3A_24 = vector.broadcast %add3A_23 : i32 to vector<16xi32>
    %add3A_25 = arith.addi %broadcast_in_dim3A_7, %add3A_24 : vector<16xi32>
    %scan3A_26 = arith.constant 0 : i32
    %scan3A_27 = arith.constant 0 : i32
    %scan3A_28 = arith.constant 40 : i32
    %scan3A_29 = arith.addi %scan3A_27, %scan3A_28 : i32
    %scan3A_30 = arith.constant 1 : i32
    %scan3A_31 = scf.for %scan3A_149 = %scan3A_27 to %scan3A_29 step %scan3A_30 iter_args(%scan3A_150 = %scan3A_26) -> (i32)  : i32 {
      %broadcast_in_dim3A_151 = arith.constant -2.000000e+00 : f32
      %broadcast_in_dim3A_152 = vector.broadcast %broadcast_in_dim3A_151 : f32 to vector<16xf32>
      %scan3A_153 = arith.constant 0 : i32
      %scan3A_154 = arith.constant 32 : i32
      %scan3A_155 = arith.addi %scan3A_153, %scan3A_154 : i32
      %scan3A_156 = arith.constant 1 : i32
      %scan3A_157:2 = scf.for %scan3A_228 = %scan3A_153 to %scan3A_155 step %scan3A_156 iter_args(%scan3A_229 = %broadcast_in_dim3A_152, %scan3A_230 = %broadcast_in_dim3A_7) -> (vector<16xf32>, vector<16xi32>)  : i32 {
        %mul3A_231 = arith.constant 16 : i32
        %mul3A_232 = arith.muli %scan3A_228, %mul3A_231 : i32
        %add3A_233 = arith.constant 512 : i32
        %add3A_234 = arith.addi %add3A_233, %mul3A_232 : i32
        %get3A = arith.index_cast %add3A_234 : i32 to index
        %get3A_235 = tpu.vector_load %arg6[%get3A] {strides = array<i32>} : memref<4096xf32, #tpu.memory_space<vmem>>, vector<16xf32>,
        %mul3A_236 = arith.constant 16 : i32
        %mul3A_237 = arith.muli %scan3A_228, %mul3A_236 : i32
        %add3A_238 = vector.broadcast %mul3A_237 : i32 to vector<16xi32>
        %add3A_239 = arith.addi %add3A_238, %iota3A : vector<16xi32>
        %gt3A = arith.cmpf ogt, %get3A_235, %scan3A_229 : vector<16xf32>
        %select_n3A_240 = arith.select %gt3A, %get3A_235, %scan3A_229 : vector<16xi1>, vector<16xf32>
        %select_n3A_241 = arith.select %gt3A, %add3A_239, %scan3A_230 : vector<16xi1>, vector<16xi32>
        scf.yield %select_n3A_240, %select_n3A_241 : vector<16xf32>, vector<16xi32>
      }
      %scan3A_158 = arith.constant 32 : i32
      %xor3A = arith.constant 1 : i32
      %xor3A_159 = vector.broadcast %xor3A : i32 to vector<16xi32>
      %xor3A_160 = arith.xori %iota3A, %xor3A_159 : vector<16xi32>
      %broadcast_in_dim3A_161 = vector.shape_cast %xor3A_160 : vector<16xi32> to vector<16x1xi32>
      %gather3A = vector.shape_cast %broadcast_in_dim3A_161 : vector<16x1xi32> to vector<16xi32>
      %gather3A_162 = tpu.dynamic_gather %scan3A_157#0[%gather3A] in [0] : vector<16xf32>, vector<16xi32> -> vector<16xf32>
      %max3A = arith.maximumf %scan3A_157#0, %gather3A_162 : vector<16xf32>
      %xor3A_163 = arith.constant 2 : i32
      %xor3A_164 = vector.broadcast %xor3A_163 : i32 to vector<16xi32>
      %xor3A_165 = arith.xori %iota3A, %xor3A_164 : vector<16xi32>
      %broadcast_in_dim3A_166 = vector.shape_cast %xor3A_165 : vector<16xi32> to vector<16x1xi32>
      %gather3A_167 = vector.shape_cast %broadcast_in_dim3A_166 : vector<16x1xi32> to vector<16xi32>
      %gather3A_168 = tpu.dynamic_gather %max3A[%gather3A_167] in [0] : vector<16xf32>, vector<16xi32> -> vector<16xf32>
      %max3A_169 = arith.maximumf %max3A, %gather3A_168 : vector<16xf32>
      %xor3A_170 = arith.constant 4 : i32
      %xor3A_171 = vector.broadcast %xor3A_170 : i32 to vector<16xi32>
      %xor3A_172 = arith.xori %iota3A, %xor3A_171 : vector<16xi32>
      %broadcast_in_dim3A_173 = vector.shape_cast %xor3A_172 : vector<16xi32> to vector<16x1xi32>
      %gather3A_174 = vector.shape_cast %broadcast_in_dim3A_173 : vector<16x1xi32> to vector<16xi32>
      %gather3A_175 = tpu.dynamic_gather %max3A_169[%gather3A_174] in [0] : vector<16xf32>, vector<16xi32> -> vector<16xf32>
      %max3A_176 = arith.maximumf %max3A_169, %gather3A_175 : vector<16xf32>
      %xor3A_177 = arith.constant 8 : i32
      %xor3A_178 = vector.broadcast %xor3A_177 : i32 to vector<16xi32>
      %xor3A_179 = arith.xori %iota3A, %xor3A_178 : vector<16xi32>
      %broadcast_in_dim3A_180 = vector.shape_cast %xor3A_179 : vector<16xi32> to vector<16x1xi32>
      %gather3A_181 = vector.shape_cast %broadcast_in_dim3A_180 : vector<16x1xi32> to vector<16xi32>
      %gather3A_182 = tpu.dynamic_gather %max3A_176[%gather3A_181] in [0] : vector<16xf32>, vector<16xi32> -> vector<16xf32>
      %max3A_183 = arith.maximumf %max3A_176, %gather3A_182 : vector<16xf32>
      %eq3A_184 = arith.cmpf oeq, %scan3A_157#0, %max3A_183 : vector<16xf32>
      %jit3A = arith.constant 1073741824 : i32
      %broadcast_in_dim3A_185 = vector.broadcast %jit3A : i32 to vector<16xi32>
      %select_n3A = arith.select %eq3A_184, %scan3A_157#1, %broadcast_in_dim3A_185 : vector<16xi1>, vector<16xi32>
      %xor3A_186 = arith.constant 1 : i32
      %xor3A_187 = vector.broadcast %xor3A_186 : i32 to vector<16xi32>
      %xor3A_188 = arith.xori %iota3A, %xor3A_187 : vector<16xi32>
      %broadcast_in_dim3A_189 = vector.shape_cast %xor3A_188 : vector<16xi32> to vector<16x1xi32>
      %gather3A_190 = vector.shape_cast %broadcast_in_dim3A_189 : vector<16x1xi32> to vector<16xi32>
      %gather3A_191 = tpu.dynamic_gather %select_n3A[%gather3A_190] in [0] : vector<16xi32>, vector<16xi32> -> vector<16xi32>
      %min3A = arith.minsi %select_n3A, %gather3A_191 : vector<16xi32>
      %xor3A_192 = arith.constant 2 : i32
      %xor3A_193 = vector.broadcast %xor3A_192 : i32 to vector<16xi32>
      %xor3A_194 = arith.xori %iota3A, %xor3A_193 : vector<16xi32>
      %broadcast_in_dim3A_195 = vector.shape_cast %xor3A_194 : vector<16xi32> to vector<16x1xi32>
      %gather3A_196 = vector.shape_cast %broadcast_in_dim3A_195 : vector<16x1xi32> to vector<16xi32>
      %gather3A_197 = tpu.dynamic_gather %min3A[%gather3A_196] in [0] : vector<16xi32>, vector<16xi32> -> vector<16xi32>
      %min3A_198 = arith.minsi %min3A, %gather3A_197 : vector<16xi32>
      %xor3A_199 = arith.constant 4 : i32
      %xor3A_200 = vector.broadcast %xor3A_199 : i32 to vector<16xi32>
      %xor3A_201 = arith.xori %iota3A, %xor3A_200 : vector<16xi32>
      %broadcast_in_dim3A_202 = vector.shape_cast %xor3A_201 : vector<16xi32> to vector<16x1xi32>
      %gather3A_203 = vector.shape_cast %broadcast_in_dim3A_202 : vector<16x1xi32> to vector<16xi32>
      %gather3A_204 = tpu.dynamic_gather %min3A_198[%gather3A_203] in [0] : vector<16xi32>, vector<16xi32> -> vector<16xi32>
      %min3A_205 = arith.minsi %min3A_198, %gather3A_204 : vector<16xi32>
      %xor3A_206 = arith.constant 8 : i32
      %xor3A_207 = vector.broadcast %xor3A_206 : i32 to vector<16xi32>
      %xor3A_208 = arith.xori %iota3A, %xor3A_207 : vector<16xi32>
      %broadcast_in_dim3A_209 = vector.shape_cast %xor3A_208 : vector<16xi32> to vector<16x1xi32>
      %gather3A_210 = vector.shape_cast %broadcast_in_dim3A_209 : vector<16x1xi32> to vector<16xi32>
      %gather3A_211 = tpu.dynamic_gather %min3A_205[%gather3A_210] in [0] : vector<16xi32>, vector<16xi32> -> vector<16xi32>
      %min3A_212 = arith.minsi %min3A_205, %gather3A_211 : vector<16xi32>
      %add3A_213 = vector.broadcast %scan3A_149 : i32 to vector<16xi32>
      %add3A_214 = arith.addi %broadcast_in_dim3A_7, %add3A_213 : vector<16xi32>
      %mul3A_215 = arith.constant 512 : i32
      %mul3A_216 = vector.broadcast %mul3A_215 : i32 to vector<16xi32>
      %mul3A_217 = arith.muli %add3A_25, %mul3A_216 : vector<16xi32>
      %add3A_218 = arith.addi %mul3A_217, %min3A_212 : vector<16xi32>
      %broadcast_in_dim3A_219 = arith.constant -2.000000e+00 : f32
      %broadcast_in_dim3A_220 = vector.broadcast %broadcast_in_dim3A_219 : f32 to vector<16xf32>
      tpu.vector_store_idx %arg6[%add3A_218], %broadcast_in_dim3A_220 masked %eq3A_6 : memref<4096xf32, #tpu.memory_space<vmem>>[vector<16xi32>], vector<16xf32>, vector<16xi1>
      tpu.vector_store_idx %arg7[%add3A_25, %add3A_214], %min3A_212 masked %eq3A_6 : memref<8x40xi32, #tpu.memory_space<vmem>>[vector<16xi32>, vector<16xi32>], vector<16xi32>, vector<16xi1>
      %add3A_221 = arith.constant 1 : i32
      %add3A_222 = arith.addi %mul3A_2, %add3A_221 : i32
      %mul3A_223 = arith.constant 512 : i32
      %mul3A_224 = arith.muli %add3A_222, %mul3A_223 : i32
      %add3A_225 = vector.broadcast %mul3A_224 : i32 to vector<16xi32>
      %add3A_226 = arith.addi %add3A_225, %min3A_212 : vector<16xi32>
      tpu.vector_store_idx %arg8[%add3A_214], %add3A_226 masked %eq3A_6 : memref<40xi32, #tpu.memory_space<vmem>>[vector<16xi32>], vector<16xi32>, vector<16xi1>
      %scan3A_227 = arith.constant 0 : i32
      scf.yield %scan3A_227 : i32
    }
    %scan3A_32 = arith.constant 40 : i32
    %dma_start3A_33 = arith.constant 0 : i32
    %dma_start3A_34 = arith.constant 0 : i32
    %dma_start3A_35 = tpu.memref_slice %arg3[%dma_start3A_33, %dma_start3A_34] : memref<131072x768xf32, #tpu.memory_space<hbm>> -> memref<131072x768xf32, #tpu.memory_space<hbm>>
    tpu.enqueue_indirect_dma source(%dma_start3A_35 : memref<131072x768xf32, #tpu.memory_space<hbm>>) target(%arg9 : memref<40x768xf32, #tpu.memory_space<vmem>>) offsets(%arg8 : memref<40xi32, #tpu.memory_space<vmem>>) semaphore(%arg10 : memref<!tpu.dma_semaphore, #tpu.memory_space<semaphore_mem>>)
    %dma_wait3A_36 = arith.constant 0 : i32
    %dma_wait3A_37 = arith.constant 0 : i32
    %dma_wait3A_38 = tpu.memref_slice %arg3[%dma_wait3A_36, %dma_wait3A_37] : memref<131072x768xf32, #tpu.memory_space<hbm>> -> memref<131072x768xf32, #tpu.memory_space<hbm>>
    tpu.wait_indirect_dma semaphore(%arg10 : memref<!tpu.dma_semaphore, #tpu.memory_space<semaphore_mem>>) src(%dma_wait3A_38 : memref<131072x768xf32, #tpu.memory_space<hbm>>) dst(%arg9 : memref<40x768xf32, #tpu.memory_space<vmem>>)
    %add3A_39 = arith.constant 1 : i32
    %add3A_40 = arith.addi %mul3A_2, %add3A_39 : i32
    "tpu.region"() ({
      %run_scoped3A = tpu.sem_alloc : memref<!tpu.dma_semaphore, #tpu.memory_space<semaphore_mem>>
      %dma_start3A_149 = arith.constant 0 : i32
      %dma_start3A_150 = arith.constant 0 : i32
      %dma_start3A_151 = tpu.memref_slice %arg5[%add3A_40, %dma_start3A_149, %dma_start3A_150] : memref<256x40x768xf32, #tpu.memory_space<hbm>> -> memref<1x40x768xf32, #tpu.memory_space<hbm>>
      %dma_start3A_152 = tpu.memref_squeeze %dma_start3A_151 : memref<1x40x768xf32, #tpu.memory_space<hbm>> -> memref<40x768xf32, #tpu.memory_space<hbm>>
      %dma_start3A_153 = arith.constant 0 : i32
      %dma_start3A_154 = arith.constant 0 : i32
      %dma_start3A_155 = tpu.memref_slice %arg5[%add3A_40, %dma_start3A_153, %dma_start3A_154] : memref<256x40x768xf32, #tpu.memory_space<hbm>> -> memref<1x40x768xf32, #tpu.memory_space<hbm>>
      %dma_start3A_156 = tpu.memref_squeeze %dma_start3A_155 : memref<1x40x768xf32, #tpu.memory_space<hbm>> -> memref<40x768xf32, #tpu.memory_space<hbm>>
      tpu.enqueue_dma source(%arg9 : memref<40x768xf32, #tpu.memory_space<vmem>>) target(%dma_start3A_156 : memref<40x768xf32, #tpu.memory_space<hbm>>) target_semaphore(%run_scoped3A : memref<!tpu.dma_semaphore, #tpu.memory_space<semaphore_mem>>)
      %dma_wait3A_157 = arith.constant 0 : i32
      %dma_wait3A_158 = arith.constant 0 : i32
      %dma_wait3A_159 = tpu.memref_slice %arg5[%add3A_40, %dma_wait3A_157, %dma_wait3A_158] : memref<256x40x768xf32, #tpu.memory_space<hbm>> -> memref<1x40x768xf32, #tpu.memory_space<hbm>>
      %dma_wait3A_160 = tpu.memref_squeeze %dma_wait3A_159 : memref<1x40x768xf32, #tpu.memory_space<hbm>> -> memref<40x768xf32, #tpu.memory_space<hbm>>
      %dma_wait3A_161 = arith.constant 0 : i32
      %dma_wait3A_162 = arith.constant 0 : i32
      %dma_wait3A_163 = tpu.memref_slice %arg5[%add3A_40, %dma_wait3A_161, %dma_wait3A_162] : memref<256x40x768xf32, #tpu.memory_space<hbm>> -> memref<1x40x768xf32, #tpu.memory_space<hbm>>
      %dma_wait3A_164 = tpu.memref_squeeze %dma_wait3A_163 : memref<1x40x768xf32, #tpu.memory_space<hbm>> -> memref<40x768xf32, #tpu.memory_space<hbm>>
      tpu.wait_dma2 semaphore(%run_scoped3A : memref<!tpu.dma_semaphore, #tpu.memory_space<semaphore_mem>>) src(%arg9 : memref<40x768xf32, #tpu.memory_space<vmem>>) dst(%dma_wait3A_164 : memref<40x768xf32, #tpu.memory_space<hbm>>)
      tpu.yield
    }) : () -> ()
    %add3A_41 = arith.constant 2 : i32
    %add3A_42 = vector.broadcast %add3A_41 : i32 to vector<16xi32>
    %add3A_43 = arith.addi %broadcast_in_dim3A_7, %add3A_42 : vector<16xi32>
    %scan3A_44 = arith.constant 0 : i32
    %scan3A_45 = arith.constant 0 : i32
    %scan3A_46 = arith.constant 40 : i32
    %scan3A_47 = arith.addi %scan3A_45, %scan3A_46 : i32
    %scan3A_48 = arith.constant 1 : i32
    %scan3A_49 = scf.for %scan3A_149 = %scan3A_45 to %scan3A_47 step %scan3A_48 iter_args(%scan3A_150 = %scan3A_44) -> (i32)  : i32 {
      %broadcast_in_dim3A_151 = arith.constant -2.000000e+00 : f32
      %broadcast_in_dim3A_152 = vector.broadcast %broadcast_in_dim3A_151 : f32 to vector<16xf32>
      %scan3A_153 = arith.constant 0 : i32
      %scan3A_154 = arith.constant 32 : i32
      %scan3A_155 = arith.addi %scan3A_153, %scan3A_154 : i32
      %scan3A_156 = arith.constant 1 : i32
      %scan3A_157:2 = scf.for %scan3A_228 = %scan3A_153 to %scan3A_155 step %scan3A_156 iter_args(%scan3A_229 = %broadcast_in_dim3A_152, %scan3A_230 = %broadcast_in_dim3A_7) -> (vector<16xf32>, vector<16xi32>)  : i32 {
        %mul3A_231 = arith.constant 16 : i32
        %mul3A_232 = arith.muli %scan3A_228, %mul3A_231 : i32
        %add3A_233 = arith.constant 1024 : i32
        %add3A_234 = arith.addi %add3A_233, %mul3A_232 : i32
        %get3A = arith.index_cast %add3A_234 : i32 to index
        %get3A_235 = tpu.vector_load %arg6[%get3A] {strides = array<i32>} : memref<4096xf32, #tpu.memory_space<vmem>>, vector<16xf32>,
        %mul3A_236 = arith.constant 16 : i32
        %mul3A_237 = arith.muli %scan3A_228, %mul3A_236 : i32
        %add3A_238 = vector.broadcast %mul3A_237 : i32 to vector<16xi32>
        %add3A_239 = arith.addi %add3A_238, %iota3A : vector<16xi32>
        %gt3A = arith.cmpf ogt, %get3A_235, %scan3A_229 : vector<16xf32>
        %select_n3A_240 = arith.select %gt3A, %get3A_235, %scan3A_229 : vector<16xi1>, vector<16xf32>
        %select_n3A_241 = arith.select %gt3A, %add3A_239, %scan3A_230 : vector<16xi1>, vector<16xi32>
        scf.yield %select_n3A_240, %select_n3A_241 : vector<16xf32>, vector<16xi32>
      }
      %scan3A_158 = arith.constant 32 : i32
      %xor3A = arith.constant 1 : i32
      %xor3A_159 = vector.broadcast %xor3A : i32 to vector<16xi32>
      %xor3A_160 = arith.xori %iota3A, %xor3A_159 : vector<16xi32>
      %broadcast_in_dim3A_161 = vector.shape_cast %xor3A_160 : vector<16xi32> to vector<16x1xi32>
      %gather3A = vector.shape_cast %broadcast_in_dim3A_161 : vector<16x1xi32> to vector<16xi32>
      %gather3A_162 = tpu.dynamic_gather %scan3A_157#0[%gather3A] in [0] : vector<16xf32>, vector<16xi32> -> vector<16xf32>
      %max3A = arith.maximumf %scan3A_157#0, %gather3A_162 : vector<16xf32>
      %xor3A_163 = arith.constant 2 : i32
      %xor3A_164 = vector.broadcast %xor3A_163 : i32 to vector<16xi32>
      %xor3A_165 = arith.xori %iota3A, %xor3A_164 : vector<16xi32>
      %broadcast_in_dim3A_166 = vector.shape_cast %xor3A_165 : vector<16xi32> to vector<16x1xi32>
      %gather3A_167 = vector.shape_cast %broadcast_in_dim3A_166 : vector<16x1xi32> to vector<16xi32>
      %gather3A_168 = tpu.dynamic_gather %max3A[%gather3A_167] in [0] : vector<16xf32>, vector<16xi32> -> vector<16xf32>
      %max3A_169 = arith.maximumf %max3A, %gather3A_168 : vector<16xf32>
      %xor3A_170 = arith.constant 4 : i32
      %xor3A_171 = vector.broadcast %xor3A_170 : i32 to vector<16xi32>
      %xor3A_172 = arith.xori %iota3A, %xor3A_171 : vector<16xi32>
      %broadcast_in_dim3A_173 = vector.shape_cast %xor3A_172 : vector<16xi32> to vector<16x1xi32>
      %gather3A_174 = vector.shape_cast %broadcast_in_dim3A_173 : vector<16x1xi32> to vector<16xi32>
      %gather3A_175 = tpu.dynamic_gather %max3A_169[%gather3A_174] in [0] : vector<16xf32>, vector<16xi32> -> vector<16xf32>
      %max3A_176 = arith.maximumf %max3A_169, %gather3A_175 : vector<16xf32>
      %xor3A_177 = arith.constant 8 : i32
      %xor3A_178 = vector.broadcast %xor3A_177 : i32 to vector<16xi32>
      %xor3A_179 = arith.xori %iota3A, %xor3A_178 : vector<16xi32>
      %broadcast_in_dim3A_180 = vector.shape_cast %xor3A_179 : vector<16xi32> to vector<16x1xi32>
      %gather3A_181 = vector.shape_cast %broadcast_in_dim3A_180 : vector<16x1xi32> to vector<16xi32>
      %gather3A_182 = tpu.dynamic_gather %max3A_176[%gather3A_181] in [0] : vector<16xf32>, vector<16xi32> -> vector<16xf32>
      %max3A_183 = arith.maximumf %max3A_176, %gather3A_182 : vector<16xf32>
      %eq3A_184 = arith.cmpf oeq, %scan3A_157#0, %max3A_183 : vector<16xf32>
      %jit3A = arith.constant 1073741824 : i32
      %broadcast_in_dim3A_185 = vector.broadcast %jit3A : i32 to vector<16xi32>
      %select_n3A = arith.select %eq3A_184, %scan3A_157#1, %broadcast_in_dim3A_185 : vector<16xi1>, vector<16xi32>
      %xor3A_186 = arith.constant 1 : i32
      %xor3A_187 = vector.broadcast %xor3A_186 : i32 to vector<16xi32>
      %xor3A_188 = arith.xori %iota3A, %xor3A_187 : vector<16xi32>
      %broadcast_in_dim3A_189 = vector.shape_cast %xor3A_188 : vector<16xi32> to vector<16x1xi32>
      %gather3A_190 = vector.shape_cast %broadcast_in_dim3A_189 : vector<16x1xi32> to vector<16xi32>
      %gather3A_191 = tpu.dynamic_gather %select_n3A[%gather3A_190] in [0] : vector<16xi32>, vector<16xi32> -> vector<16xi32>
      %min3A = arith.minsi %select_n3A, %gather3A_191 : vector<16xi32>
      %xor3A_192 = arith.constant 2 : i32
      %xor3A_193 = vector.broadcast %xor3A_192 : i32 to vector<16xi32>
      %xor3A_194 = arith.xori %iota3A, %xor3A_193 : vector<16xi32>
      %broadcast_in_dim3A_195 = vector.shape_cast %xor3A_194 : vector<16xi32> to vector<16x1xi32>
      %gather3A_196 = vector.shape_cast %broadcast_in_dim3A_195 : vector<16x1xi32> to vector<16xi32>
      %gather3A_197 = tpu.dynamic_gather %min3A[%gather3A_196] in [0] : vector<16xi32>, vector<16xi32> -> vector<16xi32>
      %min3A_198 = arith.minsi %min3A, %gather3A_197 : vector<16xi32>
      %xor3A_199 = arith.constant 4 : i32
      %xor3A_200 = vector.broadcast %xor3A_199 : i32 to vector<16xi32>
      %xor3A_201 = arith.xori %iota3A, %xor3A_200 : vector<16xi32>
      %broadcast_in_dim3A_202 = vector.shape_cast %xor3A_201 : vector<16xi32> to vector<16x1xi32>
      %gather3A_203 = vector.shape_cast %broadcast_in_dim3A_202 : vector<16x1xi32> to vector<16xi32>
      %gather3A_204 = tpu.dynamic_gather %min3A_198[%gather3A_203] in [0] : vector<16xi32>, vector<16xi32> -> vector<16xi32>
      %min3A_205 = arith.minsi %min3A_198, %gather3A_204 : vector<16xi32>
      %xor3A_206 = arith.constant 8 : i32
      %xor3A_207 = vector.broadcast %xor3A_206 : i32 to vector<16xi32>
      %xor3A_208 = arith.xori %iota3A, %xor3A_207 : vector<16xi32>
      %broadcast_in_dim3A_209 = vector.shape_cast %xor3A_208 : vector<16xi32> to vector<16x1xi32>
      %gather3A_210 = vector.shape_cast %broadcast_in_dim3A_209 : vector<16x1xi32> to vector<16xi32>
      %gather3A_211 = tpu.dynamic_gather %min3A_205[%gather3A_210] in [0] : vector<16xi32>, vector<16xi32> -> vector<16xi32>
      %min3A_212 = arith.minsi %min3A_205, %gather3A_211 : vector<16xi32>
      %add3A_213 = vector.broadcast %scan3A_149 : i32 to vector<16xi32>
      %add3A_214 = arith.addi %broadcast_in_dim3A_7, %add3A_213 : vector<16xi32>
      %mul3A_215 = arith.constant 512 : i32
      %mul3A_216 = vector.broadcast %mul3A_215 : i32 to vector<16xi32>
      %mul3A_217 = arith.muli %add3A_43, %mul3A_216 : vector<16xi32>
      %add3A_218 = arith.addi %mul3A_217, %min3A_212 : vector<16xi32>
      %broadcast_in_dim3A_219 = arith.constant -2.000000e+00 : f32
      %broadcast_in_dim3A_220 = vector.broadcast %broadcast_in_dim3A_219 : f32 to vector<16xf32>
      tpu.vector_store_idx %arg6[%add3A_218], %broadcast_in_dim3A_220 masked %eq3A_6 : memref<4096xf32, #tpu.memory_space<vmem>>[vector<16xi32>], vector<16xf32>, vector<16xi1>
      tpu.vector_store_idx %arg7[%add3A_43, %add3A_214], %min3A_212 masked %eq3A_6 : memref<8x40xi32, #tpu.memory_space<vmem>>[vector<16xi32>, vector<16xi32>], vector<16xi32>, vector<16xi1>
      %add3A_221 = arith.constant 2 : i32
      %add3A_222 = arith.addi %mul3A_2, %add3A_221 : i32
      %mul3A_223 = arith.constant 512 : i32
      %mul3A_224 = arith.muli %add3A_222, %mul3A_223 : i32
      %add3A_225 = vector.broadcast %mul3A_224 : i32 to vector<16xi32>
      %add3A_226 = arith.addi %add3A_225, %min3A_212 : vector<16xi32>
      tpu.vector_store_idx %arg8[%add3A_214], %add3A_226 masked %eq3A_6 : memref<40xi32, #tpu.memory_space<vmem>>[vector<16xi32>], vector<16xi32>, vector<16xi1>
      %scan3A_227 = arith.constant 0 : i32
      scf.yield %scan3A_227 : i32
    }
    %scan3A_50 = arith.constant 40 : i32
    %dma_start3A_51 = arith.constant 0 : i32
    %dma_start3A_52 = arith.constant 0 : i32
    %dma_start3A_53 = tpu.memref_slice %arg3[%dma_start3A_51, %dma_start3A_52] : memref<131072x768xf32, #tpu.memory_space<hbm>> -> memref<131072x768xf32, #tpu.memory_space<hbm>>
    tpu.enqueue_indirect_dma source(%dma_start3A_53 : memref<131072x768xf32, #tpu.memory_space<hbm>>) target(%arg9 : memref<40x768xf32, #tpu.memory_space<vmem>>) offsets(%arg8 : memref<40xi32, #tpu.memory_space<vmem>>) semaphore(%arg10 : memref<!tpu.dma_semaphore, #tpu.memory_space<semaphore_mem>>)
    %dma_wait3A_54 = arith.constant 0 : i32
    %dma_wait3A_55 = arith.constant 0 : i32
    %dma_wait3A_56 = tpu.memref_slice %arg3[%dma_wait3A_54, %dma_wait3A_55] : memref<131072x768xf32, #tpu.memory_space<hbm>> -> memref<131072x768xf32, #tpu.memory_space<hbm>>
    tpu.wait_indirect_dma semaphore(%arg10 : memref<!tpu.dma_semaphore, #tpu.memory_space<semaphore_mem>>) src(%dma_wait3A_56 : memref<131072x768xf32, #tpu.memory_space<hbm>>) dst(%arg9 : memref<40x768xf32, #tpu.memory_space<vmem>>)
    %add3A_57 = arith.constant 2 : i32
    %add3A_58 = arith.addi %mul3A_2, %add3A_57 : i32
    "tpu.region"() ({
      %run_scoped3A = tpu.sem_alloc : memref<!tpu.dma_semaphore, #tpu.memory_space<semaphore_mem>>
      %dma_start3A_149 = arith.constant 0 : i32
      %dma_start3A_150 = arith.constant 0 : i32
      %dma_start3A_151 = tpu.memref_slice %arg5[%add3A_58, %dma_start3A_149, %dma_start3A_150] : memref<256x40x768xf32, #tpu.memory_space<hbm>> -> memref<1x40x768xf32, #tpu.memory_space<hbm>>
      %dma_start3A_152 = tpu.memref_squeeze %dma_start3A_151 : memref<1x40x768xf32, #tpu.memory_space<hbm>> -> memref<40x768xf32, #tpu.memory_space<hbm>>
      %dma_start3A_153 = arith.constant 0 : i32
      %dma_start3A_154 = arith.constant 0 : i32
      %dma_start3A_155 = tpu.memref_slice %arg5[%add3A_58, %dma_start3A_153, %dma_start3A_154] : memref<256x40x768xf32, #tpu.memory_space<hbm>> -> memref<1x40x768xf32, #tpu.memory_space<hbm>>
      %dma_start3A_156 = tpu.memref_squeeze %dma_start3A_155 : memref<1x40x768xf32, #tpu.memory_space<hbm>> -> memref<40x768xf32, #tpu.memory_space<hbm>>
      tpu.enqueue_dma source(%arg9 : memref<40x768xf32, #tpu.memory_space<vmem>>) target(%dma_start3A_156 : memref<40x768xf32, #tpu.memory_space<hbm>>) target_semaphore(%run_scoped3A : memref<!tpu.dma_semaphore, #tpu.memory_space<semaphore_mem>>)
      %dma_wait3A_157 = arith.constant 0 : i32
      %dma_wait3A_158 = arith.constant 0 : i32
      %dma_wait3A_159 = tpu.memref_slice %arg5[%add3A_58, %dma_wait3A_157, %dma_wait3A_158] : memref<256x40x768xf32, #tpu.memory_space<hbm>> -> memref<1x40x768xf32, #tpu.memory_space<hbm>>
      %dma_wait3A_160 = tpu.memref_squeeze %dma_wait3A_159 : memref<1x40x768xf32, #tpu.memory_space<hbm>> -> memref<40x768xf32, #tpu.memory_space<hbm>>
      %dma_wait3A_161 = arith.constant 0 : i32
      %dma_wait3A_162 = arith.constant 0 : i32
      %dma_wait3A_163 = tpu.memref_slice %arg5[%add3A_58, %dma_wait3A_161, %dma_wait3A_162] : memref<256x40x768xf32, #tpu.memory_space<hbm>> -> memref<1x40x768xf32, #tpu.memory_space<hbm>>
      %dma_wait3A_164 = tpu.memref_squeeze %dma_wait3A_163 : memref<1x40x768xf32, #tpu.memory_space<hbm>> -> memref<40x768xf32, #tpu.memory_space<hbm>>
      tpu.wait_dma2 semaphore(%run_scoped3A : memref<!tpu.dma_semaphore, #tpu.memory_space<semaphore_mem>>) src(%arg9 : memref<40x768xf32, #tpu.memory_space<vmem>>) dst(%dma_wait3A_164 : memref<40x768xf32, #tpu.memory_space<hbm>>)
      tpu.yield
    }) : () -> ()
    %add3A_59 = arith.constant 3 : i32
    %add3A_60 = vector.broadcast %add3A_59 : i32 to vector<16xi32>
    %add3A_61 = arith.addi %broadcast_in_dim3A_7, %add3A_60 : vector<16xi32>
    %scan3A_62 = arith.constant 0 : i32
    %scan3A_63 = arith.constant 0 : i32
    %scan3A_64 = arith.constant 40 : i32
    %scan3A_65 = arith.addi %scan3A_63, %scan3A_64 : i32
    %scan3A_66 = arith.constant 1 : i32
    %scan3A_67 = scf.for %scan3A_149 = %scan3A_63 to %scan3A_65 step %scan3A_66 iter_args(%scan3A_150 = %scan3A_62) -> (i32)  : i32 {
      %broadcast_in_dim3A_151 = arith.constant -2.000000e+00 : f32
      %broadcast_in_dim3A_152 = vector.broadcast %broadcast_in_dim3A_151 : f32 to vector<16xf32>
      %scan3A_153 = arith.constant 0 : i32
      %scan3A_154 = arith.constant 32 : i32
      %scan3A_155 = arith.addi %scan3A_153, %scan3A_154 : i32
      %scan3A_156 = arith.constant 1 : i32
      %scan3A_157:2 = scf.for %scan3A_228 = %scan3A_153 to %scan3A_155 step %scan3A_156 iter_args(%scan3A_229 = %broadcast_in_dim3A_152, %scan3A_230 = %broadcast_in_dim3A_7) -> (vector<16xf32>, vector<16xi32>)  : i32 {
        %mul3A_231 = arith.constant 16 : i32
        %mul3A_232 = arith.muli %scan3A_228, %mul3A_231 : i32
        %add3A_233 = arith.constant 1536 : i32
        %add3A_234 = arith.addi %add3A_233, %mul3A_232 : i32
        %get3A = arith.index_cast %add3A_234 : i32 to index
        %get3A_235 = tpu.vector_load %arg6[%get3A] {strides = array<i32>} : memref<4096xf32, #tpu.memory_space<vmem>>, vector<16xf32>,
        %mul3A_236 = arith.constant 16 : i32
        %mul3A_237 = arith.muli %scan3A_228, %mul3A_236 : i32
        %add3A_238 = vector.broadcast %mul3A_237 : i32 to vector<16xi32>
        %add3A_239 = arith.addi %add3A_238, %iota3A : vector<16xi32>
        %gt3A = arith.cmpf ogt, %get3A_235, %scan3A_229 : vector<16xf32>
        %select_n3A_240 = arith.select %gt3A, %get3A_235, %scan3A_229 : vector<16xi1>, vector<16xf32>
        %select_n3A_241 = arith.select %gt3A, %add3A_239, %scan3A_230 : vector<16xi1>, vector<16xi32>
        scf.yield %select_n3A_240, %select_n3A_241 : vector<16xf32>, vector<16xi32>
      }
      %scan3A_158 = arith.constant 32 : i32
      %xor3A = arith.constant 1 : i32
      %xor3A_159 = vector.broadcast %xor3A : i32 to vector<16xi32>
      %xor3A_160 = arith.xori %iota3A, %xor3A_159 : vector<16xi32>
      %broadcast_in_dim3A_161 = vector.shape_cast %xor3A_160 : vector<16xi32> to vector<16x1xi32>
      %gather3A = vector.shape_cast %broadcast_in_dim3A_161 : vector<16x1xi32> to vector<16xi32>
      %gather3A_162 = tpu.dynamic_gather %scan3A_157#0[%gather3A] in [0] : vector<16xf32>, vector<16xi32> -> vector<16xf32>
      %max3A = arith.maximumf %scan3A_157#0, %gather3A_162 : vector<16xf32>
      %xor3A_163 = arith.constant 2 : i32
      %xor3A_164 = vector.broadcast %xor3A_163 : i32 to vector<16xi32>
      %xor3A_165 = arith.xori %iota3A, %xor3A_164 : vector<16xi32>
      %broadcast_in_dim3A_166 = vector.shape_cast %xor3A_165 : vector<16xi32> to vector<16x1xi32>
      %gather3A_167 = vector.shape_cast %broadcast_in_dim3A_166 : vector<16x1xi32> to vector<16xi32>
      %gather3A_168 = tpu.dynamic_gather %max3A[%gather3A_167] in [0] : vector<16xf32>, vector<16xi32> -> vector<16xf32>
      %max3A_169 = arith.maximumf %max3A, %gather3A_168 : vector<16xf32>
      %xor3A_170 = arith.constant 4 : i32
      %xor3A_171 = vector.broadcast %xor3A_170 : i32 to vector<16xi32>
      %xor3A_172 = arith.xori %iota3A, %xor3A_171 : vector<16xi32>
      %broadcast_in_dim3A_173 = vector.shape_cast %xor3A_172 : vector<16xi32> to vector<16x1xi32>
      %gather3A_174 = vector.shape_cast %broadcast_in_dim3A_173 : vector<16x1xi32> to vector<16xi32>
      %gather3A_175 = tpu.dynamic_gather %max3A_169[%gather3A_174] in [0] : vector<16xf32>, vector<16xi32> -> vector<16xf32>
      %max3A_176 = arith.maximumf %max3A_169, %gather3A_175 : vector<16xf32>
      %xor3A_177 = arith.constant 8 : i32
      %xor3A_178 = vector.broadcast %xor3A_177 : i32 to vector<16xi32>
      %xor3A_179 = arith.xori %iota3A, %xor3A_178 : vector<16xi32>
      %broadcast_in_dim3A_180 = vector.shape_cast %xor3A_179 : vector<16xi32> to vector<16x1xi32>
      %gather3A_181 = vector.shape_cast %broadcast_in_dim3A_180 : vector<16x1xi32> to vector<16xi32>
      %gather3A_182 = tpu.dynamic_gather %max3A_176[%gather3A_181] in [0] : vector<16xf32>, vector<16xi32> -> vector<16xf32>
      %max3A_183 = arith.maximumf %max3A_176, %gather3A_182 : vector<16xf32>
      %eq3A_184 = arith.cmpf oeq, %scan3A_157#0, %max3A_183 : vector<16xf32>
      %jit3A = arith.constant 1073741824 : i32
      %broadcast_in_dim3A_185 = vector.broadcast %jit3A : i32 to vector<16xi32>
      %select_n3A = arith.select %eq3A_184, %scan3A_157#1, %broadcast_in_dim3A_185 : vector<16xi1>, vector<16xi32>
      %xor3A_186 = arith.constant 1 : i32
      %xor3A_187 = vector.broadcast %xor3A_186 : i32 to vector<16xi32>
      %xor3A_188 = arith.xori %iota3A, %xor3A_187 : vector<16xi32>
      %broadcast_in_dim3A_189 = vector.shape_cast %xor3A_188 : vector<16xi32> to vector<16x1xi32>
      %gather3A_190 = vector.shape_cast %broadcast_in_dim3A_189 : vector<16x1xi32> to vector<16xi32>
      %gather3A_191 = tpu.dynamic_gather %select_n3A[%gather3A_190] in [0] : vector<16xi32>, vector<16xi32> -> vector<16xi32>
      %min3A = arith.minsi %select_n3A, %gather3A_191 : vector<16xi32>
      %xor3A_192 = arith.constant 2 : i32
      %xor3A_193 = vector.broadcast %xor3A_192 : i32 to vector<16xi32>
      %xor3A_194 = arith.xori %iota3A, %xor3A_193 : vector<16xi32>
      %broadcast_in_dim3A_195 = vector.shape_cast %xor3A_194 : vector<16xi32> to vector<16x1xi32>
      %gather3A_196 = vector.shape_cast %broadcast_in_dim3A_195 : vector<16x1xi32> to vector<16xi32>
      %gather3A_197 = tpu.dynamic_gather %min3A[%gather3A_196] in [0] : vector<16xi32>, vector<16xi32> -> vector<16xi32>
      %min3A_198 = arith.minsi %min3A, %gather3A_197 : vector<16xi32>
      %xor3A_199 = arith.constant 4 : i32
      %xor3A_200 = vector.broadcast %xor3A_199 : i32 to vector<16xi32>
      %xor3A_201 = arith.xori %iota3A, %xor3A_200 : vector<16xi32>
      %broadcast_in_dim3A_202 = vector.shape_cast %xor3A_201 : vector<16xi32> to vector<16x1xi32>
      %gather3A_203 = vector.shape_cast %broadcast_in_dim3A_202 : vector<16x1xi32> to vector<16xi32>
      %gather3A_204 = tpu.dynamic_gather %min3A_198[%gather3A_203] in [0] : vector<16xi32>, vector<16xi32> -> vector<16xi32>
      %min3A_205 = arith.minsi %min3A_198, %gather3A_204 : vector<16xi32>
      %xor3A_206 = arith.constant 8 : i32
      %xor3A_207 = vector.broadcast %xor3A_206 : i32 to vector<16xi32>
      %xor3A_208 = arith.xori %iota3A, %xor3A_207 : vector<16xi32>
      %broadcast_in_dim3A_209 = vector.shape_cast %xor3A_208 : vector<16xi32> to vector<16x1xi32>
      %gather3A_210 = vector.shape_cast %broadcast_in_dim3A_209 : vector<16x1xi32> to vector<16xi32>
      %gather3A_211 = tpu.dynamic_gather %min3A_205[%gather3A_210] in [0] : vector<16xi32>, vector<16xi32> -> vector<16xi32>
      %min3A_212 = arith.minsi %min3A_205, %gather3A_211 : vector<16xi32>
      %add3A_213 = vector.broadcast %scan3A_149 : i32 to vector<16xi32>
      %add3A_214 = arith.addi %broadcast_in_dim3A_7, %add3A_213 : vector<16xi32>
      %mul3A_215 = arith.constant 512 : i32
      %mul3A_216 = vector.broadcast %mul3A_215 : i32 to vector<16xi32>
      %mul3A_217 = arith.muli %add3A_61, %mul3A_216 : vector<16xi32>
      %add3A_218 = arith.addi %mul3A_217, %min3A_212 : vector<16xi32>
      %broadcast_in_dim3A_219 = arith.constant -2.000000e+00 : f32
      %broadcast_in_dim3A_220 = vector.broadcast %broadcast_in_dim3A_219 : f32 to vector<16xf32>
      tpu.vector_store_idx %arg6[%add3A_218], %broadcast_in_dim3A_220 masked %eq3A_6 : memref<4096xf32, #tpu.memory_space<vmem>>[vector<16xi32>], vector<16xf32>, vector<16xi1>
      tpu.vector_store_idx %arg7[%add3A_61, %add3A_214], %min3A_212 masked %eq3A_6 : memref<8x40xi32, #tpu.memory_space<vmem>>[vector<16xi32>, vector<16xi32>], vector<16xi32>, vector<16xi1>
      %add3A_221 = arith.constant 3 : i32
      %add3A_222 = arith.addi %mul3A_2, %add3A_221 : i32
      %mul3A_223 = arith.constant 512 : i32
      %mul3A_224 = arith.muli %add3A_222, %mul3A_223 : i32
      %add3A_225 = vector.broadcast %mul3A_224 : i32 to vector<16xi32>
      %add3A_226 = arith.addi %add3A_225, %min3A_212 : vector<16xi32>
      tpu.vector_store_idx %arg8[%add3A_214], %add3A_226 masked %eq3A_6 : memref<40xi32, #tpu.memory_space<vmem>>[vector<16xi32>], vector<16xi32>, vector<16xi1>
      %scan3A_227 = arith.constant 0 : i32
      scf.yield %scan3A_227 : i32
    }
    %scan3A_68 = arith.constant 40 : i32
    %dma_start3A_69 = arith.constant 0 : i32
    %dma_start3A_70 = arith.constant 0 : i32
    %dma_start3A_71 = tpu.memref_slice %arg3[%dma_start3A_69, %dma_start3A_70] : memref<131072x768xf32, #tpu.memory_space<hbm>> -> memref<131072x768xf32, #tpu.memory_space<hbm>>
    tpu.enqueue_indirect_dma source(%dma_start3A_71 : memref<131072x768xf32, #tpu.memory_space<hbm>>) target(%arg9 : memref<40x768xf32, #tpu.memory_space<vmem>>) offsets(%arg8 : memref<40xi32, #tpu.memory_space<vmem>>) semaphore(%arg10 : memref<!tpu.dma_semaphore, #tpu.memory_space<semaphore_mem>>)
    %dma_wait3A_72 = arith.constant 0 : i32
    %dma_wait3A_73 = arith.constant 0 : i32
    %dma_wait3A_74 = tpu.memref_slice %arg3[%dma_wait3A_72, %dma_wait3A_73] : memref<131072x768xf32, #tpu.memory_space<hbm>> -> memref<131072x768xf32, #tpu.memory_space<hbm>>
    tpu.wait_indirect_dma semaphore(%arg10 : memref<!tpu.dma_semaphore, #tpu.memory_space<semaphore_mem>>) src(%dma_wait3A_74 : memref<131072x768xf32, #tpu.memory_space<hbm>>) dst(%arg9 : memref<40x768xf32, #tpu.memory_space<vmem>>)
    %add3A_75 = arith.constant 3 : i32
    %add3A_76 = arith.addi %mul3A_2, %add3A_75 : i32
    "tpu.region"() ({
      %run_scoped3A = tpu.sem_alloc : memref<!tpu.dma_semaphore, #tpu.memory_space<semaphore_mem>>
      %dma_start3A_149 = arith.constant 0 : i32
      %dma_start3A_150 = arith.constant 0 : i32
      %dma_start3A_151 = tpu.memref_slice %arg5[%add3A_76, %dma_start3A_149, %dma_start3A_150] : memref<256x40x768xf32, #tpu.memory_space<hbm>> -> memref<1x40x768xf32, #tpu.memory_space<hbm>>
      %dma_start3A_152 = tpu.memref_squeeze %dma_start3A_151 : memref<1x40x768xf32, #tpu.memory_space<hbm>> -> memref<40x768xf32, #tpu.memory_space<hbm>>
      %dma_start3A_153 = arith.constant 0 : i32
      %dma_start3A_154 = arith.constant 0 : i32
      %dma_start3A_155 = tpu.memref_slice %arg5[%add3A_76, %dma_start3A_153, %dma_start3A_154] : memref<256x40x768xf32, #tpu.memory_space<hbm>> -> memref<1x40x768xf32, #tpu.memory_space<hbm>>
      %dma_start3A_156 = tpu.memref_squeeze %dma_start3A_155 : memref<1x40x768xf32, #tpu.memory_space<hbm>> -> memref<40x768xf32, #tpu.memory_space<hbm>>
      tpu.enqueue_dma source(%arg9 : memref<40x768xf32, #tpu.memory_space<vmem>>) target(%dma_start3A_156 : memref<40x768xf32, #tpu.memory_space<hbm>>) target_semaphore(%run_scoped3A : memref<!tpu.dma_semaphore, #tpu.memory_space<semaphore_mem>>)
      %dma_wait3A_157 = arith.constant 0 : i32
      %dma_wait3A_158 = arith.constant 0 : i32
      %dma_wait3A_159 = tpu.memref_slice %arg5[%add3A_76, %dma_wait3A_157, %dma_wait3A_158] : memref<256x40x768xf32, #tpu.memory_space<hbm>> -> memref<1x40x768xf32, #tpu.memory_space<hbm>>
      %dma_wait3A_160 = tpu.memref_squeeze %dma_wait3A_159 : memref<1x40x768xf32, #tpu.memory_space<hbm>> -> memref<40x768xf32, #tpu.memory_space<hbm>>
      %dma_wait3A_161 = arith.constant 0 : i32
      %dma_wait3A_162 = arith.constant 0 : i32
      %dma_wait3A_163 = tpu.memref_slice %arg5[%add3A_76, %dma_wait3A_161, %dma_wait3A_162] : memref<256x40x768xf32, #tpu.memory_space<hbm>> -> memref<1x40x768xf32, #tpu.memory_space<hbm>>
      %dma_wait3A_164 = tpu.memref_squeeze %dma_wait3A_163 : memref<1x40x768xf32, #tpu.memory_space<hbm>> -> memref<40x768xf32, #tpu.memory_space<hbm>>
      tpu.wait_dma2 semaphore(%run_scoped3A : memref<!tpu.dma_semaphore, #tpu.memory_space<semaphore_mem>>) src(%arg9 : memref<40x768xf32, #tpu.memory_space<vmem>>) dst(%dma_wait3A_164 : memref<40x768xf32, #tpu.memory_space<hbm>>)
      tpu.yield
    }) : () -> ()
    %add3A_77 = arith.constant 4 : i32
    %add3A_78 = vector.broadcast %add3A_77 : i32 to vector<16xi32>
    %add3A_79 = arith.addi %broadcast_in_dim3A_7, %add3A_78 : vector<16xi32>
    %scan3A_80 = arith.constant 0 : i32
    %scan3A_81 = arith.constant 0 : i32
    %scan3A_82 = arith.constant 40 : i32
    %scan3A_83 = arith.addi %scan3A_81, %scan3A_82 : i32
    %scan3A_84 = arith.constant 1 : i32
    %scan3A_85 = scf.for %scan3A_149 = %scan3A_81 to %scan3A_83 step %scan3A_84 iter_args(%scan3A_150 = %scan3A_80) -> (i32)  : i32 {
      %broadcast_in_dim3A_151 = arith.constant -2.000000e+00 : f32
      %broadcast_in_dim3A_152 = vector.broadcast %broadcast_in_dim3A_151 : f32 to vector<16xf32>
      %scan3A_153 = arith.constant 0 : i32
      %scan3A_154 = arith.constant 32 : i32
      %scan3A_155 = arith.addi %scan3A_153, %scan3A_154 : i32
      %scan3A_156 = arith.constant 1 : i32
      %scan3A_157:2 = scf.for %scan3A_228 = %scan3A_153 to %scan3A_155 step %scan3A_156 iter_args(%scan3A_229 = %broadcast_in_dim3A_152, %scan3A_230 = %broadcast_in_dim3A_7) -> (vector<16xf32>, vector<16xi32>)  : i32 {
        %mul3A_231 = arith.constant 16 : i32
        %mul3A_232 = arith.muli %scan3A_228, %mul3A_231 : i32
        %add3A_233 = arith.constant 2048 : i32
        %add3A_234 = arith.addi %add3A_233, %mul3A_232 : i32
        %get3A = arith.index_cast %add3A_234 : i32 to index
        %get3A_235 = tpu.vector_load %arg6[%get3A] {strides = array<i32>} : memref<4096xf32, #tpu.memory_space<vmem>>, vector<16xf32>,
        %mul3A_236 = arith.constant 16 : i32
        %mul3A_237 = arith.muli %scan3A_228, %mul3A_236 : i32
        %add3A_238 = vector.broadcast %mul3A_237 : i32 to vector<16xi32>
        %add3A_239 = arith.addi %add3A_238, %iota3A : vector<16xi32>
        %gt3A = arith.cmpf ogt, %get3A_235, %scan3A_229 : vector<16xf32>
        %select_n3A_240 = arith.select %gt3A, %get3A_235, %scan3A_229 : vector<16xi1>, vector<16xf32>
        %select_n3A_241 = arith.select %gt3A, %add3A_239, %scan3A_230 : vector<16xi1>, vector<16xi32>
        scf.yield %select_n3A_240, %select_n3A_241 : vector<16xf32>, vector<16xi32>
      }
      %scan3A_158 = arith.constant 32 : i32
      %xor3A = arith.constant 1 : i32
      %xor3A_159 = vector.broadcast %xor3A : i32 to vector<16xi32>
      %xor3A_160 = arith.xori %iota3A, %xor3A_159 : vector<16xi32>
      %broadcast_in_dim3A_161 = vector.shape_cast %xor3A_160 : vector<16xi32> to vector<16x1xi32>
      %gather3A = vector.shape_cast %broadcast_in_dim3A_161 : vector<16x1xi32> to vector<16xi32>
      %gather3A_162 = tpu.dynamic_gather %scan3A_157#0[%gather3A] in [0] : vector<16xf32>, vector<16xi32> -> vector<16xf32>
      %max3A = arith.maximumf %scan3A_157#0, %gather3A_162 : vector<16xf32>
      %xor3A_163 = arith.constant 2 : i32
      %xor3A_164 = vector.broadcast %xor3A_163 : i32 to vector<16xi32>
      %xor3A_165 = arith.xori %iota3A, %xor3A_164 : vector<16xi32>
      %broadcast_in_dim3A_166 = vector.shape_cast %xor3A_165 : vector<16xi32> to vector<16x1xi32>
      %gather3A_167 = vector.shape_cast %broadcast_in_dim3A_166 : vector<16x1xi32> to vector<16xi32>
      %gather3A_168 = tpu.dynamic_gather %max3A[%gather3A_167] in [0] : vector<16xf32>, vector<16xi32> -> vector<16xf32>
      %max3A_169 = arith.maximumf %max3A, %gather3A_168 : vector<16xf32>
      %xor3A_170 = arith.constant 4 : i32
      %xor3A_171 = vector.broadcast %xor3A_170 : i32 to vector<16xi32>
      %xor3A_172 = arith.xori %iota3A, %xor3A_171 : vector<16xi32>
      %broadcast_in_dim3A_173 = vector.shape_cast %xor3A_172 : vector<16xi32> to vector<16x1xi32>
      %gather3A_174 = vector.shape_cast %broadcast_in_dim3A_173 : vector<16x1xi32> to vector<16xi32>
      %gather3A_175 = tpu.dynamic_gather %max3A_169[%gather3A_174] in [0] : vector<16xf32>, vector<16xi32> -> vector<16xf32>
      %max3A_176 = arith.maximumf %max3A_169, %gather3A_175 : vector<16xf32>
      %xor3A_177 = arith.constant 8 : i32
      %xor3A_178 = vector.broadcast %xor3A_177 : i32 to vector<16xi32>
      %xor3A_179 = arith.xori %iota3A, %xor3A_178 : vector<16xi32>
      %broadcast_in_dim3A_180 = vector.shape_cast %xor3A_179 : vector<16xi32> to vector<16x1xi32>
      %gather3A_181 = vector.shape_cast %broadcast_in_dim3A_180 : vector<16x1xi32> to vector<16xi32>
      %gather3A_182 = tpu.dynamic_gather %max3A_176[%gather3A_181] in [0] : vector<16xf32>, vector<16xi32> -> vector<16xf32>
      %max3A_183 = arith.maximumf %max3A_176, %gather3A_182 : vector<16xf32>
      %eq3A_184 = arith.cmpf oeq, %scan3A_157#0, %max3A_183 : vector<16xf32>
      %jit3A = arith.constant 1073741824 : i32
      %broadcast_in_dim3A_185 = vector.broadcast %jit3A : i32 to vector<16xi32>
      %select_n3A = arith.select %eq3A_184, %scan3A_157#1, %broadcast_in_dim3A_185 : vector<16xi1>, vector<16xi32>
      %xor3A_186 = arith.constant 1 : i32
      %xor3A_187 = vector.broadcast %xor3A_186 : i32 to vector<16xi32>
      %xor3A_188 = arith.xori %iota3A, %xor3A_187 : vector<16xi32>
      %broadcast_in_dim3A_189 = vector.shape_cast %xor3A_188 : vector<16xi32> to vector<16x1xi32>
      %gather3A_190 = vector.shape_cast %broadcast_in_dim3A_189 : vector<16x1xi32> to vector<16xi32>
      %gather3A_191 = tpu.dynamic_gather %select_n3A[%gather3A_190] in [0] : vector<16xi32>, vector<16xi32> -> vector<16xi32>
      %min3A = arith.minsi %select_n3A, %gather3A_191 : vector<16xi32>
      %xor3A_192 = arith.constant 2 : i32
      %xor3A_193 = vector.broadcast %xor3A_192 : i32 to vector<16xi32>
      %xor3A_194 = arith.xori %iota3A, %xor3A_193 : vector<16xi32>
      %broadcast_in_dim3A_195 = vector.shape_cast %xor3A_194 : vector<16xi32> to vector<16x1xi32>
      %gather3A_196 = vector.shape_cast %broadcast_in_dim3A_195 : vector<16x1xi32> to vector<16xi32>
      %gather3A_197 = tpu.dynamic_gather %min3A[%gather3A_196] in [0] : vector<16xi32>, vector<16xi32> -> vector<16xi32>
      %min3A_198 = arith.minsi %min3A, %gather3A_197 : vector<16xi32>
      %xor3A_199 = arith.constant 4 : i32
      %xor3A_200 = vector.broadcast %xor3A_199 : i32 to vector<16xi32>
      %xor3A_201 = arith.xori %iota3A, %xor3A_200 : vector<16xi32>
      %broadcast_in_dim3A_202 = vector.shape_cast %xor3A_201 : vector<16xi32> to vector<16x1xi32>
      %gather3A_203 = vector.shape_cast %broadcast_in_dim3A_202 : vector<16x1xi32> to vector<16xi32>
      %gather3A_204 = tpu.dynamic_gather %min3A_198[%gather3A_203] in [0] : vector<16xi32>, vector<16xi32> -> vector<16xi32>
      %min3A_205 = arith.minsi %min3A_198, %gather3A_204 : vector<16xi32>
      %xor3A_206 = arith.constant 8 : i32
      %xor3A_207 = vector.broadcast %xor3A_206 : i32 to vector<16xi32>
      %xor3A_208 = arith.xori %iota3A, %xor3A_207 : vector<16xi32>
      %broadcast_in_dim3A_209 = vector.shape_cast %xor3A_208 : vector<16xi32> to vector<16x1xi32>
      %gather3A_210 = vector.shape_cast %broadcast_in_dim3A_209 : vector<16x1xi32> to vector<16xi32>
      %gather3A_211 = tpu.dynamic_gather %min3A_205[%gather3A_210] in [0] : vector<16xi32>, vector<16xi32> -> vector<16xi32>
      %min3A_212 = arith.minsi %min3A_205, %gather3A_211 : vector<16xi32>
      %add3A_213 = vector.broadcast %scan3A_149 : i32 to vector<16xi32>
      %add3A_214 = arith.addi %broadcast_in_dim3A_7, %add3A_213 : vector<16xi32>
      %mul3A_215 = arith.constant 512 : i32
      %mul3A_216 = vector.broadcast %mul3A_215 : i32 to vector<16xi32>
      %mul3A_217 = arith.muli %add3A_79, %mul3A_216 : vector<16xi32>
      %add3A_218 = arith.addi %mul3A_217, %min3A_212 : vector<16xi32>
      %broadcast_in_dim3A_219 = arith.constant -2.000000e+00 : f32
      %broadcast_in_dim3A_220 = vector.broadcast %broadcast_in_dim3A_219 : f32 to vector<16xf32>
      tpu.vector_store_idx %arg6[%add3A_218], %broadcast_in_dim3A_220 masked %eq3A_6 : memref<4096xf32, #tpu.memory_space<vmem>>[vector<16xi32>], vector<16xf32>, vector<16xi1>
      tpu.vector_store_idx %arg7[%add3A_79, %add3A_214], %min3A_212 masked %eq3A_6 : memref<8x40xi32, #tpu.memory_space<vmem>>[vector<16xi32>, vector<16xi32>], vector<16xi32>, vector<16xi1>
      %add3A_221 = arith.constant 4 : i32
      %add3A_222 = arith.addi %mul3A_2, %add3A_221 : i32
      %mul3A_223 = arith.constant 512 : i32
      %mul3A_224 = arith.muli %add3A_222, %mul3A_223 : i32
      %add3A_225 = vector.broadcast %mul3A_224 : i32 to vector<16xi32>
      %add3A_226 = arith.addi %add3A_225, %min3A_212 : vector<16xi32>
      tpu.vector_store_idx %arg8[%add3A_214], %add3A_226 masked %eq3A_6 : memref<40xi32, #tpu.memory_space<vmem>>[vector<16xi32>], vector<16xi32>, vector<16xi1>
      %scan3A_227 = arith.constant 0 : i32
      scf.yield %scan3A_227 : i32
    }
    %scan3A_86 = arith.constant 40 : i32
    %dma_start3A_87 = arith.constant 0 : i32
    %dma_start3A_88 = arith.constant 0 : i32
    %dma_start3A_89 = tpu.memref_slice %arg3[%dma_start3A_87, %dma_start3A_88] : memref<131072x768xf32, #tpu.memory_space<hbm>> -> memref<131072x768xf32, #tpu.memory_space<hbm>>
    tpu.enqueue_indirect_dma source(%dma_start3A_89 : memref<131072x768xf32, #tpu.memory_space<hbm>>) target(%arg9 : memref<40x768xf32, #tpu.memory_space<vmem>>) offsets(%arg8 : memref<40xi32, #tpu.memory_space<vmem>>) semaphore(%arg10 : memref<!tpu.dma_semaphore, #tpu.memory_space<semaphore_mem>>)
    %dma_wait3A_90 = arith.constant 0 : i32
    %dma_wait3A_91 = arith.constant 0 : i32
    %dma_wait3A_92 = tpu.memref_slice %arg3[%dma_wait3A_90, %dma_wait3A_91] : memref<131072x768xf32, #tpu.memory_space<hbm>> -> memref<131072x768xf32, #tpu.memory_space<hbm>>
    tpu.wait_indirect_dma semaphore(%arg10 : memref<!tpu.dma_semaphore, #tpu.memory_space<semaphore_mem>>) src(%dma_wait3A_92 : memref<131072x768xf32, #tpu.memory_space<hbm>>) dst(%arg9 : memref<40x768xf32, #tpu.memory_space<vmem>>)
    %add3A_93 = arith.constant 4 : i32
    %add3A_94 = arith.addi %mul3A_2, %add3A_93 : i32
    "tpu.region"() ({
      %run_scoped3A = tpu.sem_alloc : memref<!tpu.dma_semaphore, #tpu.memory_space<semaphore_mem>>
      %dma_start3A_149 = arith.constant 0 : i32
      %dma_start3A_150 = arith.constant 0 : i32
      %dma_start3A_151 = tpu.memref_slice %arg5[%add3A_94, %dma_start3A_149, %dma_start3A_150] : memref<256x40x768xf32, #tpu.memory_space<hbm>> -> memref<1x40x768xf32, #tpu.memory_space<hbm>>
      %dma_start3A_152 = tpu.memref_squeeze %dma_start3A_151 : memref<1x40x768xf32, #tpu.memory_space<hbm>> -> memref<40x768xf32, #tpu.memory_space<hbm>>
      %dma_start3A_153 = arith.constant 0 : i32
      %dma_start3A_154 = arith.constant 0 : i32
      %dma_start3A_155 = tpu.memref_slice %arg5[%add3A_94, %dma_start3A_153, %dma_start3A_154] : memref<256x40x768xf32, #tpu.memory_space<hbm>> -> memref<1x40x768xf32, #tpu.memory_space<hbm>>
      %dma_start3A_156 = tpu.memref_squeeze %dma_start3A_155 : memref<1x40x768xf32, #tpu.memory_space<hbm>> -> memref<40x768xf32, #tpu.memory_space<hbm>>
      tpu.enqueue_dma source(%arg9 : memref<40x768xf32, #tpu.memory_space<vmem>>) target(%dma_start3A_156 : memref<40x768xf32, #tpu.memory_space<hbm>>) target_semaphore(%run_scoped3A : memref<!tpu.dma_semaphore, #tpu.memory_space<semaphore_mem>>)
      %dma_wait3A_157 = arith.constant 0 : i32
      %dma_wait3A_158 = arith.constant 0 : i32
      %dma_wait3A_159 = tpu.memref_slice %arg5[%add3A_94, %dma_wait3A_157, %dma_wait3A_158] : memref<256x40x768xf32, #tpu.memory_space<hbm>> -> memref<1x40x768xf32, #tpu.memory_space<hbm>>
      %dma_wait3A_160 = tpu.memref_squeeze %dma_wait3A_159 : memref<1x40x768xf32, #tpu.memory_space<hbm>> -> memref<40x768xf32, #tpu.memory_space<hbm>>
      %dma_wait3A_161 = arith.constant 0 : i32
      %dma_wait3A_162 = arith.constant 0 : i32
      %dma_wait3A_163 = tpu.memref_slice %arg5[%add3A_94, %dma_wait3A_161, %dma_wait3A_162] : memref<256x40x768xf32, #tpu.memory_space<hbm>> -> memref<1x40x768xf32, #tpu.memory_space<hbm>>
      %dma_wait3A_164 = tpu.memref_squeeze %dma_wait3A_163 : memref<1x40x768xf32, #tpu.memory_space<hbm>> -> memref<40x768xf32, #tpu.memory_space<hbm>>
      tpu.wait_dma2 semaphore(%run_scoped3A : memref<!tpu.dma_semaphore, #tpu.memory_space<semaphore_mem>>) src(%arg9 : memref<40x768xf32, #tpu.memory_space<vmem>>) dst(%dma_wait3A_164 : memref<40x768xf32, #tpu.memory_space<hbm>>)
      tpu.yield
    }) : () -> ()
    %add3A_95 = arith.constant 5 : i32
    %add3A_96 = vector.broadcast %add3A_95 : i32 to vector<16xi32>
    %add3A_97 = arith.addi %broadcast_in_dim3A_7, %add3A_96 : vector<16xi32>
    %scan3A_98 = arith.constant 0 : i32
    %scan3A_99 = arith.constant 0 : i32
    %scan3A_100 = arith.constant 40 : i32
    %scan3A_101 = arith.addi %scan3A_99, %scan3A_100 : i32
    %scan3A_102 = arith.constant 1 : i32
    %scan3A_103 = scf.for %scan3A_149 = %scan3A_99 to %scan3A_101 step %scan3A_102 iter_args(%scan3A_150 = %scan3A_98) -> (i32)  : i32 {
      %broadcast_in_dim3A_151 = arith.constant -2.000000e+00 : f32
      %broadcast_in_dim3A_152 = vector.broadcast %broadcast_in_dim3A_151 : f32 to vector<16xf32>
      %scan3A_153 = arith.constant 0 : i32
      %scan3A_154 = arith.constant 32 : i32
      %scan3A_155 = arith.addi %scan3A_153, %scan3A_154 : i32
      %scan3A_156 = arith.constant 1 : i32
      %scan3A_157:2 = scf.for %scan3A_228 = %scan3A_153 to %scan3A_155 step %scan3A_156 iter_args(%scan3A_229 = %broadcast_in_dim3A_152, %scan3A_230 = %broadcast_in_dim3A_7) -> (vector<16xf32>, vector<16xi32>)  : i32 {
        %mul3A_231 = arith.constant 16 : i32
        %mul3A_232 = arith.muli %scan3A_228, %mul3A_231 : i32
        %add3A_233 = arith.constant 2560 : i32
        %add3A_234 = arith.addi %add3A_233, %mul3A_232 : i32
        %get3A = arith.index_cast %add3A_234 : i32 to index
        %get3A_235 = tpu.vector_load %arg6[%get3A] {strides = array<i32>} : memref<4096xf32, #tpu.memory_space<vmem>>, vector<16xf32>,
        %mul3A_236 = arith.constant 16 : i32
        %mul3A_237 = arith.muli %scan3A_228, %mul3A_236 : i32
        %add3A_238 = vector.broadcast %mul3A_237 : i32 to vector<16xi32>
        %add3A_239 = arith.addi %add3A_238, %iota3A : vector<16xi32>
        %gt3A = arith.cmpf ogt, %get3A_235, %scan3A_229 : vector<16xf32>
        %select_n3A_240 = arith.select %gt3A, %get3A_235, %scan3A_229 : vector<16xi1>, vector<16xf32>
        %select_n3A_241 = arith.select %gt3A, %add3A_239, %scan3A_230 : vector<16xi1>, vector<16xi32>
        scf.yield %select_n3A_240, %select_n3A_241 : vector<16xf32>, vector<16xi32>
      }
      %scan3A_158 = arith.constant 32 : i32
      %xor3A = arith.constant 1 : i32
      %xor3A_159 = vector.broadcast %xor3A : i32 to vector<16xi32>
      %xor3A_160 = arith.xori %iota3A, %xor3A_159 : vector<16xi32>
      %broadcast_in_dim3A_161 = vector.shape_cast %xor3A_160 : vector<16xi32> to vector<16x1xi32>
      %gather3A = vector.shape_cast %broadcast_in_dim3A_161 : vector<16x1xi32> to vector<16xi32>
      %gather3A_162 = tpu.dynamic_gather %scan3A_157#0[%gather3A] in [0] : vector<16xf32>, vector<16xi32> -> vector<16xf32>
      %max3A = arith.maximumf %scan3A_157#0, %gather3A_162 : vector<16xf32>
      %xor3A_163 = arith.constant 2 : i32
      %xor3A_164 = vector.broadcast %xor3A_163 : i32 to vector<16xi32>
      %xor3A_165 = arith.xori %iota3A, %xor3A_164 : vector<16xi32>
      %broadcast_in_dim3A_166 = vector.shape_cast %xor3A_165 : vector<16xi32> to vector<16x1xi32>
      %gather3A_167 = vector.shape_cast %broadcast_in_dim3A_166 : vector<16x1xi32> to vector<16xi32>
      %gather3A_168 = tpu.dynamic_gather %max3A[%gather3A_167] in [0] : vector<16xf32>, vector<16xi32> -> vector<16xf32>
      %max3A_169 = arith.maximumf %max3A, %gather3A_168 : vector<16xf32>
      %xor3A_170 = arith.constant 4 : i32
      %xor3A_171 = vector.broadcast %xor3A_170 : i32 to vector<16xi32>
      %xor3A_172 = arith.xori %iota3A, %xor3A_171 : vector<16xi32>
      %broadcast_in_dim3A_173 = vector.shape_cast %xor3A_172 : vector<16xi32> to vector<16x1xi32>
      %gather3A_174 = vector.shape_cast %broadcast_in_dim3A_173 : vector<16x1xi32> to vector<16xi32>
      %gather3A_175 = tpu.dynamic_gather %max3A_169[%gather3A_174] in [0] : vector<16xf32>, vector<16xi32> -> vector<16xf32>
      %max3A_176 = arith.maximumf %max3A_169, %gather3A_175 : vector<16xf32>
      %xor3A_177 = arith.constant 8 : i32
      %xor3A_178 = vector.broadcast %xor3A_177 : i32 to vector<16xi32>
      %xor3A_179 = arith.xori %iota3A, %xor3A_178 : vector<16xi32>
      %broadcast_in_dim3A_180 = vector.shape_cast %xor3A_179 : vector<16xi32> to vector<16x1xi32>
      %gather3A_181 = vector.shape_cast %broadcast_in_dim3A_180 : vector<16x1xi32> to vector<16xi32>
      %gather3A_182 = tpu.dynamic_gather %max3A_176[%gather3A_181] in [0] : vector<16xf32>, vector<16xi32> -> vector<16xf32>
      %max3A_183 = arith.maximumf %max3A_176, %gather3A_182 : vector<16xf32>
      %eq3A_184 = arith.cmpf oeq, %scan3A_157#0, %max3A_183 : vector<16xf32>
      %jit3A = arith.constant 1073741824 : i32
      %broadcast_in_dim3A_185 = vector.broadcast %jit3A : i32 to vector<16xi32>
      %select_n3A = arith.select %eq3A_184, %scan3A_157#1, %broadcast_in_dim3A_185 : vector<16xi1>, vector<16xi32>
      %xor3A_186 = arith.constant 1 : i32
      %xor3A_187 = vector.broadcast %xor3A_186 : i32 to vector<16xi32>
      %xor3A_188 = arith.xori %iota3A, %xor3A_187 : vector<16xi32>
      %broadcast_in_dim3A_189 = vector.shape_cast %xor3A_188 : vector<16xi32> to vector<16x1xi32>
      %gather3A_190 = vector.shape_cast %broadcast_in_dim3A_189 : vector<16x1xi32> to vector<16xi32>
      %gather3A_191 = tpu.dynamic_gather %select_n3A[%gather3A_190] in [0] : vector<16xi32>, vector<16xi32> -> vector<16xi32>
      %min3A = arith.minsi %select_n3A, %gather3A_191 : vector<16xi32>
      %xor3A_192 = arith.constant 2 : i32
      %xor3A_193 = vector.broadcast %xor3A_192 : i32 to vector<16xi32>
      %xor3A_194 = arith.xori %iota3A, %xor3A_193 : vector<16xi32>
      %broadcast_in_dim3A_195 = vector.shape_cast %xor3A_194 : vector<16xi32> to vector<16x1xi32>
      %gather3A_196 = vector.shape_cast %broadcast_in_dim3A_195 : vector<16x1xi32> to vector<16xi32>
      %gather3A_197 = tpu.dynamic_gather %min3A[%gather3A_196] in [0] : vector<16xi32>, vector<16xi32> -> vector<16xi32>
      %min3A_198 = arith.minsi %min3A, %gather3A_197 : vector<16xi32>
      %xor3A_199 = arith.constant 4 : i32
      %xor3A_200 = vector.broadcast %xor3A_199 : i32 to vector<16xi32>
      %xor3A_201 = arith.xori %iota3A, %xor3A_200 : vector<16xi32>
      %broadcast_in_dim3A_202 = vector.shape_cast %xor3A_201 : vector<16xi32> to vector<16x1xi32>
      %gather3A_203 = vector.shape_cast %broadcast_in_dim3A_202 : vector<16x1xi32> to vector<16xi32>
      %gather3A_204 = tpu.dynamic_gather %min3A_198[%gather3A_203] in [0] : vector<16xi32>, vector<16xi32> -> vector<16xi32>
      %min3A_205 = arith.minsi %min3A_198, %gather3A_204 : vector<16xi32>
      %xor3A_206 = arith.constant 8 : i32
      %xor3A_207 = vector.broadcast %xor3A_206 : i32 to vector<16xi32>
      %xor3A_208 = arith.xori %iota3A, %xor3A_207 : vector<16xi32>
      %broadcast_in_dim3A_209 = vector.shape_cast %xor3A_208 : vector<16xi32> to vector<16x1xi32>
      %gather3A_210 = vector.shape_cast %broadcast_in_dim3A_209 : vector<16x1xi32> to vector<16xi32>
      %gather3A_211 = tpu.dynamic_gather %min3A_205[%gather3A_210] in [0] : vector<16xi32>, vector<16xi32> -> vector<16xi32>
      %min3A_212 = arith.minsi %min3A_205, %gather3A_211 : vector<16xi32>
      %add3A_213 = vector.broadcast %scan3A_149 : i32 to vector<16xi32>
      %add3A_214 = arith.addi %broadcast_in_dim3A_7, %add3A_213 : vector<16xi32>
      %mul3A_215 = arith.constant 512 : i32
      %mul3A_216 = vector.broadcast %mul3A_215 : i32 to vector<16xi32>
      %mul3A_217 = arith.muli %add3A_97, %mul3A_216 : vector<16xi32>
      %add3A_218 = arith.addi %mul3A_217, %min3A_212 : vector<16xi32>
      %broadcast_in_dim3A_219 = arith.constant -2.000000e+00 : f32
      %broadcast_in_dim3A_220 = vector.broadcast %broadcast_in_dim3A_219 : f32 to vector<16xf32>
      tpu.vector_store_idx %arg6[%add3A_218], %broadcast_in_dim3A_220 masked %eq3A_6 : memref<4096xf32, #tpu.memory_space<vmem>>[vector<16xi32>], vector<16xf32>, vector<16xi1>
      tpu.vector_store_idx %arg7[%add3A_97, %add3A_214], %min3A_212 masked %eq3A_6 : memref<8x40xi32, #tpu.memory_space<vmem>>[vector<16xi32>, vector<16xi32>], vector<16xi32>, vector<16xi1>
      %add3A_221 = arith.constant 5 : i32
      %add3A_222 = arith.addi %mul3A_2, %add3A_221 : i32
      %mul3A_223 = arith.constant 512 : i32
      %mul3A_224 = arith.muli %add3A_222, %mul3A_223 : i32
      %add3A_225 = vector.broadcast %mul3A_224 : i32 to vector<16xi32>
      %add3A_226 = arith.addi %add3A_225, %min3A_212 : vector<16xi32>
      tpu.vector_store_idx %arg8[%add3A_214], %add3A_226 masked %eq3A_6 : memref<40xi32, #tpu.memory_space<vmem>>[vector<16xi32>], vector<16xi32>, vector<16xi1>
      %scan3A_227 = arith.constant 0 : i32
      scf.yield %scan3A_227 : i32
    }
    %scan3A_104 = arith.constant 40 : i32
    %dma_start3A_105 = arith.constant 0 : i32
    %dma_start3A_106 = arith.constant 0 : i32
    %dma_start3A_107 = tpu.memref_slice %arg3[%dma_start3A_105, %dma_start3A_106] : memref<131072x768xf32, #tpu.memory_space<hbm>> -> memref<131072x768xf32, #tpu.memory_space<hbm>>
    tpu.enqueue_indirect_dma source(%dma_start3A_107 : memref<131072x768xf32, #tpu.memory_space<hbm>>) target(%arg9 : memref<40x768xf32, #tpu.memory_space<vmem>>) offsets(%arg8 : memref<40xi32, #tpu.memory_space<vmem>>) semaphore(%arg10 : memref<!tpu.dma_semaphore, #tpu.memory_space<semaphore_mem>>)
    %dma_wait3A_108 = arith.constant 0 : i32
    %dma_wait3A_109 = arith.constant 0 : i32
    %dma_wait3A_110 = tpu.memref_slice %arg3[%dma_wait3A_108, %dma_wait3A_109] : memref<131072x768xf32, #tpu.memory_space<hbm>> -> memref<131072x768xf32, #tpu.memory_space<hbm>>
    tpu.wait_indirect_dma semaphore(%arg10 : memref<!tpu.dma_semaphore, #tpu.memory_space<semaphore_mem>>) src(%dma_wait3A_110 : memref<131072x768xf32, #tpu.memory_space<hbm>>) dst(%arg9 : memref<40x768xf32, #tpu.memory_space<vmem>>)
    %add3A_111 = arith.constant 5 : i32
    %add3A_112 = arith.addi %mul3A_2, %add3A_111 : i32
    "tpu.region"() ({
      %run_scoped3A = tpu.sem_alloc : memref<!tpu.dma_semaphore, #tpu.memory_space<semaphore_mem>>
      %dma_start3A_149 = arith.constant 0 : i32
      %dma_start3A_150 = arith.constant 0 : i32
      %dma_start3A_151 = tpu.memref_slice %arg5[%add3A_112, %dma_start3A_149, %dma_start3A_150] : memref<256x40x768xf32, #tpu.memory_space<hbm>> -> memref<1x40x768xf32, #tpu.memory_space<hbm>>
      %dma_start3A_152 = tpu.memref_squeeze %dma_start3A_151 : memref<1x40x768xf32, #tpu.memory_space<hbm>> -> memref<40x768xf32, #tpu.memory_space<hbm>>
      %dma_start3A_153 = arith.constant 0 : i32
      %dma_start3A_154 = arith.constant 0 : i32
      %dma_start3A_155 = tpu.memref_slice %arg5[%add3A_112, %dma_start3A_153, %dma_start3A_154] : memref<256x40x768xf32, #tpu.memory_space<hbm>> -> memref<1x40x768xf32, #tpu.memory_space<hbm>>
      %dma_start3A_156 = tpu.memref_squeeze %dma_start3A_155 : memref<1x40x768xf32, #tpu.memory_space<hbm>> -> memref<40x768xf32, #tpu.memory_space<hbm>>
      tpu.enqueue_dma source(%arg9 : memref<40x768xf32, #tpu.memory_space<vmem>>) target(%dma_start3A_156 : memref<40x768xf32, #tpu.memory_space<hbm>>) target_semaphore(%run_scoped3A : memref<!tpu.dma_semaphore, #tpu.memory_space<semaphore_mem>>)
      %dma_wait3A_157 = arith.constant 0 : i32
      %dma_wait3A_158 = arith.constant 0 : i32
      %dma_wait3A_159 = tpu.memref_slice %arg5[%add3A_112, %dma_wait3A_157, %dma_wait3A_158] : memref<256x40x768xf32, #tpu.memory_space<hbm>> -> memref<1x40x768xf32, #tpu.memory_space<hbm>>
      %dma_wait3A_160 = tpu.memref_squeeze %dma_wait3A_159 : memref<1x40x768xf32, #tpu.memory_space<hbm>> -> memref<40x768xf32, #tpu.memory_space<hbm>>
      %dma_wait3A_161 = arith.constant 0 : i32
      %dma_wait3A_162 = arith.constant 0 : i32
      %dma_wait3A_163 = tpu.memref_slice %arg5[%add3A_112, %dma_wait3A_161, %dma_wait3A_162] : memref<256x40x768xf32, #tpu.memory_space<hbm>> -> memref<1x40x768xf32, #tpu.memory_space<hbm>>
      %dma_wait3A_164 = tpu.memref_squeeze %dma_wait3A_163 : memref<1x40x768xf32, #tpu.memory_space<hbm>> -> memref<40x768xf32, #tpu.memory_space<hbm>>
      tpu.wait_dma2 semaphore(%run_scoped3A : memref<!tpu.dma_semaphore, #tpu.memory_space<semaphore_mem>>) src(%arg9 : memref<40x768xf32, #tpu.memory_space<vmem>>) dst(%dma_wait3A_164 : memref<40x768xf32, #tpu.memory_space<hbm>>)
      tpu.yield
    }) : () -> ()
    %add3A_113 = arith.constant 6 : i32
    %add3A_114 = vector.broadcast %add3A_113 : i32 to vector<16xi32>
    %add3A_115 = arith.addi %broadcast_in_dim3A_7, %add3A_114 : vector<16xi32>
    %scan3A_116 = arith.constant 0 : i32
    %scan3A_117 = arith.constant 0 : i32
    %scan3A_118 = arith.constant 40 : i32
    %scan3A_119 = arith.addi %scan3A_117, %scan3A_118 : i32
    %scan3A_120 = arith.constant 1 : i32
    %scan3A_121 = scf.for %scan3A_149 = %scan3A_117 to %scan3A_119 step %scan3A_120 iter_args(%scan3A_150 = %scan3A_116) -> (i32)  : i32 {
      %broadcast_in_dim3A_151 = arith.constant -2.000000e+00 : f32
      %broadcast_in_dim3A_152 = vector.broadcast %broadcast_in_dim3A_151 : f32 to vector<16xf32>
      %scan3A_153 = arith.constant 0 : i32
      %scan3A_154 = arith.constant 32 : i32
      %scan3A_155 = arith.addi %scan3A_153, %scan3A_154 : i32
      %scan3A_156 = arith.constant 1 : i32
      %scan3A_157:2 = scf.for %scan3A_228 = %scan3A_153 to %scan3A_155 step %scan3A_156 iter_args(%scan3A_229 = %broadcast_in_dim3A_152, %scan3A_230 = %broadcast_in_dim3A_7) -> (vector<16xf32>, vector<16xi32>)  : i32 {
        %mul3A_231 = arith.constant 16 : i32
        %mul3A_232 = arith.muli %scan3A_228, %mul3A_231 : i32
        %add3A_233 = arith.constant 3072 : i32
        %add3A_234 = arith.addi %add3A_233, %mul3A_232 : i32
        %get3A = arith.index_cast %add3A_234 : i32 to index
        %get3A_235 = tpu.vector_load %arg6[%get3A] {strides = array<i32>} : memref<4096xf32, #tpu.memory_space<vmem>>, vector<16xf32>,
        %mul3A_236 = arith.constant 16 : i32
        %mul3A_237 = arith.muli %scan3A_228, %mul3A_236 : i32
        %add3A_238 = vector.broadcast %mul3A_237 : i32 to vector<16xi32>
        %add3A_239 = arith.addi %add3A_238, %iota3A : vector<16xi32>
        %gt3A = arith.cmpf ogt, %get3A_235, %scan3A_229 : vector<16xf32>
        %select_n3A_240 = arith.select %gt3A, %get3A_235, %scan3A_229 : vector<16xi1>, vector<16xf32>
        %select_n3A_241 = arith.select %gt3A, %add3A_239, %scan3A_230 : vector<16xi1>, vector<16xi32>
        scf.yield %select_n3A_240, %select_n3A_241 : vector<16xf32>, vector<16xi32>
      }
      %scan3A_158 = arith.constant 32 : i32
      %xor3A = arith.constant 1 : i32
      %xor3A_159 = vector.broadcast %xor3A : i32 to vector<16xi32>
      %xor3A_160 = arith.xori %iota3A, %xor3A_159 : vector<16xi32>
      %broadcast_in_dim3A_161 = vector.shape_cast %xor3A_160 : vector<16xi32> to vector<16x1xi32>
      %gather3A = vector.shape_cast %broadcast_in_dim3A_161 : vector<16x1xi32> to vector<16xi32>
      %gather3A_162 = tpu.dynamic_gather %scan3A_157#0[%gather3A] in [0] : vector<16xf32>, vector<16xi32> -> vector<16xf32>
      %max3A = arith.maximumf %scan3A_157#0, %gather3A_162 : vector<16xf32>
      %xor3A_163 = arith.constant 2 : i32
      %xor3A_164 = vector.broadcast %xor3A_163 : i32 to vector<16xi32>
      %xor3A_165 = arith.xori %iota3A, %xor3A_164 : vector<16xi32>
      %broadcast_in_dim3A_166 = vector.shape_cast %xor3A_165 : vector<16xi32> to vector<16x1xi32>
      %gather3A_167 = vector.shape_cast %broadcast_in_dim3A_166 : vector<16x1xi32> to vector<16xi32>
      %gather3A_168 = tpu.dynamic_gather %max3A[%gather3A_167] in [0] : vector<16xf32>, vector<16xi32> -> vector<16xf32>
      %max3A_169 = arith.maximumf %max3A, %gather3A_168 : vector<16xf32>
      %xor3A_170 = arith.constant 4 : i32
      %xor3A_171 = vector.broadcast %xor3A_170 : i32 to vector<16xi32>
      %xor3A_172 = arith.xori %iota3A, %xor3A_171 : vector<16xi32>
      %broadcast_in_dim3A_173 = vector.shape_cast %xor3A_172 : vector<16xi32> to vector<16x1xi32>
      %gather3A_174 = vector.shape_cast %broadcast_in_dim3A_173 : vector<16x1xi32> to vector<16xi32>
      %gather3A_175 = tpu.dynamic_gather %max3A_169[%gather3A_174] in [0] : vector<16xf32>, vector<16xi32> -> vector<16xf32>
      %max3A_176 = arith.maximumf %max3A_169, %gather3A_175 : vector<16xf32>
      %xor3A_177 = arith.constant 8 : i32
      %xor3A_178 = vector.broadcast %xor3A_177 : i32 to vector<16xi32>
      %xor3A_179 = arith.xori %iota3A, %xor3A_178 : vector<16xi32>
      %broadcast_in_dim3A_180 = vector.shape_cast %xor3A_179 : vector<16xi32> to vector<16x1xi32>
      %gather3A_181 = vector.shape_cast %broadcast_in_dim3A_180 : vector<16x1xi32> to vector<16xi32>
      %gather3A_182 = tpu.dynamic_gather %max3A_176[%gather3A_181] in [0] : vector<16xf32>, vector<16xi32> -> vector<16xf32>
      %max3A_183 = arith.maximumf %max3A_176, %gather3A_182 : vector<16xf32>
      %eq3A_184 = arith.cmpf oeq, %scan3A_157#0, %max3A_183 : vector<16xf32>
      %jit3A = arith.constant 1073741824 : i32
      %broadcast_in_dim3A_185 = vector.broadcast %jit3A : i32 to vector<16xi32>
      %select_n3A = arith.select %eq3A_184, %scan3A_157#1, %broadcast_in_dim3A_185 : vector<16xi1>, vector<16xi32>
      %xor3A_186 = arith.constant 1 : i32
      %xor3A_187 = vector.broadcast %xor3A_186 : i32 to vector<16xi32>
      %xor3A_188 = arith.xori %iota3A, %xor3A_187 : vector<16xi32>
      %broadcast_in_dim3A_189 = vector.shape_cast %xor3A_188 : vector<16xi32> to vector<16x1xi32>
      %gather3A_190 = vector.shape_cast %broadcast_in_dim3A_189 : vector<16x1xi32> to vector<16xi32>
      %gather3A_191 = tpu.dynamic_gather %select_n3A[%gather3A_190] in [0] : vector<16xi32>, vector<16xi32> -> vector<16xi32>
      %min3A = arith.minsi %select_n3A, %gather3A_191 : vector<16xi32>
      %xor3A_192 = arith.constant 2 : i32
      %xor3A_193 = vector.broadcast %xor3A_192 : i32 to vector<16xi32>
      %xor3A_194 = arith.xori %iota3A, %xor3A_193 : vector<16xi32>
      %broadcast_in_dim3A_195 = vector.shape_cast %xor3A_194 : vector<16xi32> to vector<16x1xi32>
      %gather3A_196 = vector.shape_cast %broadcast_in_dim3A_195 : vector<16x1xi32> to vector<16xi32>
      %gather3A_197 = tpu.dynamic_gather %min3A[%gather3A_196] in [0] : vector<16xi32>, vector<16xi32> -> vector<16xi32>
      %min3A_198 = arith.minsi %min3A, %gather3A_197 : vector<16xi32>
      %xor3A_199 = arith.constant 4 : i32
      %xor3A_200 = vector.broadcast %xor3A_199 : i32 to vector<16xi32>
      %xor3A_201 = arith.xori %iota3A, %xor3A_200 : vector<16xi32>
      %broadcast_in_dim3A_202 = vector.shape_cast %xor3A_201 : vector<16xi32> to vector<16x1xi32>
      %gather3A_203 = vector.shape_cast %broadcast_in_dim3A_202 : vector<16x1xi32> to vector<16xi32>
      %gather3A_204 = tpu.dynamic_gather %min3A_198[%gather3A_203] in [0] : vector<16xi32>, vector<16xi32> -> vector<16xi32>
      %min3A_205 = arith.minsi %min3A_198, %gather3A_204 : vector<16xi32>
      %xor3A_206 = arith.constant 8 : i32
      %xor3A_207 = vector.broadcast %xor3A_206 : i32 to vector<16xi32>
      %xor3A_208 = arith.xori %iota3A, %xor3A_207 : vector<16xi32>
      %broadcast_in_dim3A_209 = vector.shape_cast %xor3A_208 : vector<16xi32> to vector<16x1xi32>
      %gather3A_210 = vector.shape_cast %broadcast_in_dim3A_209 : vector<16x1xi32> to vector<16xi32>
      %gather3A_211 = tpu.dynamic_gather %min3A_205[%gather3A_210] in [0] : vector<16xi32>, vector<16xi32> -> vector<16xi32>
      %min3A_212 = arith.minsi %min3A_205, %gather3A_211 : vector<16xi32>
      %add3A_213 = vector.broadcast %scan3A_149 : i32 to vector<16xi32>
      %add3A_214 = arith.addi %broadcast_in_dim3A_7, %add3A_213 : vector<16xi32>
      %mul3A_215 = arith.constant 512 : i32
      %mul3A_216 = vector.broadcast %mul3A_215 : i32 to vector<16xi32>
      %mul3A_217 = arith.muli %add3A_115, %mul3A_216 : vector<16xi32>
      %add3A_218 = arith.addi %mul3A_217, %min3A_212 : vector<16xi32>
      %broadcast_in_dim3A_219 = arith.constant -2.000000e+00 : f32
      %broadcast_in_dim3A_220 = vector.broadcast %broadcast_in_dim3A_219 : f32 to vector<16xf32>
      tpu.vector_store_idx %arg6[%add3A_218], %broadcast_in_dim3A_220 masked %eq3A_6 : memref<4096xf32, #tpu.memory_space<vmem>>[vector<16xi32>], vector<16xf32>, vector<16xi1>
      tpu.vector_store_idx %arg7[%add3A_115, %add3A_214], %min3A_212 masked %eq3A_6 : memref<8x40xi32, #tpu.memory_space<vmem>>[vector<16xi32>, vector<16xi32>], vector<16xi32>, vector<16xi1>
      %add3A_221 = arith.constant 6 : i32
      %add3A_222 = arith.addi %mul3A_2, %add3A_221 : i32
      %mul3A_223 = arith.constant 512 : i32
      %mul3A_224 = arith.muli %add3A_222, %mul3A_223 : i32
      %add3A_225 = vector.broadcast %mul3A_224 : i32 to vector<16xi32>
      %add3A_226 = arith.addi %add3A_225, %min3A_212 : vector<16xi32>
      tpu.vector_store_idx %arg8[%add3A_214], %add3A_226 masked %eq3A_6 : memref<40xi32, #tpu.memory_space<vmem>>[vector<16xi32>], vector<16xi32>, vector<16xi1>
      %scan3A_227 = arith.constant 0 : i32
      scf.yield %scan3A_227 : i32
    }
    %scan3A_122 = arith.constant 40 : i32
    %dma_start3A_123 = arith.constant 0 : i32
    %dma_start3A_124 = arith.constant 0 : i32
    %dma_start3A_125 = tpu.memref_slice %arg3[%dma_start3A_123, %dma_start3A_124] : memref<131072x768xf32, #tpu.memory_space<hbm>> -> memref<131072x768xf32, #tpu.memory_space<hbm>>
    tpu.enqueue_indirect_dma source(%dma_start3A_125 : memref<131072x768xf32, #tpu.memory_space<hbm>>) target(%arg9 : memref<40x768xf32, #tpu.memory_space<vmem>>) offsets(%arg8 : memref<40xi32, #tpu.memory_space<vmem>>) semaphore(%arg10 : memref<!tpu.dma_semaphore, #tpu.memory_space<semaphore_mem>>)
    %dma_wait3A_126 = arith.constant 0 : i32
    %dma_wait3A_127 = arith.constant 0 : i32
    %dma_wait3A_128 = tpu.memref_slice %arg3[%dma_wait3A_126, %dma_wait3A_127] : memref<131072x768xf32, #tpu.memory_space<hbm>> -> memref<131072x768xf32, #tpu.memory_space<hbm>>
    tpu.wait_indirect_dma semaphore(%arg10 : memref<!tpu.dma_semaphore, #tpu.memory_space<semaphore_mem>>) src(%dma_wait3A_128 : memref<131072x768xf32, #tpu.memory_space<hbm>>) dst(%arg9 : memref<40x768xf32, #tpu.memory_space<vmem>>)
    %add3A_129 = arith.constant 6 : i32
    %add3A_130 = arith.addi %mul3A_2, %add3A_129 : i32
    "tpu.region"() ({
      %run_scoped3A = tpu.sem_alloc : memref<!tpu.dma_semaphore, #tpu.memory_space<semaphore_mem>>
      %dma_start3A_149 = arith.constant 0 : i32
      %dma_start3A_150 = arith.constant 0 : i32
      %dma_start3A_151 = tpu.memref_slice %arg5[%add3A_130, %dma_start3A_149, %dma_start3A_150] : memref<256x40x768xf32, #tpu.memory_space<hbm>> -> memref<1x40x768xf32, #tpu.memory_space<hbm>>
      %dma_start3A_152 = tpu.memref_squeeze %dma_start3A_151 : memref<1x40x768xf32, #tpu.memory_space<hbm>> -> memref<40x768xf32, #tpu.memory_space<hbm>>
      %dma_start3A_153 = arith.constant 0 : i32
      %dma_start3A_154 = arith.constant 0 : i32
      %dma_start3A_155 = tpu.memref_slice %arg5[%add3A_130, %dma_start3A_153, %dma_start3A_154] : memref<256x40x768xf32, #tpu.memory_space<hbm>> -> memref<1x40x768xf32, #tpu.memory_space<hbm>>
      %dma_start3A_156 = tpu.memref_squeeze %dma_start3A_155 : memref<1x40x768xf32, #tpu.memory_space<hbm>> -> memref<40x768xf32, #tpu.memory_space<hbm>>
      tpu.enqueue_dma source(%arg9 : memref<40x768xf32, #tpu.memory_space<vmem>>) target(%dma_start3A_156 : memref<40x768xf32, #tpu.memory_space<hbm>>) target_semaphore(%run_scoped3A : memref<!tpu.dma_semaphore, #tpu.memory_space<semaphore_mem>>)
      %dma_wait3A_157 = arith.constant 0 : i32
      %dma_wait3A_158 = arith.constant 0 : i32
      %dma_wait3A_159 = tpu.memref_slice %arg5[%add3A_130, %dma_wait3A_157, %dma_wait3A_158] : memref<256x40x768xf32, #tpu.memory_space<hbm>> -> memref<1x40x768xf32, #tpu.memory_space<hbm>>
      %dma_wait3A_160 = tpu.memref_squeeze %dma_wait3A_159 : memref<1x40x768xf32, #tpu.memory_space<hbm>> -> memref<40x768xf32, #tpu.memory_space<hbm>>
      %dma_wait3A_161 = arith.constant 0 : i32
      %dma_wait3A_162 = arith.constant 0 : i32
      %dma_wait3A_163 = tpu.memref_slice %arg5[%add3A_130, %dma_wait3A_161, %dma_wait3A_162] : memref<256x40x768xf32, #tpu.memory_space<hbm>> -> memref<1x40x768xf32, #tpu.memory_space<hbm>>
      %dma_wait3A_164 = tpu.memref_squeeze %dma_wait3A_163 : memref<1x40x768xf32, #tpu.memory_space<hbm>> -> memref<40x768xf32, #tpu.memory_space<hbm>>
      tpu.wait_dma2 semaphore(%run_scoped3A : memref<!tpu.dma_semaphore, #tpu.memory_space<semaphore_mem>>) src(%arg9 : memref<40x768xf32, #tpu.memory_space<vmem>>) dst(%dma_wait3A_164 : memref<40x768xf32, #tpu.memory_space<hbm>>)
      tpu.yield
    }) : () -> ()
    %add3A_131 = arith.constant 7 : i32
    %add3A_132 = vector.broadcast %add3A_131 : i32 to vector<16xi32>
    %add3A_133 = arith.addi %broadcast_in_dim3A_7, %add3A_132 : vector<16xi32>
    %scan3A_134 = arith.constant 0 : i32
    %scan3A_135 = arith.constant 0 : i32
    %scan3A_136 = arith.constant 40 : i32
    %scan3A_137 = arith.addi %scan3A_135, %scan3A_136 : i32
    %scan3A_138 = arith.constant 1 : i32
    %scan3A_139 = scf.for %scan3A_149 = %scan3A_135 to %scan3A_137 step %scan3A_138 iter_args(%scan3A_150 = %scan3A_134) -> (i32)  : i32 {
      %broadcast_in_dim3A_151 = arith.constant -2.000000e+00 : f32
      %broadcast_in_dim3A_152 = vector.broadcast %broadcast_in_dim3A_151 : f32 to vector<16xf32>
      %scan3A_153 = arith.constant 0 : i32
      %scan3A_154 = arith.constant 32 : i32
      %scan3A_155 = arith.addi %scan3A_153, %scan3A_154 : i32
      %scan3A_156 = arith.constant 1 : i32
      %scan3A_157:2 = scf.for %scan3A_228 = %scan3A_153 to %scan3A_155 step %scan3A_156 iter_args(%scan3A_229 = %broadcast_in_dim3A_152, %scan3A_230 = %broadcast_in_dim3A_7) -> (vector<16xf32>, vector<16xi32>)  : i32 {
        %mul3A_231 = arith.constant 16 : i32
        %mul3A_232 = arith.muli %scan3A_228, %mul3A_231 : i32
        %add3A_233 = arith.constant 3584 : i32
        %add3A_234 = arith.addi %add3A_233, %mul3A_232 : i32
        %get3A = arith.index_cast %add3A_234 : i32 to index
        %get3A_235 = tpu.vector_load %arg6[%get3A] {strides = array<i32>} : memref<4096xf32, #tpu.memory_space<vmem>>, vector<16xf32>,
        %mul3A_236 = arith.constant 16 : i32
        %mul3A_237 = arith.muli %scan3A_228, %mul3A_236 : i32
        %add3A_238 = vector.broadcast %mul3A_237 : i32 to vector<16xi32>
        %add3A_239 = arith.addi %add3A_238, %iota3A : vector<16xi32>
        %gt3A = arith.cmpf ogt, %get3A_235, %scan3A_229 : vector<16xf32>
        %select_n3A_240 = arith.select %gt3A, %get3A_235, %scan3A_229 : vector<16xi1>, vector<16xf32>
        %select_n3A_241 = arith.select %gt3A, %add3A_239, %scan3A_230 : vector<16xi1>, vector<16xi32>
        scf.yield %select_n3A_240, %select_n3A_241 : vector<16xf32>, vector<16xi32>
      }
      %scan3A_158 = arith.constant 32 : i32
      %xor3A = arith.constant 1 : i32
      %xor3A_159 = vector.broadcast %xor3A : i32 to vector<16xi32>
      %xor3A_160 = arith.xori %iota3A, %xor3A_159 : vector<16xi32>
      %broadcast_in_dim3A_161 = vector.shape_cast %xor3A_160 : vector<16xi32> to vector<16x1xi32>
      %gather3A = vector.shape_cast %broadcast_in_dim3A_161 : vector<16x1xi32> to vector<16xi32>
      %gather3A_162 = tpu.dynamic_gather %scan3A_157#0[%gather3A] in [0] : vector<16xf32>, vector<16xi32> -> vector<16xf32>
      %max3A = arith.maximumf %scan3A_157#0, %gather3A_162 : vector<16xf32>
      %xor3A_163 = arith.constant 2 : i32
      %xor3A_164 = vector.broadcast %xor3A_163 : i32 to vector<16xi32>
      %xor3A_165 = arith.xori %iota3A, %xor3A_164 : vector<16xi32>
      %broadcast_in_dim3A_166 = vector.shape_cast %xor3A_165 : vector<16xi32> to vector<16x1xi32>
      %gather3A_167 = vector.shape_cast %broadcast_in_dim3A_166 : vector<16x1xi32> to vector<16xi32>
      %gather3A_168 = tpu.dynamic_gather %max3A[%gather3A_167] in [0] : vector<16xf32>, vector<16xi32> -> vector<16xf32>
      %max3A_169 = arith.maximumf %max3A, %gather3A_168 : vector<16xf32>
      %xor3A_170 = arith.constant 4 : i32
      %xor3A_171 = vector.broadcast %xor3A_170 : i32 to vector<16xi32>
      %xor3A_172 = arith.xori %iota3A, %xor3A_171 : vector<16xi32>
      %broadcast_in_dim3A_173 = vector.shape_cast %xor3A_172 : vector<16xi32> to vector<16x1xi32>
      %gather3A_174 = vector.shape_cast %broadcast_in_dim3A_173 : vector<16x1xi32> to vector<16xi32>
      %gather3A_175 = tpu.dynamic_gather %max3A_169[%gather3A_174] in [0] : vector<16xf32>, vector<16xi32> -> vector<16xf32>
      %max3A_176 = arith.maximumf %max3A_169, %gather3A_175 : vector<16xf32>
      %xor3A_177 = arith.constant 8 : i32
      %xor3A_178 = vector.broadcast %xor3A_177 : i32 to vector<16xi32>
      %xor3A_179 = arith.xori %iota3A, %xor3A_178 : vector<16xi32>
      %broadcast_in_dim3A_180 = vector.shape_cast %xor3A_179 : vector<16xi32> to vector<16x1xi32>
      %gather3A_181 = vector.shape_cast %broadcast_in_dim3A_180 : vector<16x1xi32> to vector<16xi32>
      %gather3A_182 = tpu.dynamic_gather %max3A_176[%gather3A_181] in [0] : vector<16xf32>, vector<16xi32> -> vector<16xf32>
      %max3A_183 = arith.maximumf %max3A_176, %gather3A_182 : vector<16xf32>
      %eq3A_184 = arith.cmpf oeq, %scan3A_157#0, %max3A_183 : vector<16xf32>
      %jit3A = arith.constant 1073741824 : i32
      %broadcast_in_dim3A_185 = vector.broadcast %jit3A : i32 to vector<16xi32>
      %select_n3A = arith.select %eq3A_184, %scan3A_157#1, %broadcast_in_dim3A_185 : vector<16xi1>, vector<16xi32>
      %xor3A_186 = arith.constant 1 : i32
      %xor3A_187 = vector.broadcast %xor3A_186 : i32 to vector<16xi32>
      %xor3A_188 = arith.xori %iota3A, %xor3A_187 : vector<16xi32>
      %broadcast_in_dim3A_189 = vector.shape_cast %xor3A_188 : vector<16xi32> to vector<16x1xi32>
      %gather3A_190 = vector.shape_cast %broadcast_in_dim3A_189 : vector<16x1xi32> to vector<16xi32>
      %gather3A_191 = tpu.dynamic_gather %select_n3A[%gather3A_190] in [0] : vector<16xi32>, vector<16xi32> -> vector<16xi32>
      %min3A = arith.minsi %select_n3A, %gather3A_191 : vector<16xi32>
      %xor3A_192 = arith.constant 2 : i32
      %xor3A_193 = vector.broadcast %xor3A_192 : i32 to vector<16xi32>
      %xor3A_194 = arith.xori %iota3A, %xor3A_193 : vector<16xi32>
      %broadcast_in_dim3A_195 = vector.shape_cast %xor3A_194 : vector<16xi32> to vector<16x1xi32>
      %gather3A_196 = vector.shape_cast %broadcast_in_dim3A_195 : vector<16x1xi32> to vector<16xi32>
      %gather3A_197 = tpu.dynamic_gather %min3A[%gather3A_196] in [0] : vector<16xi32>, vector<16xi32> -> vector<16xi32>
      %min3A_198 = arith.minsi %min3A, %gather3A_197 : vector<16xi32>
      %xor3A_199 = arith.constant 4 : i32
      %xor3A_200 = vector.broadcast %xor3A_199 : i32 to vector<16xi32>
      %xor3A_201 = arith.xori %iota3A, %xor3A_200 : vector<16xi32>
      %broadcast_in_dim3A_202 = vector.shape_cast %xor3A_201 : vector<16xi32> to vector<16x1xi32>
      %gather3A_203 = vector.shape_cast %broadcast_in_dim3A_202 : vector<16x1xi32> to vector<16xi32>
      %gather3A_204 = tpu.dynamic_gather %min3A_198[%gather3A_203] in [0] : vector<16xi32>, vector<16xi32> -> vector<16xi32>
      %min3A_205 = arith.minsi %min3A_198, %gather3A_204 : vector<16xi32>
      %xor3A_206 = arith.constant 8 : i32
      %xor3A_207 = vector.broadcast %xor3A_206 : i32 to vector<16xi32>
      %xor3A_208 = arith.xori %iota3A, %xor3A_207 : vector<16xi32>
      %broadcast_in_dim3A_209 = vector.shape_cast %xor3A_208 : vector<16xi32> to vector<16x1xi32>
      %gather3A_210 = vector.shape_cast %broadcast_in_dim3A_209 : vector<16x1xi32> to vector<16xi32>
      %gather3A_211 = tpu.dynamic_gather %min3A_205[%gather3A_210] in [0] : vector<16xi32>, vector<16xi32> -> vector<16xi32>
      %min3A_212 = arith.minsi %min3A_205, %gather3A_211 : vector<16xi32>
      %add3A_213 = vector.broadcast %scan3A_149 : i32 to vector<16xi32>
      %add3A_214 = arith.addi %broadcast_in_dim3A_7, %add3A_213 : vector<16xi32>
      %mul3A_215 = arith.constant 512 : i32
      %mul3A_216 = vector.broadcast %mul3A_215 : i32 to vector<16xi32>
      %mul3A_217 = arith.muli %add3A_133, %mul3A_216 : vector<16xi32>
      %add3A_218 = arith.addi %mul3A_217, %min3A_212 : vector<16xi32>
      %broadcast_in_dim3A_219 = arith.constant -2.000000e+00 : f32
      %broadcast_in_dim3A_220 = vector.broadcast %broadcast_in_dim3A_219 : f32 to vector<16xf32>
      tpu.vector_store_idx %arg6[%add3A_218], %broadcast_in_dim3A_220 masked %eq3A_6 : memref<4096xf32, #tpu.memory_space<vmem>>[vector<16xi32>], vector<16xf32>, vector<16xi1>
      tpu.vector_store_idx %arg7[%add3A_133, %add3A_214], %min3A_212 masked %eq3A_6 : memref<8x40xi32, #tpu.memory_space<vmem>>[vector<16xi32>, vector<16xi32>], vector<16xi32>, vector<16xi1>
      %add3A_221 = arith.constant 7 : i32
      %add3A_222 = arith.addi %mul3A_2, %add3A_221 : i32
      %mul3A_223 = arith.constant 512 : i32
      %mul3A_224 = arith.muli %add3A_222, %mul3A_223 : i32
      %add3A_225 = vector.broadcast %mul3A_224 : i32 to vector<16xi32>
      %add3A_226 = arith.addi %add3A_225, %min3A_212 : vector<16xi32>
      tpu.vector_store_idx %arg8[%add3A_214], %add3A_226 masked %eq3A_6 : memref<40xi32, #tpu.memory_space<vmem>>[vector<16xi32>], vector<16xi32>, vector<16xi1>
      %scan3A_227 = arith.constant 0 : i32
      scf.yield %scan3A_227 : i32
    }
    %scan3A_140 = arith.constant 40 : i32
    %dma_start3A_141 = arith.constant 0 : i32
    %dma_start3A_142 = arith.constant 0 : i32
    %dma_start3A_143 = tpu.memref_slice %arg3[%dma_start3A_141, %dma_start3A_142] : memref<131072x768xf32, #tpu.memory_space<hbm>> -> memref<131072x768xf32, #tpu.memory_space<hbm>>
    tpu.enqueue_indirect_dma source(%dma_start3A_143 : memref<131072x768xf32, #tpu.memory_space<hbm>>) target(%arg9 : memref<40x768xf32, #tpu.memory_space<vmem>>) offsets(%arg8 : memref<40xi32, #tpu.memory_space<vmem>>) semaphore(%arg10 : memref<!tpu.dma_semaphore, #tpu.memory_space<semaphore_mem>>)
    %dma_wait3A_144 = arith.constant 0 : i32
    %dma_wait3A_145 = arith.constant 0 : i32
    %dma_wait3A_146 = tpu.memref_slice %arg3[%dma_wait3A_144, %dma_wait3A_145] : memref<131072x768xf32, #tpu.memory_space<hbm>> -> memref<131072x768xf32, #tpu.memory_space<hbm>>
    tpu.wait_indirect_dma semaphore(%arg10 : memref<!tpu.dma_semaphore, #tpu.memory_space<semaphore_mem>>) src(%dma_wait3A_146 : memref<131072x768xf32, #tpu.memory_space<hbm>>) dst(%arg9 : memref<40x768xf32, #tpu.memory_space<vmem>>)
    %add3A_147 = arith.constant 7 : i32
    %add3A_148 = arith.addi %mul3A_2, %add3A_147 : i32
    "tpu.region"() ({
      %run_scoped3A = tpu.sem_alloc : memref<!tpu.dma_semaphore, #tpu.memory_space<semaphore_mem>>
      %dma_start3A_149 = arith.constant 0 : i32
      %dma_start3A_150 = arith.constant 0 : i32
      %dma_start3A_151 = tpu.memref_slice %arg5[%add3A_148, %dma_start3A_149, %dma_start3A_150] : memref<256x40x768xf32, #tpu.memory_space<hbm>> -> memref<1x40x768xf32, #tpu.memory_space<hbm>>
      %dma_start3A_152 = tpu.memref_squeeze %dma_start3A_151 : memref<1x40x768xf32, #tpu.memory_space<hbm>> -> memref<40x768xf32, #tpu.memory_space<hbm>>
      %dma_start3A_153 = arith.constant 0 : i32
      %dma_start3A_154 = arith.constant 0 : i32
      %dma_start3A_155 = tpu.memref_slice %arg5[%add3A_148, %dma_start3A_153, %dma_start3A_154] : memref<256x40x768xf32, #tpu.memory_space<hbm>> -> memref<1x40x768xf32, #tpu.memory_space<hbm>>
      %dma_start3A_156 = tpu.memref_squeeze %dma_start3A_155 : memref<1x40x768xf32, #tpu.memory_space<hbm>> -> memref<40x768xf32, #tpu.memory_space<hbm>>
      tpu.enqueue_dma source(%arg9 : memref<40x768xf32, #tpu.memory_space<vmem>>) target(%dma_start3A_156 : memref<40x768xf32, #tpu.memory_space<hbm>>) target_semaphore(%run_scoped3A : memref<!tpu.dma_semaphore, #tpu.memory_space<semaphore_mem>>)
      %dma_wait3A_157 = arith.constant 0 : i32
      %dma_wait3A_158 = arith.constant 0 : i32
      %dma_wait3A_159 = tpu.memref_slice %arg5[%add3A_148, %dma_wait3A_157, %dma_wait3A_158] : memref<256x40x768xf32, #tpu.memory_space<hbm>> -> memref<1x40x768xf32, #tpu.memory_space<hbm>>
      %dma_wait3A_160 = tpu.memref_squeeze %dma_wait3A_159 : memref<1x40x768xf32, #tpu.memory_space<hbm>> -> memref<40x768xf32, #tpu.memory_space<hbm>>
      %dma_wait3A_161 = arith.constant 0 : i32
      %dma_wait3A_162 = arith.constant 0 : i32
      %dma_wait3A_163 = tpu.memref_slice %arg5[%add3A_148, %dma_wait3A_161, %dma_wait3A_162] : memref<256x40x768xf32, #tpu.memory_space<hbm>> -> memref<1x40x768xf32, #tpu.memory_space<hbm>>
      %dma_wait3A_164 = tpu.memref_squeeze %dma_wait3A_163 : memref<1x40x768xf32, #tpu.memory_space<hbm>> -> memref<40x768xf32, #tpu.memory_space<hbm>>
      tpu.wait_dma2 semaphore(%run_scoped3A : memref<!tpu.dma_semaphore, #tpu.memory_space<semaphore_mem>>) src(%arg9 : memref<40x768xf32, #tpu.memory_space<vmem>>) dst(%dma_wait3A_164 : memref<40x768xf32, #tpu.memory_space<hbm>>)
      tpu.yield
    }) : () -> ()
    "tpu.region"() ({
      %run_scoped3A = tpu.sem_alloc : memref<!tpu.dma_semaphore, #tpu.memory_space<semaphore_mem>>
      %dma_start3A_149 = arith.constant 0 : i32
      %dma_start3A_150 = tpu.memref_slice %arg4[%mul3A_2, %dma_start3A_149] : memref<256x40xi32, #tpu.memory_space<hbm>> -> memref<8x40xi32, #tpu.memory_space<hbm>>
      %dma_start3A_151 = arith.constant 0 : i32
      %dma_start3A_152 = tpu.memref_slice %arg4[%mul3A_2, %dma_start3A_151] : memref<256x40xi32, #tpu.memory_space<hbm>> -> memref<8x40xi32, #tpu.memory_space<hbm>>
      tpu.enqueue_dma source(%arg7 : memref<8x40xi32, #tpu.memory_space<vmem>>) target(%dma_start3A_152 : memref<8x40xi32, #tpu.memory_space<hbm>>) target_semaphore(%run_scoped3A : memref<!tpu.dma_semaphore, #tpu.memory_space<semaphore_mem>>)
      %dma_wait3A_153 = arith.constant 0 : i32
      %dma_wait3A_154 = tpu.memref_slice %arg4[%mul3A_2, %dma_wait3A_153] : memref<256x40xi32, #tpu.memory_space<hbm>> -> memref<8x40xi32, #tpu.memory_space<hbm>>
      %dma_wait3A_155 = arith.constant 0 : i32
      %dma_wait3A_156 = tpu.memref_slice %arg4[%mul3A_2, %dma_wait3A_155] : memref<256x40xi32, #tpu.memory_space<hbm>> -> memref<8x40xi32, #tpu.memory_space<hbm>>
      tpu.wait_dma2 semaphore(%run_scoped3A : memref<!tpu.dma_semaphore, #tpu.memory_space<semaphore_mem>>) src(%arg7 : memref<8x40xi32, #tpu.memory_space<vmem>>) dst(%dma_wait3A_156 : memref<8x40xi32, #tpu.memory_space<hbm>>)
      tpu.yield
    }) : () -> ()
    return
  }
}

module attributes {stable_mosaic.version = 14 : i64} {
  func.func @_fe_imp_body(%arg0: i32, %arg1: memref<4x512x6xf32, #tpu.memory_space<vmem>>, %arg2: memref<6x256xf32, #tpu.memory_space<vmem>>, %arg3: memref<1x256xf32, #tpu.memory_space<vmem>>, %arg4: memref<1x256xf32, #tpu.memory_space<vmem>>, %arg5: memref<1x256xf32, #tpu.memory_space<vmem>>, %arg6: memref<256x768xf32, #tpu.memory_space<vmem>>, %arg7: memref<1x768xf32, #tpu.memory_space<vmem>>, %arg8: memref<1x768xf32, #tpu.memory_space<vmem>>, %arg9: memref<1x768xf32, #tpu.memory_space<vmem>>, %arg10: memref<768x384xf32, #tpu.memory_space<vmem>>, %arg11: memref<1x384xf32, #tpu.memory_space<vmem>>, %arg12: memref<1x384xf32, #tpu.memory_space<vmem>>, %arg13: memref<1x384xf32, #tpu.memory_space<vmem>>, %arg14: memref<384x1xf32, #tpu.memory_space<vmem>>, %arg15: memref<1x1xf32, #tpu.memory_space<vmem>>, %arg16: memref<4x512x768xf32, #tpu.memory_space<vmem>>, %arg17: memref<4x512x1xf32, #tpu.memory_space<vmem>>) attributes {dimension_semantics = [#tpu.dimension_semantics<arbitrary>], iteration_bounds = array<i64: 64>, scalar_prefetch = 0 : i64, scratch_operands = 0 : i64, tpu.core_type = #tpu.core_type<tc>, window_params = [{transform_indices = @transform_0, window_bounds = array<i64: 4, 512, 6>}, {pipeline_mode = #tpu.pipeline_mode<synchronous>, transform_indices = @transform_1, window_bounds = array<i64: 6, 256>}, {pipeline_mode = #tpu.pipeline_mode<synchronous>, transform_indices = @transform_2, window_bounds = array<i64: 1, 256>}, {pipeline_mode = #tpu.pipeline_mode<synchronous>, transform_indices = @transform_3, window_bounds = array<i64: 1, 256>}, {pipeline_mode = #tpu.pipeline_mode<synchronous>, transform_indices = @transform_4, window_bounds = array<i64: 1, 256>}, {pipeline_mode = #tpu.pipeline_mode<synchronous>, transform_indices = @transform_5, window_bounds = array<i64: 256, 768>}, {pipeline_mode = #tpu.pipeline_mode<synchronous>, transform_indices = @transform_6, window_bounds = array<i64: 1, 768>}, {pipeline_mode = #tpu.pipeline_mode<synchronous>, transform_indices = @transform_7, window_bounds = array<i64: 1, 768>}, {pipeline_mode = #tpu.pipeline_mode<synchronous>, transform_indices = @transform_8, window_bounds = array<i64: 1, 768>}, {pipeline_mode = #tpu.pipeline_mode<synchronous>, transform_indices = @transform_9, window_bounds = array<i64: 768, 384>}, {pipeline_mode = #tpu.pipeline_mode<synchronous>, transform_indices = @transform_10, window_bounds = array<i64: 1, 384>}, {pipeline_mode = #tpu.pipeline_mode<synchronous>, transform_indices = @transform_11, window_bounds = array<i64: 1, 384>}, {pipeline_mode = #tpu.pipeline_mode<synchronous>, transform_indices = @transform_12, window_bounds = array<i64: 1, 384>}, {pipeline_mode = #tpu.pipeline_mode<synchronous>, transform_indices = @transform_13, window_bounds = array<i64: 384, 1>}, {pipeline_mode = #tpu.pipeline_mode<synchronous>, transform_indices = @transform_14, window_bounds = array<i64: 1, 1>}, {transform_indices = @transform_15, window_bounds = array<i64: 4, 512, 768>}, {transform_indices = @transform_16, window_bounds = array<i64: 4, 512, 1>}]} {
    %get3A = arith.constant 0 : index
    %get3A_0 = arith.constant 0 : index
    %get3A_1 = arith.constant 0 : index
    %get3A_2 = vector.load %arg1[%get3A, %get3A_0, %get3A_1] : memref<4x512x6xf32, #tpu.memory_space<vmem>>, vector<4x512x6xf32>
    %reshape3A = vector.shape_cast %get3A_2 : vector<4x512x6xf32> to vector<2048x6xf32>
    %get3A_3 = arith.constant 0 : index
    %get3A_4 = arith.constant 0 : index
    %get3A_5 = vector.load %arg2[%get3A_3, %get3A_4] : memref<6x256xf32, #tpu.memory_space<vmem>>, vector<6x256xf32>
    %dot_general3A = arith.constant dense<0.000000e+00> : vector<2048x256xf32>
    %dot_general3A_6 = tpu.matmul %reshape3A, %get3A_5, %dot_general3A {dimension_numbers = #tpu.dot_dimension_numbers<[1], [0], [0], [1], [0, 0, 1, 1], [], []>, transpose_lhs_hint = false} : vector<2048x6xf32>, vector<6x256xf32>, vector<2048x256xf32> -> vector<2048x256xf32>
    %get3A_7 = arith.constant 0 : index
    %get3A_8 = arith.constant 0 : index
    %get3A_9 = vector.load %arg3[%get3A_7, %get3A_8] : memref<1x256xf32, #tpu.memory_space<vmem>>, vector<1x256xf32>
    %add3A = vector.broadcast %get3A_9 : vector<1x256xf32> to vector<2048x256xf32>
    %add3A_10 = arith.addf %dot_general3A_6, %add3A : vector<2048x256xf32>
    %get3A_11 = arith.constant 0 : index
    %get3A_12 = arith.constant 0 : index
    %get3A_13 = vector.load %arg4[%get3A_11, %get3A_12] : memref<1x256xf32, #tpu.memory_space<vmem>>, vector<1x256xf32>
    %get3A_14 = arith.constant 0 : index
    %get3A_15 = arith.constant 0 : index
    %get3A_16 = vector.load %arg5[%get3A_14, %get3A_15] : memref<1x256xf32, #tpu.memory_space<vmem>>, vector<1x256xf32>
    %reduce_sum3A = arith.constant dense<0.000000e+00> : vector<2048xf32>
    %reduce_sum3A_17 = vector.multi_reduction <add>, %add3A_10, %reduce_sum3A [1] : vector<2048x256xf32> to vector<2048xf32>
    %broadcast_in_dim3A = vector.shape_cast %reduce_sum3A_17 : vector<2048xf32> to vector<2048x1xf32>
    %div3A = arith.constant 2.560000e+02 : f32
    %div3A_18 = vector.broadcast %div3A : f32 to vector<2048x1xf32>
    %div3A_19 = arith.divf %broadcast_in_dim3A, %div3A_18 : vector<2048x1xf32>
    %sub3A = vector.broadcast %div3A_19 : vector<2048x1xf32> to vector<2048x256xf32>
    %sub3A_20 = arith.subf %add3A_10, %sub3A : vector<2048x256xf32>
    %mul3A = arith.mulf %sub3A_20, %sub3A_20 : vector<2048x256xf32>
    %reduce_sum3A_21 = arith.constant dense<0.000000e+00> : vector<2048xf32>
    %reduce_sum3A_22 = vector.multi_reduction <add>, %mul3A, %reduce_sum3A_21 [1] : vector<2048x256xf32> to vector<2048xf32>
    %broadcast_in_dim3A_23 = vector.shape_cast %reduce_sum3A_22 : vector<2048xf32> to vector<2048x1xf32>
    %div3A_24 = arith.constant 2.560000e+02 : f32
    %div3A_25 = vector.broadcast %div3A_24 : f32 to vector<2048x1xf32>
    %div3A_26 = arith.divf %broadcast_in_dim3A_23, %div3A_25 : vector<2048x1xf32>
    %add3A_27 = arith.constant 9.99999974E-6 : f32
    %add3A_28 = vector.broadcast %add3A_27 : f32 to vector<2048x1xf32>
    %add3A_29 = arith.addf %div3A_26, %add3A_28 : vector<2048x1xf32>
    %sqrt3A = math.sqrt %add3A_29 : vector<2048x1xf32>
    %div3A_30 = vector.broadcast %sqrt3A : vector<2048x1xf32> to vector<2048x256xf32>
    %div3A_31 = arith.divf %sub3A_20, %div3A_30 : vector<2048x256xf32>
    %mul3A_32 = vector.broadcast %get3A_13 : vector<1x256xf32> to vector<2048x256xf32>
    %mul3A_33 = arith.mulf %div3A_31, %mul3A_32 : vector<2048x256xf32>
    %add3A_34 = vector.broadcast %get3A_16 : vector<1x256xf32> to vector<2048x256xf32>
    %add3A_35 = arith.addf %mul3A_33, %add3A_34 : vector<2048x256xf32>
    %max3A = arith.constant 0.000000e+00 : f32
    %max3A_36 = vector.broadcast %max3A : f32 to vector<2048x256xf32>
    %max3A_37 = arith.maximumf %add3A_35, %max3A_36 : vector<2048x256xf32>
    %get3A_38 = arith.constant 0 : index
    %get3A_39 = arith.constant 0 : index
    %get3A_40 = vector.load %arg6[%get3A_38, %get3A_39] : memref<256x768xf32, #tpu.memory_space<vmem>>, vector<256x768xf32>
    %dot_general3A_41 = arith.constant dense<0.000000e+00> : vector<2048x768xf32>
    %dot_general3A_42 = tpu.matmul %max3A_37, %get3A_40, %dot_general3A_41 {dimension_numbers = #tpu.dot_dimension_numbers<[1], [0], [0], [1], [0, 0, 1, 1], [], []>, transpose_lhs_hint = false} : vector<2048x256xf32>, vector<256x768xf32>, vector<2048x768xf32> -> vector<2048x768xf32>
    %get3A_43 = arith.constant 0 : index
    %get3A_44 = arith.constant 0 : index
    %get3A_45 = vector.load %arg7[%get3A_43, %get3A_44] : memref<1x768xf32, #tpu.memory_space<vmem>>, vector<1x768xf32>
    %add3A_46 = vector.broadcast %get3A_45 : vector<1x768xf32> to vector<2048x768xf32>
    %add3A_47 = arith.addf %dot_general3A_42, %add3A_46 : vector<2048x768xf32>
    %get3A_48 = arith.constant 0 : index
    %get3A_49 = arith.constant 0 : index
    %get3A_50 = vector.load %arg8[%get3A_48, %get3A_49] : memref<1x768xf32, #tpu.memory_space<vmem>>, vector<1x768xf32>
    %get3A_51 = arith.constant 0 : index
    %get3A_52 = arith.constant 0 : index
    %get3A_53 = vector.load %arg9[%get3A_51, %get3A_52] : memref<1x768xf32, #tpu.memory_space<vmem>>, vector<1x768xf32>
    %reduce_sum3A_54 = arith.constant dense<0.000000e+00> : vector<2048xf32>
    %reduce_sum3A_55 = vector.multi_reduction <add>, %add3A_47, %reduce_sum3A_54 [1] : vector<2048x768xf32> to vector<2048xf32>
    %broadcast_in_dim3A_56 = vector.shape_cast %reduce_sum3A_55 : vector<2048xf32> to vector<2048x1xf32>
    %div3A_57 = arith.constant 7.680000e+02 : f32
    %div3A_58 = vector.broadcast %div3A_57 : f32 to vector<2048x1xf32>
    %div3A_59 = arith.divf %broadcast_in_dim3A_56, %div3A_58 : vector<2048x1xf32>
    %sub3A_60 = vector.broadcast %div3A_59 : vector<2048x1xf32> to vector<2048x768xf32>
    %sub3A_61 = arith.subf %add3A_47, %sub3A_60 : vector<2048x768xf32>
    %mul3A_62 = arith.mulf %sub3A_61, %sub3A_61 : vector<2048x768xf32>
    %reduce_sum3A_63 = arith.constant dense<0.000000e+00> : vector<2048xf32>
    %reduce_sum3A_64 = vector.multi_reduction <add>, %mul3A_62, %reduce_sum3A_63 [1] : vector<2048x768xf32> to vector<2048xf32>
    %broadcast_in_dim3A_65 = vector.shape_cast %reduce_sum3A_64 : vector<2048xf32> to vector<2048x1xf32>
    %div3A_66 = arith.constant 7.680000e+02 : f32
    %div3A_67 = vector.broadcast %div3A_66 : f32 to vector<2048x1xf32>
    %div3A_68 = arith.divf %broadcast_in_dim3A_65, %div3A_67 : vector<2048x1xf32>
    %add3A_69 = arith.constant 9.99999974E-6 : f32
    %add3A_70 = vector.broadcast %add3A_69 : f32 to vector<2048x1xf32>
    %add3A_71 = arith.addf %div3A_68, %add3A_70 : vector<2048x1xf32>
    %sqrt3A_72 = math.sqrt %add3A_71 : vector<2048x1xf32>
    %div3A_73 = vector.broadcast %sqrt3A_72 : vector<2048x1xf32> to vector<2048x768xf32>
    %div3A_74 = arith.divf %sub3A_61, %div3A_73 : vector<2048x768xf32>
    %mul3A_75 = vector.broadcast %get3A_50 : vector<1x768xf32> to vector<2048x768xf32>
    %mul3A_76 = arith.mulf %div3A_74, %mul3A_75 : vector<2048x768xf32>
    %add3A_77 = vector.broadcast %get3A_53 : vector<1x768xf32> to vector<2048x768xf32>
    %add3A_78 = arith.addf %mul3A_76, %add3A_77 : vector<2048x768xf32>
    %reshape3A_79 = vector.shape_cast %add3A_78 : vector<2048x768xf32> to vector<4x512x768xf32>
    %swap3A = arith.constant 0 : index
    %swap3A_80 = arith.constant 0 : index
    %swap3A_81 = arith.constant 0 : index
    %swap3A_82 = vector.load %arg16[%swap3A, %swap3A_80, %swap3A_81] : memref<4x512x768xf32, #tpu.memory_space<vmem>>, vector<4x512x768xf32>
    tpu.vector_store %arg16[%swap3A, %swap3A_80, %swap3A_81], %reshape3A_79 {strides = array<i32>} : memref<4x512x768xf32, #tpu.memory_space<vmem>>, vector<4x512x768xf32>,
    %get3A_83 = arith.constant 0 : index
    %get3A_84 = arith.constant 0 : index
    %get3A_85 = vector.load %arg10[%get3A_83, %get3A_84] : memref<768x384xf32, #tpu.memory_space<vmem>>, vector<768x384xf32>
    %dot_general3A_86 = arith.constant dense<0.000000e+00> : vector<2048x384xf32>
    %dot_general3A_87 = tpu.matmul %add3A_78, %get3A_85, %dot_general3A_86 {dimension_numbers = #tpu.dot_dimension_numbers<[1], [0], [0], [1], [0, 0, 1, 1], [], []>, transpose_lhs_hint = false} : vector<2048x768xf32>, vector<768x384xf32>, vector<2048x384xf32> -> vector<2048x384xf32>
    %get3A_88 = arith.constant 0 : index
    %get3A_89 = arith.constant 0 : index
    %get3A_90 = vector.load %arg11[%get3A_88, %get3A_89] : memref<1x384xf32, #tpu.memory_space<vmem>>, vector<1x384xf32>
    %add3A_91 = vector.broadcast %get3A_90 : vector<1x384xf32> to vector<2048x384xf32>
    %add3A_92 = arith.addf %dot_general3A_87, %add3A_91 : vector<2048x384xf32>
    %get3A_93 = arith.constant 0 : index
    %get3A_94 = arith.constant 0 : index
    %get3A_95 = vector.load %arg12[%get3A_93, %get3A_94] : memref<1x384xf32, #tpu.memory_space<vmem>>, vector<1x384xf32>
    %get3A_96 = arith.constant 0 : index
    %get3A_97 = arith.constant 0 : index
    %get3A_98 = vector.load %arg13[%get3A_96, %get3A_97] : memref<1x384xf32, #tpu.memory_space<vmem>>, vector<1x384xf32>
    %reduce_sum3A_99 = arith.constant dense<0.000000e+00> : vector<2048xf32>
    %reduce_sum3A_100 = vector.multi_reduction <add>, %add3A_92, %reduce_sum3A_99 [1] : vector<2048x384xf32> to vector<2048xf32>
    %broadcast_in_dim3A_101 = vector.shape_cast %reduce_sum3A_100 : vector<2048xf32> to vector<2048x1xf32>
    %div3A_102 = arith.constant 3.840000e+02 : f32
    %div3A_103 = vector.broadcast %div3A_102 : f32 to vector<2048x1xf32>
    %div3A_104 = arith.divf %broadcast_in_dim3A_101, %div3A_103 : vector<2048x1xf32>
    %sub3A_105 = vector.broadcast %div3A_104 : vector<2048x1xf32> to vector<2048x384xf32>
    %sub3A_106 = arith.subf %add3A_92, %sub3A_105 : vector<2048x384xf32>
    %mul3A_107 = arith.mulf %sub3A_106, %sub3A_106 : vector<2048x384xf32>
    %reduce_sum3A_108 = arith.constant dense<0.000000e+00> : vector<2048xf32>
    %reduce_sum3A_109 = vector.multi_reduction <add>, %mul3A_107, %reduce_sum3A_108 [1] : vector<2048x384xf32> to vector<2048xf32>
    %broadcast_in_dim3A_110 = vector.shape_cast %reduce_sum3A_109 : vector<2048xf32> to vector<2048x1xf32>
    %div3A_111 = arith.constant 3.840000e+02 : f32
    %div3A_112 = vector.broadcast %div3A_111 : f32 to vector<2048x1xf32>
    %div3A_113 = arith.divf %broadcast_in_dim3A_110, %div3A_112 : vector<2048x1xf32>
    %add3A_114 = arith.constant 9.99999974E-6 : f32
    %add3A_115 = vector.broadcast %add3A_114 : f32 to vector<2048x1xf32>
    %add3A_116 = arith.addf %div3A_113, %add3A_115 : vector<2048x1xf32>
    %sqrt3A_117 = math.sqrt %add3A_116 : vector<2048x1xf32>
    %div3A_118 = vector.broadcast %sqrt3A_117 : vector<2048x1xf32> to vector<2048x384xf32>
    %div3A_119 = arith.divf %sub3A_106, %div3A_118 : vector<2048x384xf32>
    %mul3A_120 = vector.broadcast %get3A_95 : vector<1x384xf32> to vector<2048x384xf32>
    %mul3A_121 = arith.mulf %div3A_119, %mul3A_120 : vector<2048x384xf32>
    %add3A_122 = vector.broadcast %get3A_98 : vector<1x384xf32> to vector<2048x384xf32>
    %add3A_123 = arith.addf %mul3A_121, %add3A_122 : vector<2048x384xf32>
    %mul3A_124 = arith.constant 5.000000e-01 : f32
    %mul3A_125 = vector.broadcast %mul3A_124 : f32 to vector<2048x384xf32>
    %mul3A_126 = arith.mulf %mul3A_125, %add3A_123 : vector<2048x384xf32>
    %neg3A = arith.constant 0.000000e+00 : f32
    %neg3A_127 = vector.broadcast %neg3A : f32 to vector<2048x384xf32>
    %neg3A_128 = arith.subf %neg3A_127, %add3A_123 : vector<2048x384xf32>
    %mul3A_129 = arith.constant 0.707106769 : f32
    %mul3A_130 = vector.broadcast %mul3A_129 : f32 to vector<2048x384xf32>
    %mul3A_131 = arith.mulf %neg3A_128, %mul3A_130 : vector<2048x384xf32>
    %erf3A = math.erf %mul3A_131 : vector<2048x384xf32>
    %sub3A_132 = arith.constant 1.000000e+00 : f32
    %sub3A_133 = vector.broadcast %sub3A_132 : f32 to vector<2048x384xf32>
    %sub3A_134 = arith.subf %sub3A_133, %erf3A : vector<2048x384xf32>
    %mul3A_135 = arith.mulf %mul3A_126, %sub3A_134 : vector<2048x384xf32>
    %get3A_136 = arith.constant 0 : index
    %get3A_137 = arith.constant 0 : index
    %get3A_138 = vector.load %arg14[%get3A_136, %get3A_137] : memref<384x1xf32, #tpu.memory_space<vmem>>, vector<384x1xf32>
    %dot_general3A_139 = arith.constant dense<0.000000e+00> : vector<2048x1xf32>
    %dot_general3A_140 = tpu.matmul %mul3A_135, %get3A_138, %dot_general3A_139 {dimension_numbers = #tpu.dot_dimension_numbers<[1], [0], [0], [1], [0, 0, 1, 1], [], []>, transpose_lhs_hint = false} : vector<2048x384xf32>, vector<384x1xf32>, vector<2048x1xf32> -> vector<2048x1xf32>
    %get3A_141 = arith.constant 0 : index
    %get3A_142 = arith.constant 0 : index
    %get3A_143 = vector.load %arg15[%get3A_141, %get3A_142] : memref<1x1xf32, #tpu.memory_space<vmem>>, vector<1x1xf32>
    %add3A_144 = vector.broadcast %get3A_143 : vector<1x1xf32> to vector<2048x1xf32>
    %add3A_145 = arith.addf %dot_general3A_140, %add3A_144 : vector<2048x1xf32>
    %logistic3A = arith.negf %add3A_145 : vector<2048x1xf32>
    %logistic3A_146 = math.exp %logistic3A : vector<2048x1xf32>
    %logistic3A_147 = arith.constant 1.000000e+00 : f32
    %logistic3A_148 = vector.broadcast %logistic3A_147 : f32 to vector<2048x1xf32>
    %logistic3A_149 = arith.addf %logistic3A_148, %logistic3A_146 : vector<2048x1xf32>
    %logistic3A_150 = arith.divf %logistic3A_148, %logistic3A_149 : vector<2048x1xf32>
    %reshape3A_151 = vector.shape_cast %logistic3A_150 : vector<2048x1xf32> to vector<4x512x1xf32>
    %swap3A_152 = arith.constant 0 : index
    %swap3A_153 = arith.constant 0 : index
    %swap3A_154 = arith.constant 0 : index
    %swap3A_155 = vector.load %arg17[%swap3A_152, %swap3A_153, %swap3A_154] : memref<4x512x1xf32, #tpu.memory_space<vmem>>, vector<4x512x1xf32>
    tpu.vector_store %arg17[%swap3A_152, %swap3A_153, %swap3A_154], %reshape3A_151 {strides = array<i32>} : memref<4x512x1xf32, #tpu.memory_space<vmem>>, vector<4x512x1xf32>,
    return
  }
  func.func @transform_0(%arg0: i32) -> (i32, i32, i32) {
    %c0_i32 = arith.constant 0 : i32
    %c0_i32_0 = arith.constant 0 : i32
    %c0_i32_1 = arith.constant 0 : i32
    return %arg0, %c0_i32, %c0_i32_0 : i32, i32, i32
  }
  func.func @transform_1(%arg0: i32) -> (i32, i32) {
    %c0_i32 = arith.constant 0 : i32
    %c0_i32_0 = arith.constant 0 : i32
    %c0_i32_1 = arith.constant 0 : i32
    return %c0_i32, %c0_i32_0 : i32, i32
  }
  func.func @transform_2(%arg0: i32) -> (i32, i32) {
    %c0_i32 = arith.constant 0 : i32
    %c0_i32_0 = arith.constant 0 : i32
    %c0_i32_1 = arith.constant 0 : i32
    return %c0_i32, %c0_i32_0 : i32, i32
  }
  func.func @transform_3(%arg0: i32) -> (i32, i32) {
    %c0_i32 = arith.constant 0 : i32
    %c0_i32_0 = arith.constant 0 : i32
    %c0_i32_1 = arith.constant 0 : i32
    return %c0_i32, %c0_i32_0 : i32, i32
  }
  func.func @transform_4(%arg0: i32) -> (i32, i32) {
    %c0_i32 = arith.constant 0 : i32
    %c0_i32_0 = arith.constant 0 : i32
    %c0_i32_1 = arith.constant 0 : i32
    return %c0_i32, %c0_i32_0 : i32, i32
  }
  func.func @transform_5(%arg0: i32) -> (i32, i32) {
    %c0_i32 = arith.constant 0 : i32
    %c0_i32_0 = arith.constant 0 : i32
    %c0_i32_1 = arith.constant 0 : i32
    return %c0_i32, %c0_i32_0 : i32, i32
  }
  func.func @transform_6(%arg0: i32) -> (i32, i32) {
    %c0_i32 = arith.constant 0 : i32
    %c0_i32_0 = arith.constant 0 : i32
    %c0_i32_1 = arith.constant 0 : i32
    return %c0_i32, %c0_i32_0 : i32, i32
  }
  func.func @transform_7(%arg0: i32) -> (i32, i32) {
    %c0_i32 = arith.constant 0 : i32
    %c0_i32_0 = arith.constant 0 : i32
    %c0_i32_1 = arith.constant 0 : i32
    return %c0_i32, %c0_i32_0 : i32, i32
  }
  func.func @transform_8(%arg0: i32) -> (i32, i32) {
    %c0_i32 = arith.constant 0 : i32
    %c0_i32_0 = arith.constant 0 : i32
    %c0_i32_1 = arith.constant 0 : i32
    return %c0_i32, %c0_i32_0 : i32, i32
  }
  func.func @transform_9(%arg0: i32) -> (i32, i32) {
    %c0_i32 = arith.constant 0 : i32
    %c0_i32_0 = arith.constant 0 : i32
    %c0_i32_1 = arith.constant 0 : i32
    return %c0_i32, %c0_i32_0 : i32, i32
  }
  func.func @transform_10(%arg0: i32) -> (i32, i32) {
    %c0_i32 = arith.constant 0 : i32
    %c0_i32_0 = arith.constant 0 : i32
    %c0_i32_1 = arith.constant 0 : i32
    return %c0_i32, %c0_i32_0 : i32, i32
  }
  func.func @transform_11(%arg0: i32) -> (i32, i32) {
    %c0_i32 = arith.constant 0 : i32
    %c0_i32_0 = arith.constant 0 : i32
    %c0_i32_1 = arith.constant 0 : i32
    return %c0_i32, %c0_i32_0 : i32, i32
  }
  func.func @transform_12(%arg0: i32) -> (i32, i32) {
    %c0_i32 = arith.constant 0 : i32
    %c0_i32_0 = arith.constant 0 : i32
    %c0_i32_1 = arith.constant 0 : i32
    return %c0_i32, %c0_i32_0 : i32, i32
  }
  func.func @transform_13(%arg0: i32) -> (i32, i32) {
    %c0_i32 = arith.constant 0 : i32
    %c0_i32_0 = arith.constant 0 : i32
    %c0_i32_1 = arith.constant 0 : i32
    return %c0_i32, %c0_i32_0 : i32, i32
  }
  func.func @transform_14(%arg0: i32) -> (i32, i32) {
    %c0_i32 = arith.constant 0 : i32
    %c0_i32_0 = arith.constant 0 : i32
    %c0_i32_1 = arith.constant 0 : i32
    return %c0_i32, %c0_i32_0 : i32, i32
  }
  func.func @transform_15(%arg0: i32) -> (i32, i32, i32) {
    %c0_i32 = arith.constant 0 : i32
    %c0_i32_0 = arith.constant 0 : i32
    %c0_i32_1 = arith.constant 0 : i32
    return %arg0, %c0_i32, %c0_i32_0 : i32, i32, i32
  }
  func.func @transform_16(%arg0: i32) -> (i32, i32, i32) {
    %c0_i32 = arith.constant 0 : i32
    %c0_i32_0 = arith.constant 0 : i32
    %c0_i32_1 = arith.constant 0 : i32
    return %arg0, %c0_i32, %c0_i32_0 : i32, i32, i32
  }
}

module attributes {stable_mosaic.version = 14 : i64} {
  func.func @_cls_body(%arg0: i32, %arg1: memref<64x40x768xf32, #tpu.memory_space<vmem>>, %arg2: memref<768x384xf32, #tpu.memory_space<vmem>>, %arg3: memref<1x384xf32, #tpu.memory_space<vmem>>, %arg4: memref<1x384xf32, #tpu.memory_space<vmem>>, %arg5: memref<1x384xf32, #tpu.memory_space<vmem>>, %arg6: memref<384x3xf32, #tpu.memory_space<vmem>>, %arg7: memref<1x3xf32, #tpu.memory_space<vmem>>, %arg8: memref<64x3xf32, #tpu.memory_space<vmem>>, %arg9: memref<64x3xf32, #tpu.memory_space<vmem>>, %arg10: memref<64x1xi32, #tpu.memory_space<vmem>>, %arg11: memref<64x1xf32, #tpu.memory_space<vmem>>) attributes {dimension_semantics = [#tpu.dimension_semantics<arbitrary>], iteration_bounds = array<i64: 4>, scalar_prefetch = 0 : i64, scratch_operands = 0 : i64, tpu.core_type = #tpu.core_type<tc>, window_params = [{transform_indices = @transform_0, window_bounds = array<i64: 64, 40, 768>}, {pipeline_mode = #tpu.pipeline_mode<synchronous>, transform_indices = @transform_1, window_bounds = array<i64: 768, 384>}, {pipeline_mode = #tpu.pipeline_mode<synchronous>, transform_indices = @transform_2, window_bounds = array<i64: 1, 384>}, {pipeline_mode = #tpu.pipeline_mode<synchronous>, transform_indices = @transform_3, window_bounds = array<i64: 1, 384>}, {pipeline_mode = #tpu.pipeline_mode<synchronous>, transform_indices = @transform_4, window_bounds = array<i64: 1, 384>}, {pipeline_mode = #tpu.pipeline_mode<synchronous>, transform_indices = @transform_5, window_bounds = array<i64: 384, 3>}, {pipeline_mode = #tpu.pipeline_mode<synchronous>, transform_indices = @transform_6, window_bounds = array<i64: 1, 3>}, {transform_indices = @transform_7, window_bounds = array<i64: 64, 3>}, {transform_indices = @transform_8, window_bounds = array<i64: 64, 3>}, {transform_indices = @transform_9, window_bounds = array<i64: 64, 1>}, {transform_indices = @transform_10, window_bounds = array<i64: 64, 1>}]} {
    %get3A = arith.constant 0 : index
    %get3A_0 = arith.constant 0 : index
    %get3A_1 = arith.constant 0 : index
    %get3A_2 = vector.load %arg1[%get3A, %get3A_0, %get3A_1] : memref<64x40x768xf32, #tpu.memory_space<vmem>>, vector<64x40x768xf32>
    %reduce_sum3A = arith.constant dense<0.000000e+00> : vector<64x768xf32>
    %reduce_sum3A_3 = vector.multi_reduction <add>, %get3A_2, %reduce_sum3A [1] : vector<64x40x768xf32> to vector<64x768xf32>
    %div3A = arith.constant 4.000000e+01 : f32
    %div3A_4 = vector.broadcast %div3A : f32 to vector<64x768xf32>
    %div3A_5 = arith.divf %reduce_sum3A_3, %div3A_4 : vector<64x768xf32>
    %get3A_6 = arith.constant 0 : index
    %get3A_7 = arith.constant 0 : index
    %get3A_8 = vector.load %arg2[%get3A_6, %get3A_7] : memref<768x384xf32, #tpu.memory_space<vmem>>, vector<768x384xf32>
    %dot_general3A = arith.constant dense<0.000000e+00> : vector<64x384xf32>
    %dot_general3A_9 = tpu.matmul %div3A_5, %get3A_8, %dot_general3A {dimension_numbers = #tpu.dot_dimension_numbers<[1], [0], [0], [1], [0, 0, 1, 1], [], []>, transpose_lhs_hint = false} : vector<64x768xf32>, vector<768x384xf32>, vector<64x384xf32> -> vector<64x384xf32>
    %get3A_10 = arith.constant 0 : index
    %get3A_11 = arith.constant 0 : index
    %get3A_12 = vector.load %arg3[%get3A_10, %get3A_11] : memref<1x384xf32, #tpu.memory_space<vmem>>, vector<1x384xf32>
    %add3A = vector.broadcast %get3A_12 : vector<1x384xf32> to vector<64x384xf32>
    %add3A_13 = arith.addf %dot_general3A_9, %add3A : vector<64x384xf32>
    %get3A_14 = arith.constant 0 : index
    %get3A_15 = arith.constant 0 : index
    %get3A_16 = vector.load %arg4[%get3A_14, %get3A_15] : memref<1x384xf32, #tpu.memory_space<vmem>>, vector<1x384xf32>
    %get3A_17 = arith.constant 0 : index
    %get3A_18 = arith.constant 0 : index
    %get3A_19 = vector.load %arg5[%get3A_17, %get3A_18] : memref<1x384xf32, #tpu.memory_space<vmem>>, vector<1x384xf32>
    %reduce_sum3A_20 = arith.constant dense<0.000000e+00> : vector<64xf32>
    %reduce_sum3A_21 = vector.multi_reduction <add>, %add3A_13, %reduce_sum3A_20 [1] : vector<64x384xf32> to vector<64xf32>
    %broadcast_in_dim3A = vector.shape_cast %reduce_sum3A_21 : vector<64xf32> to vector<64x1xf32>
    %div3A_22 = arith.constant 3.840000e+02 : f32
    %div3A_23 = vector.broadcast %div3A_22 : f32 to vector<64x1xf32>
    %div3A_24 = arith.divf %broadcast_in_dim3A, %div3A_23 : vector<64x1xf32>
    %sub3A = vector.broadcast %div3A_24 : vector<64x1xf32> to vector<64x384xf32>
    %sub3A_25 = arith.subf %add3A_13, %sub3A : vector<64x384xf32>
    %mul3A = arith.mulf %sub3A_25, %sub3A_25 : vector<64x384xf32>
    %reduce_sum3A_26 = arith.constant dense<0.000000e+00> : vector<64xf32>
    %reduce_sum3A_27 = vector.multi_reduction <add>, %mul3A, %reduce_sum3A_26 [1] : vector<64x384xf32> to vector<64xf32>
    %broadcast_in_dim3A_28 = vector.shape_cast %reduce_sum3A_27 : vector<64xf32> to vector<64x1xf32>
    %div3A_29 = arith.constant 3.840000e+02 : f32
    %div3A_30 = vector.broadcast %div3A_29 : f32 to vector<64x1xf32>
    %div3A_31 = arith.divf %broadcast_in_dim3A_28, %div3A_30 : vector<64x1xf32>
    %add3A_32 = arith.constant 9.99999974E-6 : f32
    %add3A_33 = vector.broadcast %add3A_32 : f32 to vector<64x1xf32>
    %add3A_34 = arith.addf %div3A_31, %add3A_33 : vector<64x1xf32>
    %sqrt3A = math.sqrt %add3A_34 : vector<64x1xf32>
    %div3A_35 = vector.broadcast %sqrt3A : vector<64x1xf32> to vector<64x384xf32>
    %div3A_36 = arith.divf %sub3A_25, %div3A_35 : vector<64x384xf32>
    %mul3A_37 = vector.broadcast %get3A_16 : vector<1x384xf32> to vector<64x384xf32>
    %mul3A_38 = arith.mulf %div3A_36, %mul3A_37 : vector<64x384xf32>
    %add3A_39 = vector.broadcast %get3A_19 : vector<1x384xf32> to vector<64x384xf32>
    %add3A_40 = arith.addf %mul3A_38, %add3A_39 : vector<64x384xf32>
    %mul3A_41 = arith.constant 5.000000e-01 : f32
    %mul3A_42 = vector.broadcast %mul3A_41 : f32 to vector<64x384xf32>
    %mul3A_43 = arith.mulf %mul3A_42, %add3A_40 : vector<64x384xf32>
    %neg3A = arith.constant 0.000000e+00 : f32
    %neg3A_44 = vector.broadcast %neg3A : f32 to vector<64x384xf32>
    %neg3A_45 = arith.subf %neg3A_44, %add3A_40 : vector<64x384xf32>
    %mul3A_46 = arith.constant 0.707106769 : f32
    %mul3A_47 = vector.broadcast %mul3A_46 : f32 to vector<64x384xf32>
    %mul3A_48 = arith.mulf %neg3A_45, %mul3A_47 : vector<64x384xf32>
    %erf3A = math.erf %mul3A_48 : vector<64x384xf32>
    %sub3A_49 = arith.constant 1.000000e+00 : f32
    %sub3A_50 = vector.broadcast %sub3A_49 : f32 to vector<64x384xf32>
    %sub3A_51 = arith.subf %sub3A_50, %erf3A : vector<64x384xf32>
    %mul3A_52 = arith.mulf %mul3A_43, %sub3A_51 : vector<64x384xf32>
    %get3A_53 = arith.constant 0 : index
    %get3A_54 = arith.constant 0 : index
    %get3A_55 = vector.load %arg6[%get3A_53, %get3A_54] : memref<384x3xf32, #tpu.memory_space<vmem>>, vector<384x3xf32>
    %dot_general3A_56 = arith.constant dense<0.000000e+00> : vector<64x3xf32>
    %dot_general3A_57 = tpu.matmul %mul3A_52, %get3A_55, %dot_general3A_56 {dimension_numbers = #tpu.dot_dimension_numbers<[1], [0], [0], [1], [0, 0, 1, 1], [], []>, transpose_lhs_hint = false} : vector<64x384xf32>, vector<384x3xf32>, vector<64x3xf32> -> vector<64x3xf32>
    %get3A_58 = arith.constant 0 : index
    %get3A_59 = arith.constant 0 : index
    %get3A_60 = vector.load %arg7[%get3A_58, %get3A_59] : memref<1x3xf32, #tpu.memory_space<vmem>>, vector<1x3xf32>
    %add3A_61 = vector.broadcast %get3A_60 : vector<1x3xf32> to vector<64x3xf32>
    %add3A_62 = arith.addf %dot_general3A_57, %add3A_61 : vector<64x3xf32>
    %reduce_max3A = arith.constant dense<0xFF800000> : vector<64xf32>
    %reduce_max3A_63 = vector.multi_reduction <maximumf>, %add3A_62, %reduce_max3A [1] : vector<64x3xf32> to vector<64xf32>
    %broadcast_in_dim3A_64 = vector.shape_cast %reduce_max3A_63 : vector<64xf32> to vector<64x1xf32>
    %sub3A_65 = vector.broadcast %broadcast_in_dim3A_64 : vector<64x1xf32> to vector<64x3xf32>
    %sub3A_66 = arith.subf %add3A_62, %sub3A_65 : vector<64x3xf32>
    %exp3A = math.exp %sub3A_66 : vector<64x3xf32>
    %reduce_sum3A_67 = arith.constant dense<0.000000e+00> : vector<64xf32>
    %reduce_sum3A_68 = vector.multi_reduction <add>, %exp3A, %reduce_sum3A_67 [1] : vector<64x3xf32> to vector<64xf32>
    %broadcast_in_dim3A_69 = vector.shape_cast %reduce_sum3A_68 : vector<64xf32> to vector<64x1xf32>
    %div3A_70 = vector.broadcast %broadcast_in_dim3A_69 : vector<64x1xf32> to vector<64x3xf32>
    %div3A_71 = arith.divf %exp3A, %div3A_70 : vector<64x3xf32>
    %swap3A = arith.constant 0 : index
    %swap3A_72 = arith.constant 0 : index
    %swap3A_73 = vector.load %arg8[%swap3A, %swap3A_72] : memref<64x3xf32, #tpu.memory_space<vmem>>, vector<64x3xf32>
    tpu.vector_store %arg8[%swap3A, %swap3A_72], %add3A_62 {strides = array<i32>} : memref<64x3xf32, #tpu.memory_space<vmem>>, vector<64x3xf32>,
    %swap3A_74 = arith.constant 0 : index
    %swap3A_75 = arith.constant 0 : index
    %swap3A_76 = vector.load %arg9[%swap3A_74, %swap3A_75] : memref<64x3xf32, #tpu.memory_space<vmem>>, vector<64x3xf32>
    tpu.vector_store %arg9[%swap3A_74, %swap3A_75], %div3A_71 {strides = array<i32>} : memref<64x3xf32, #tpu.memory_space<vmem>>, vector<64x3xf32>,
    %slice3A = vector.extract_strided_slice %div3A_71 {offsets = [0, 0], sizes = [64, 1], strides = [1, 1]} : vector<64x3xf32> to vector<64x1xf32>
    %slice3A_77 = vector.extract_strided_slice %div3A_71 {offsets = [0, 1], sizes = [64, 1], strides = [1, 1]} : vector<64x3xf32> to vector<64x1xf32>
    %slice3A_78 = vector.extract_strided_slice %div3A_71 {offsets = [0, 2], sizes = [64, 1], strides = [1, 1]} : vector<64x3xf32> to vector<64x1xf32>
    %max3A = arith.maximumf %slice3A, %slice3A_77 : vector<64x1xf32>
    %gt3A = arith.cmpf ogt, %slice3A_77, %slice3A : vector<64x1xf32>
    %jit3A = arith.constant 1 : i32
    %jit3A_79 = arith.constant 0 : i32
    %broadcast_in_dim3A_80 = vector.broadcast %jit3A : i32 to vector<64x1xi32>
    %broadcast_in_dim3A_81 = vector.broadcast %jit3A_79 : i32 to vector<64x1xi32>
    %select_n3A = arith.select %gt3A, %broadcast_in_dim3A_80, %broadcast_in_dim3A_81 : vector<64x1xi1>, vector<64x1xi32>
    %gt3A_82 = arith.cmpf ogt, %slice3A_78, %max3A : vector<64x1xf32>
    %jit3A_83 = arith.constant 2 : i32
    %broadcast_in_dim3A_84 = vector.broadcast %jit3A_83 : i32 to vector<64x1xi32>
    %select_n3A_85 = arith.select %gt3A_82, %broadcast_in_dim3A_84, %select_n3A : vector<64x1xi1>, vector<64x1xi32>
    %swap3A_86 = arith.constant 0 : index
    %swap3A_87 = arith.constant 0 : index
    %swap3A_88 = vector.load %arg10[%swap3A_86, %swap3A_87] : memref<64x1xi32, #tpu.memory_space<vmem>>, vector<64x1xi32>
    tpu.vector_store %arg10[%swap3A_86, %swap3A_87], %select_n3A_85 {strides = array<i32>} : memref<64x1xi32, #tpu.memory_space<vmem>>, vector<64x1xi32>,
    %max3A_89 = arith.maximumf %max3A, %slice3A_78 : vector<64x1xf32>
    %swap3A_90 = arith.constant 0 : index
    %swap3A_91 = arith.constant 0 : index
    %swap3A_92 = vector.load %arg11[%swap3A_90, %swap3A_91] : memref<64x1xf32, #tpu.memory_space<vmem>>, vector<64x1xf32>
    tpu.vector_store %arg11[%swap3A_90, %swap3A_91], %max3A_89 {strides = array<i32>} : memref<64x1xf32, #tpu.memory_space<vmem>>, vector<64x1xf32>,
    return
  }
  func.func @transform_0(%arg0: i32) -> (i32, i32, i32) {
    %c0_i32 = arith.constant 0 : i32
    %c0_i32_0 = arith.constant 0 : i32
    %c0_i32_1 = arith.constant 0 : i32
    return %arg0, %c0_i32, %c0_i32_0 : i32, i32, i32
  }
  func.func @transform_1(%arg0: i32) -> (i32, i32) {
    %c0_i32 = arith.constant 0 : i32
    %c0_i32_0 = arith.constant 0 : i32
    %c0_i32_1 = arith.constant 0 : i32
    return %c0_i32, %c0_i32_0 : i32, i32
  }
  func.func @transform_2(%arg0: i32) -> (i32, i32) {
    %c0_i32 = arith.constant 0 : i32
    %c0_i32_0 = arith.constant 0 : i32
    %c0_i32_1 = arith.constant 0 : i32
    return %c0_i32, %c0_i32_0 : i32, i32
  }
  func.func @transform_3(%arg0: i32) -> (i32, i32) {
    %c0_i32 = arith.constant 0 : i32
    %c0_i32_0 = arith.constant 0 : i32
    %c0_i32_1 = arith.constant 0 : i32
    return %c0_i32, %c0_i32_0 : i32, i32
  }
  func.func @transform_4(%arg0: i32) -> (i32, i32) {
    %c0_i32 = arith.constant 0 : i32
    %c0_i32_0 = arith.constant 0 : i32
    %c0_i32_1 = arith.constant 0 : i32
    return %c0_i32, %c0_i32_0 : i32, i32
  }
  func.func @transform_5(%arg0: i32) -> (i32, i32) {
    %c0_i32 = arith.constant 0 : i32
    %c0_i32_0 = arith.constant 0 : i32
    %c0_i32_1 = arith.constant 0 : i32
    return %c0_i32, %c0_i32_0 : i32, i32
  }
  func.func @transform_6(%arg0: i32) -> (i32, i32) {
    %c0_i32 = arith.constant 0 : i32
    %c0_i32_0 = arith.constant 0 : i32
    %c0_i32_1 = arith.constant 0 : i32
    return %c0_i32, %c0_i32_0 : i32, i32
  }
  func.func @transform_7(%arg0: i32) -> (i32, i32) {
    %c0_i32 = arith.constant 0 : i32
    %c0_i32_0 = arith.constant 0 : i32
    return %arg0, %c0_i32 : i32, i32
  }
  func.func @transform_8(%arg0: i32) -> (i32, i32) {
    %c0_i32 = arith.constant 0 : i32
    %c0_i32_0 = arith.constant 0 : i32
    return %arg0, %c0_i32 : i32, i32
  }
  func.func @transform_9(%arg0: i32) -> (i32, i32) {
    %c0_i32 = arith.constant 0 : i32
    %c0_i32_0 = arith.constant 0 : i32
    return %arg0, %c0_i32 : i32, i32
  }
  func.func @transform_10(%arg0: i32) -> (i32, i32) {
    %c0_i32 = arith.constant 0 : i32
    %c0_i32_0 = arith.constant 0 : i32
    return %arg0, %c0_i32 : i32, i32
  }
}

</mosaic_0001>

<sc_bundles>
// kernel: kernel.5.cloned.1.call-start
scs
__scs_entry_jumppad:
0x0: {  	(pc) =	sbr.rel $0x88, $3  }
0x1: {  	(tag) =	ssettag $0x0;
	lr =	simm.s32 $0x1  }
0x2: {  	[smem:$0x3F8C] =	sst lr;
	_ =	strace $0xD0000000  }
0x3: {  	_ = 	snop  }
0x4: {  	_ = 	snop  }
0x5: {  	_ = 	snop  }
0x6: {  	_ = 	snop  }
0x7: {  	_ = 	snop  }
__scs_overlays_trampoline_lowered:
0x8: {  	[smem:$0x3F9B] =	sst s0  }
0x9: {  	[smem:$0x3F9C] =	sst s1  }
0xa: {  	[smem:$0x3F9D] =	sst s2  }
0xb: {  	[smem:$0x3F9E] =	sst s3  }
0xc: {  	[smem:$0x3F9F] =	sst s4  }
0xd: {  	[smem:$0x3FA0] =	sst s5  }
0xe: {  	[smem:$0x3FA1] =	sst s6  }
0xf: {  	[smem:$0x3FA2] =	sst s7  }
0x10: {  	[smem:$0x3FA3] =	sst s8  }
0x11: {  	[smem:$0x3FA4] =	sst s9;
	s0 =	simm.s32 @!p0 $0x0  }
0x12: {  	s1 =	sld [smem:$0x3F8A];
	s0 =	simm.s32 @p0 $0x1  }
0x13: {  	[smem:$0x3FA5] =	sst s0;
	s0 =	simm.s32 @!p1 $0x0  }
0x14: {  	s2 =	sld [smem:$0x3F89];
	s0 =	simm.s32 @p1 $0x1  }
0x15: {  	[smem:$0x3FA6] =	sst s0;
	s0 =	simm.s32 @!p2 $0x0  }
0x16: {  	s3 =	sld [smem:$0x3FDB];
	s0 =	simm.s32 @p2 $0x1  }
0x17: {  	s4 =	simm.s32 $0x1BF5;
	[smem:$0x3FA8] =	sst s0  }
0x18: {  	s0 =	sld [smem:$0x3F8B];
	_ =	swait.ge [sflag:s4], $0x0  }
0x19: {  	s7 =	sld [smem:$0x3F8C]  }
0x1a: {  	s8 =	sadd.s32 $0xFFFFE003, lr  }
0x1b: {  	s9 =	sadd.s32 $0xFFFFFEF7, lr;
	s5 =	simm.s32 $0xFFFFFFFF;
	p2 =	slt.u32 s8, $0xFFFFF086  }
0x1c: {  	p1 =	slt.u32 s9, $0xF7A;
	s5 =	simm.s32 @!p2 $0x0  }
0x1d: {  	s5 =	simm.s32 @p1 $0x1;
	p0 =	seq.s32 s7, s2  }
0x1e: {  	s7 =	smul.u32 @!p0 $0xF7A, s2;
	p2 =	seq.s32 @!p0 s5, $0x0  }
0x1f: {  	s9 =	smul.u32 $0xF7A, s1;
	s8 =	simm.s32 @!p0 $0x1BF5;
	p2 =	por !p2, p0  }
0x20: {  	[sflag:s8] =	ssyncset.s32 @!p0 $0xFFFFF086;
	s6 =	sadd.s32 @!p0 s3, s7;
	s7 =	simm.s32 @!p0 $0x108  }
0x21: {  	s3 =	sadd.s32 s3, s9;
	s6 =	sadd.s32 @!p0 $0x88, s6;
	s7 =	simm.s32 @p2 $0x1082  }
0x22: {  	[simem:s7], [sflag:s8] =	dma.local @!p0 [hbm:s6], $0xF7A  }
0x23: {  	s9 =	sor.u32 $0xD0000000, s2;
	s6 =	simm.s32 $0x108;
	_ =	swait.ge @!p0 [sflag:s8], $0x0  }
0x24: {  	s3 =	sadd.s32 $0x88, s3;
	s6 =	simm.s32 @!p1 $0x1082;
	[sflag:s4] =	ssyncset.s32 $0xFFFFF086  }
0x25: {  	[simem:s6], [sflag:s4] =	dma.local [hbm:s3], $0xF7A  }
0x26: {  	[smem:$0x3F8C] =	sst s1;
	(tag) =	ssettag s2;
	_ =	strace s9  }
0x27: {  	s1 =	sld [smem:$0x3F9C]  }
0x28: {  	s2 =	sld [smem:$0x3F9D]  }
0x29: {  	s4 =	sld [smem:$0x3F9F]  }
0x2a: {  	p0 =	seq.s32 s5, $0x0;
	s5 =	sld [smem:$0x3FA0]  }
0x2b: {  	s6 =	sld [smem:$0x3FA1]  }
0x2c: {  	s7 =	sld [smem:$0x3FA2]  }
0x2d: {  	s3 =	simm.s32 $0x108;
	s8 =	sld [smem:$0x3FA3]  }
0x2e: {  	s3 =	simm.s32 @!p0 $0x1082;
	s9 =	sld [smem:$0x3FA4]  }
0x2f: {  	lr =	sadd.s32 s0, s3;
	s0 =	sld [smem:$0x3F9B]  }
0x30: {  	s3 =	sld [smem:$0x3F9E]  }
0x31: {  	[smem:$0x3FA7] =	sst s10  }
0x32: {  	s10 =	sld [smem:$0x3FA5];
	_ =	sdelay $0x3  }
0x33: {  	p0 =	seq.s32 s10, $0x1;
	s10 =	sld [smem:$0x3FA7];
	_ =	sdelay $0x3  }
0x34: {  	[smem:$0x3FA7] =	sst s10  }
0x35: {  	s10 =	sld [smem:$0x3FA6];
	_ =	sdelay $0x3  }
0x36: {  	p1 =	seq.s32 s10, $0x1;
	s10 =	sld [smem:$0x3FA7];
	_ =	sdelay $0x3  }
0x37: {  	[smem:$0x3FA7] =	sst s10  }
0x38: {  	s10 =	sld [smem:$0x3FA8]  }
0x39: {  	_ = 	snop;
	(pc) =	sbr.ind lr, $3  }
0x3a: {  	_ = 	snop  }
0x3b: {  	_ = 	snop  }
0x3c: {  	p2 =	seq.s32 s10, $0x1;
	s10 =	sld [smem:$0x3FA7]  }
0x3d: {  	_ =	shalt  }
0x3e: {  	_ =	shalt  }
0x3f: {  	_ =	shalt  }
0x40: {  	_ =	shalt  }
0x41: {  	_ =	shalt  }
0x42: {  	_ =	shalt  }
0x43: {  	_ =	shalt  }
0x44: {  	_ =	shalt  }
0x45: {  	_ =	shalt  }
0x46: {  	_ =	shalt  }
0x47: {  	_ =	shalt  }
0x48: {  	_ =	shalt  }
0x49: {  	_ =	shalt  }
0x4a: {  	_ =	shalt  }
0x4b: {  	_ =	shalt  }
0x4c: {  	_ =	shalt  }
0x4d: {  	_ =	shalt  }
0x4e: {  	_ =	shalt  }
0x4f: {  	_ =	shalt  }
0x50: {  	_ =	shalt  }
0x51: {  	_ =	shalt  }
0x52: {  	_ =	shalt  }
0x53: {  	_ =	shalt  }
0x54: {  	_ =	shalt  }
0x55: {  	_ =	shalt  }
0x56: {  	_ =	shalt  }
0x57: {  	_ =	shalt  }
0x58: {  	_ =	shalt  }
0x59: {  	_ =	shalt  }
0x5a: {  	_ =	shalt  }
0x5b: {  	_ =	shalt  }
0x5c: {  	_ =	shalt  }
0x5d: {  	_ =	shalt  }
0x5e: {  	_ =	shalt  }
0x5f: {  	_ =	shalt  }
0x60: {  	_ =	shalt  }
0x61: {  	_ =	shalt  }
0x62: {  	_ =	shalt  }
0x63: {  	_ =	shalt  }
0x64: {  	_ =	shalt  }
0x65: {  	_ =	shalt  }
0x66: {  	_ =	shalt  }
0x67: {  	_ =	shalt  }
0x68: {  	_ =	shalt  }
0x69: {  	_ =	shalt  }
0x6a: {  	_ =	shalt  }
0x6b: {  	_ =	shalt  }
0x6c: {  	_ =	shalt  }
0x6d: {  	_ =	shalt  }
0x6e: {  	_ =	shalt  }
0x6f: {  	_ =	shalt  }
0x70: {  	_ =	shalt  }
0x71: {  	_ =	shalt  }
0x72: {  	_ =	shalt  }
0x73: {  	_ =	shalt  }
0x74: {  	_ =	shalt  }
0x75: {  	_ =	shalt  }
0x76: {  	_ =	shalt  }
0x77: {  	_ =	shalt  }
0x78: {  	_ =	shalt  }
0x79: {  	_ =	shalt  }
0x7a: {  	_ =	shalt  }
0x7b: {  	_ =	shalt  }
0x7c: {  	_ =	shalt  }
0x7d: {  	_ =	shalt  }
0x7e: {  	_ =	shalt  }
0x7f: {  	_ =	shalt  }
0x80: {  	_ =	shalt  }
0x81: {  	_ =	shalt  }
0x82: {  	_ =	shalt  }
0x83: {  	_ =	shalt  }
0x84: {  	_ =	shalt  }
0x85: {  	_ =	shalt  }
0x86: {  	_ =	shalt  }
0x87: {  	_ =	shalt  }
.Lfunc_end0:
.L_simem_size_0:
called_computation_lowered:
.L_overlay_start_0:
0x88: {  	s2 =	sld [smem:$0x3FD9]  }
0x89: {  	s3 =	sld [smem:$0x3FFE];
	_ =	sdelay $0x1  }
0x8a: {  	s1 =	srdreg.scid  }
0x8b: {  	s0 =	sand.u32 $0x1, s1  }
0x8c: {  	s14 =	sshll.u32 s0, $0xA;
	s2 =	sadd.s32 s3, s2  }
0x8d: {  	s2 =	sadd.s32 s2, s14  }
0x8e: {  	[smem:$0x3FB3] =	sst s2  }
0x8f: {  	_ = 	snop  }
0x90: {  	s2 =	sld [smem:$0x3FD0];
	_ =	sdelay $0x2  }
0x91: {  	s15 =	simm.s32 $0xA;
	s4 =	simm.s32 $0x10  }
0x92: {  	[smem:s4], [sflag:s15] =	dma.local [hbm:s2], $0x1  }
0x93: {  	_ =	swait.eq [sflag:s15], $0x1  }
0x94: {  	[sflag:s15] =	ssyncset.done $0x0  }
0x95: {  	s16 =	sld [smem:$0x10];
	[sflag:s15] =	ssyncadd.s32 $0xFFFFFFFF  }
0x96: {  	s17 =	sld [smem:$0x14];
	(tm) =	ssettm $0x1  }
0x97: {  	s18 =	sld [smem:$0x3FFB];
	_ =	sdelay $0x3  }
0x98: {  	_ =	strace s18  }
0x99: {  	s4 =	sld [smem:$0x3FFC];
	_ =	sdelay $0x3  }
0x9a: {  	_ =	strace s4  }
0x9b: {  	s4 =	sld [smem:$0x3FFD];
	_ =	sdelay $0x3  }
0x9c: {  	_ =	strace s4  }
0x9d: {  	_ =	strace $0x8FFFFFFF  }
0x9e: {  	s19 =	sld [smem:$0x3FDB];
	_ =	sdelay $0x1  }
0x9f: {  	s5 =	simm.s32 $_scs_section_size  }
0xa0: {  	s6 =	simm.s32 $_size__tile_overlayer_lowered;
	s7 =	simm.s32 $_tile_overlayer_lowered  }
0xa1: {  	s22 =	simm.s32 $0x1BFF;
	s21 =	sshll.u32 s7, $0x1;
	s4 =	sadd.s32 s5, s19  }
0xa2: {  	s8 =	simm.s32 $0x0;
	s20 =	sshll.u32 s6, $0x1;
	s6 =	sadd.s32 s21, s4  }
0xa3: {  	[timem:s8], [sflag:s22] =	dma.local [hbm:s6], s20  }
0xa4: {  	_ =	swait.ge [sflag:s22], s20  }
0xa5: {  	s5 =	ssub.s32 $0x0, s20;
	[sflag:s22] =	ssyncset.done $0x0  }
0xa6: {  	[sflag:s22] =	ssyncadd.s32 s5;
	_ =	sdelay $0x1  }
0xa7: {  	s23 =	simm.s32 $0x1B8B  }
0xa8: {  	_ =	swait.ge [sflag:s23], $0x1  }
0xa9: {  	[sflag:s23] =	ssyncset.done $0x0  }
0xaa: {  	s25 =	simm.s32 $0x1B8E;
	s24 =	sld [smem:$0x3FFE];
	[sflag:s23] =	ssyncadd.s32 $0xFFFFFFFF  }
0xab: {  	s26 =	simm.s32 $execute0_lowered;
	[smem:$0x3FD2] =	sst s25  }
0xac: {  	s6 =	sshll.u32 s26, $0x1;
	_ =	strace $0x80000046;
	[dreg:$0x1] =	wrdreg $0xFFFFFFFF  }
0xad: {  	s28 =	simm.s32 $_size_execute0_lowered;
	s4 =	sadd.s32 s4, s6;
	[dreg:$0x0] =	wrdreg $0x0  }
0xae: {  	s6 =	sshll.u32 s28, $0x1;
	[dreg:$0x2] =	wrdreg s4  }
0xaf: {  	[dreg:$0x3] =	wrdreg s6  }
0xb0: {  	[dreg:$0x4] =	wrdreg $0xC0  }
0xb1: {  	_ =	task [dreg:s8], $0x5FFFF  }
0xb2: {  	[dreg:$0x1] =	wrdreg $0xFFFFFFFF  }
0xb3: {  	[dreg:$0x0] =	wrdreg $0x60  }
0xb4: {  	[dreg:$0x2] =	wrdreg s24  }
0xb5: {  	[dreg:$0x3] =	wrdreg s17  }
0xb6: {  	[dreg:$0x4] =	wrdreg s16  }
0xb7: {  	[dreg:$0x5] =	wrdreg $0x9  }
0xb8: {  	_ =	task.clear_ibuf [dreg:s8], $0x6FFFF;
	_ =	strace $0x90000046  }
0xb9: {  	s29 =	simm.s32 $0x9;
	_ =	strace $0x80000048  }
0xba: {  	_ =	swait.ge [sflag:s29], $0x1  }
0xbb: {  	[sflag:s29] =	ssyncadd.s32 $0xFFFFFFFF  }
0xbc: {  	_ =	strace $0x90000048  }
0xbd: {  	_ =	sfence  }
0xbe: {  	s30 =	sld [smem:$0x0];
	_ =	sdelay $0x2  }
0xbf: {  	s31 =	sshll.u32 s1, $0xD;
	s1 =	sshrl.u32 s1, $0x2  }
0xc0: {  	s3 =	sand.u32 $0x4000, s31;
	s1 =	sadd.s32 s1, s30  }
0xc1: {  	s0 =	sor.u32 s3, s0;
	s1 =	sshll.u32 s1, $0x11  }
0xc2: {  	s0 =	sor.u32 s1, s0  }
0xc3: {  	s0 =	sadd.s32 $0x8F2B, s0  }
0xc4: {  	[sflag:s0] =	ssyncadd.remote.s32 $0x1  }
0xc5: {  	_ =	sfence.sel $0xFFFF  }
0xc6: {  	[dreg:$0x0] =	wrdreg $0xFFFFFFFF;
	(pc) =	sbr.abs _section_cstart, $3  }
0xc7: {  	[dreg:$0x1] =	wrdreg $0xFFFFFFFF  }
0xc8: {  	_ =	task.clear_ibuf [dreg:s8], $0x2FFFF;
	_ =	strace $0x9FFFFFFF  }
0xc9: {  	(tm) =	ssettm $0x7FFFFFFF  }
tec
execute0_lowered:
.L_overlay_start_1:
0x0: {  	(tag) =	ssettag $0x1  }
0x1: {  	s0 =	rddreg [dreg:$0x0]  }
0x2: {  	s2 =	rddreg [dreg:$0x1];
	s1 =	srdreg.scid  }
0x3: {  	s3 =	stileid.u32;
	s4 =	rddreg [dreg:$0x2];
	s28 =	simm.s32 $0x4C80  }
0x4: {  	s29 =	simm.s32 $0x5480;
	s30 =	simm.s32 $0x5C80;
	s31 =	simm.s32 $0x6480  }
0x5: {  	s1 =	sand.u32 $0x1, s1;
	s5 =	sshll.u32 s3, $0x1;
	s3 =	simm.s32 $0x0  }
0x6: {  	s5 =	sor.u32 s1, s5;
	[smem:$0x7FF] =	sst s3;
	s1 =	ssub.s32 $0x2, s1  }
0x7: {  	s6 =	sshll.u32 s5, $0x9;
	s7 =	sshll.u32 s5, $0xC;
	_ =	strace $0x80000047  }
0x8: {  	s10 =	sshll.u32 s5, $0x7;
	s11 =	sshrl.u32 s1, $0x1;
	s12 =	smul.u32 $0x3C000, s5  }
0x9: {  	v4 =	vimm.s32 $0xEFCDAB89;
	v5 =	vimm.s32 $0x67452301;
	s18 =	smul.u32 $0x7800, s5;
	s5 =	sadd.s32 $0x100, s2;
	s6 =	sadd.s32 s6, s0  }
0xa: {  	v6 =	vimm.s32 $0xDCFE98BA;
	s8 =	sor.u32 $0x200, s7;
	s13 =	sor.u32 $0x400, s7;
	s9 =	sor.u32 $0x600, s7  }
0xb: {  	v11 =	vimm.s32 $0xBA98FEDC;
	v12 =	vimm.s32 $0x32107654;
	s0 =	sadd.s32 s10, s0;
	s1 =	ssub.s32 s1, s11;
	s14 =	sor.u32 $0x800, s7  }
0xc: {  	v13 =	vimm.s32 $0xFEDCBA98;
	vm0 =	vmmov $0xffff;
	v7 =	vunpack.c.l.s4.s8 v4;
	s16 =	sor.u32 $0xA00, s7;
	s17 =	sor.u32 $0xC00, s7;
	s25 =	sor.u32 $0xE00, s7  }
0xd: {  	v8 =	vunpack.c.l.s4.s8 v5;
	v9 =	vunpack.c.l.s4.s8 v6;
	v0 =	vmov s7;
	s7 =	simm.s32 $0x8480;
	s15 =	sshrl.u32 s12, $0x3;
	s6 =	sadd.s32 $0x2400, s6  }
0xe: {  	v11 =	vunpack.c.l.s4.s8 v11;
	v5 =	vmov s16;
	v6 =	vmov s17;
	s16 =	smax.u32 s1, $0x1;
	s17 =	simm.s32 $0x2;
	s1 =	simm.s32 $0x6C80  }
0xf: {  	v12 =	vunpack.c.l.s4.s8 v12;
	v13 =	vunpack.c.l.s4.s8 v13;
	v3 =	vmov s9;
	[dreg:$0x4] =	wrdreg s6;
	s9 =	sadd.s32 s4, s15;
	s4 =	sadd.s32 s4, s18  }
0x10: {  	v10 =	vunpack.c.0.s8.s32 v7;
	v8 =	vunpack.c.0.s8.s32 v8;
	v1 =	vmov s8;
	s8 =	simm.s32 $0x1;
	s19 =	sadd.s32 $0xF00, s9;
	[dreg:$0x6] =	wrdreg s4  }
0x11: {  	v9 =	vunpack.c.0.s8.s32 v9;
	v7 =	vimm.s32 $0x54761032;
	v11 =	vunpack.c.0.s8.s32 v11;
	s6 =	sadd.s32 $0x200, s2;
	s20 =	sadd.s32 $0x1E00, s9;
	[dreg:$0x5] =	wrdreg s19  }
0x12: {  	v12 =	vunpack.c.0.s8.s32 v12;
	v13 =	vunpack.c.0.s8.s32 v13;
	v7 =	vunpack.c.l.s4.s8 v7;
	s15 =	sadd.s32 $0x6400, s0;
	s21 =	sadd.s32 $0x2D00, s9;
	[dreg:$0x7] =	wrdreg s20  }
0x13: {  	v2 =	vmov s13;
	v4 =	vmov s14;
	v10 =	vcombine.low v8, v10;
	s18 =	simm.s32 $0x1000;
	s22 =	sadd.s32 $0x3C00, s9;
	[dreg:$0x8] =	wrdreg s21  }
0x14: {  	v11 =	vcombine.low v12, v11;
	v14 =	vunpack.c.0.s8.s32 v7;
	v7 =	vimm.s32 $0x76543210;
	s0 =	simm.s32 $0x7480;
	s23 =	sadd.s32 $0x4B00, s9;
	[dreg:$0x9] =	wrdreg s22  }
0x15: {  	v8 =	vlaneseq.u32;
	v13 =	vand.u32 $0xF, v13;
	s24 =	sadd.s32 $0x5A00, s9;
	s26 =	sadd.s32 $0x6900, s9;
	v15 =	vunpack.c.l.s4.s8 v7;
	[dreg:$0xa] =	wrdreg s23  }
0x16: {  	v16 =	vor.u32 $0x8, v8;
	v7 =	vmov s25;
	s25 =	simm.s32 $0x3C80;
	s4 =	simm.s32 $0x7C80;
	[dreg:$0xb] =	wrdreg s24;
	v14 =	vcombine.low v14, v9  }
0x17: {  	v11 =	vand.u32 $0xF, v11;
	s9 =	simm.s32 $0x0;
	[dreg:$0xc] =	wrdreg s26;
	s19 =	simm.s32 $0x1400;
	v9 =	vand.u32 $0xF, v10;
	v12 =	vunpack.c.0.s8.s32 v15  }
0x18: {  	s20 =	simm.s32 $0x1480;
	s21 =	simm.s32 $0x1C80;
	s22 =	simm.s32 $0x2480;
	v15 =	vshrl.u32 v8, $0x3;
	v10 =	vand.u32 $0xF, v14;
	v14 =	vand.u32 $0x7, v8  }
0x19: {  	s23 =	simm.s32 $0x2C80;
	s24 =	simm.s32 $0x3480;
	s26 =	simm.s32 $0x4480;
	v15 =	vmul.u32 $0x8, v15;
	v12 =	vcombine.low v13, v12;
	v13 =	vimm.f32 $-2.000000000e+00  }
.LBB2_1:
0x1a: {  	s10 =	rddreg [dreg:$0x4]  }
0x1b: {  	[tilespmem:s3], [sflag:$0x2] =	stream.linear.gather [hbm4b:s10+s3], $0x1000, $0x38;
	[tilespmem:$0x8C80] =	vst v63  }
0x1c: {  	_ =	swait.ge [sflag:s17], $0x1000  }
0x1d: {  	[sflag:s17] =	ssyncset.done $0x0  }
0x1e: {  	s10 =	simm.s32 $0x0;
	[sflag:s17] =	ssyncadd.s32 $0xFFFFF000  }
.LBB2_2:
0x1f: {  	s12 =	simm.s32 $0x0  }
0x20: {  	v18 =	vld [tilespmem:s12+$0x0];
	_ =	sdelay $0x3  }
0x21: {  	v19 =	vimm.f32 $-2.000000000e+00  }
0x22: {  	v17 =	vimm.s32 $0x0;
	s11 =	simm.s32 $0x10;
	v20 =	vor.u32 s12, v8;
	s12 =	simm.s32 $0x10;
	vm1 =	vgt.f32 v18, v19  }
.LBB2_3:
0x23: {  	p0 =	sne.s32 s11, $0x1F0;
	v19 =	vsel vm1, v18, v19;
	v18 =	vld [tilespmem:s12+$0x0];
	v17 =	vsel vm1, v20, v17;
	s13 =	smov.u32 s11;
	s11 =	sadd.s32 $0x10, s11  }
.Ltmp0:
0x24: {  	(pc) =	sbr.rel @p0 .LBB2_3-.Ltmp0, $2  }
0x25: {  	_ =	sdelay $0x2  }
0x26: {  	s12 =	sadd.s32 $0x10, s12;
	v20 =	vor.u32 s13, v8;
	vm1 =	vgt.f32 v18, v19  }
0x27: {  	v18 =	vsel vm1, v18, v19  }
0x28: {  	v19 =	vperm.xlane v18, v9;
	_ =	sdelay $0x1  }
0x29: {  	v19 =	vmax.f32 v18, v19  }
0x2a: {  	v21 =	vperm.xlane v19, v10;
	_ =	sdelay $0x1  }
0x2b: {  	v19 =	vmax.f32 v19, v21  }
0x2c: {  	v21 =	vperm.xlane v19, v11;
	_ =	sdelay $0x1  }
0x2d: {  	v19 =	vmax.f32 v19, v21  }
0x2e: {  	v21 =	vperm.xlane v19, v12;
	_ =	sdelay $0x1  }
0x2f: {  	v19 =	vmax.f32 v19, v21  }
0x30: {  	v17 =	vsel vm1, v20, v17;
	vm1 =	veq.f32 v18, v19  }
0x31: {  	v17 =	vnsel vm1, $0x40000000, v17  }
0x32: {  	v18 =	vperm.xlane v17, v9;
	_ =	sdelay $0x1  }
0x33: {  	vm1 =	vlt.s32 v17, v18  }
0x34: {  	v17 =	vsel vm1, v17, v18  }
0x35: {  	v18 =	vperm.xlane v17, v10;
	_ =	sdelay $0x1  }
0x36: {  	vm1 =	vlt.s32 v17, v18  }
0x37: {  	v17 =	vsel vm1, v17, v18  }
0x38: {  	v18 =	vperm.xlane v17, v11;
	_ =	sdelay $0x1  }
0x39: {  	vm1 =	vlt.s32 v17, v18  }
0x3a: {  	v17 =	vsel vm1, v17, v18  }
0x3b: {  	v18 =	vperm.xlane v17, v12;
	_ =	sdelay $0x1  }
0x3c: {  	vm1 =	vlt.s32 v17, v18  }
0x3d: {  	v17 =	vsel vm1, v17, v18  }
0x3e: {  	v18 =	vmov s10;
	s10 =	sadd.s32 $0x1, s10  }
0x3f: {  	p0 =	sne.s32 s10, $0x28  }
.Ltmp1:
0x40: {  	_ = 	snop;
	(pc) =	sbr.rel @p0 .LBB2_2-.Ltmp1, $4  }
0x41: {  	_ = 	snop  }
0x42: {  	[tilespmem:v17+s3+$0x0] =	vst.idx.msk $0x1, v13  }
0x43: {  	[tilespmem:v18+s18+$0x0] =	vst.idx.msk $0x1, v17;
	v17 =	vadd.s32 v0, v17  }
0x44: {  	[tilespmem:v18+s19+$0x0] =	vst.idx.msk $0x1, v17  }
0x45: {  	v17 =	vld [tilespmem:$0x1400];
	_ =	sdelay $0x4  }
0x46: {  	v18 =	vshrl.u32 v17, $0x3  }
0x47: {  	v18 =	vmul.u32 $0x30, v18  }
0x48: {  	v17 =	vand.u32 $0x7, v17  }
0x49: {  	v17 =	vor.u32 v17, v18  }
0x4a: {  	v18 =	vperm.xlane v17, v14;
	_ =	sdelay $0x1  }
0x4b: {  	v18 =	vadd.s32 v15, v18;
	_ =	sdelay $0x3  }
0x4c: {  	s10 =	simm.s32 $0x0;
	v17 =	vperm.xlane v17, v16  }
0x4d: {  	[tilespmem:s20], [sflag:$0x1] =	stream.indirect_vreg.gather [hbm4b:s2+s10], $0x80, v18, vm0, $0xb8;
	[tilespmem:$0x8C80] =	vst v63  }
0x4e: {  	v17 =	vadd.s32 v15, v17  }
0x4f: {  	[tilespmem:s21], [sflag:$0x1] =	stream.indirect_vreg.gather [hbm4b:s5+s10], $0x80, v18, vm0, $0xb8;
	[tilespmem:$0x8C80] =	vst v63  }
0x50: {  	_ = 	snop  }
0x51: {  	[tilespmem:s22], [sflag:$0x1] =	stream.indirect_vreg.gather [hbm4b:s6+s10], $0x80, v18, vm0, $0xb8;
	[tilespmem:$0x8C80] =	vst v63  }
0x52: {  	_ = 	snop  }
0x53: {  	[tilespmem:s23], [sflag:$0x1] =	stream.indirect_vreg.gather [hbm4b:s2+s10], $0x80, v17, vm0, $0xb8;
	[tilespmem:$0x8C80] =	vst v63  }
0x54: {  	_ = 	snop  }
0x55: {  	[tilespmem:s24], [sflag:$0x1] =	stream.indirect_vreg.gather [hbm4b:s5+s10], $0x80, v17, vm0, $0xb8;
	[tilespmem:$0x8C80] =	vst v63  }
0x56: {  	_ = 	snop  }
0x57: {  	[tilespmem:s25], [sflag:$0x1] =	stream.indirect_vreg.gather [hbm4b:s6+s10], $0x80, v17, vm0, $0xb8;
	[tilespmem:$0x8C80] =	vst v63  }
0x58: {  	v17 =	vld [tilespmem:$0x1410];
	_ =	sdelay $0x4  }
0x59: {  	v18 =	vshrl.u32 v17, $0x3  }
0x5a: {  	v18 =	vmul.u32 $0x30, v18  }
0x5b: {  	v17 =	vand.u32 $0x7, v17  }
0x5c: {  	v17 =	vor.u32 v17, v18  }
0x5d: {  	v18 =	vperm.xlane v17, v14;
	_ =	sdelay $0x1  }
0x5e: {  	v18 =	vadd.s32 v15, v18;
	_ =	sdelay $0x3  }
0x5f: {  	v17 =	vperm.xlane v17, v16  }
0x60: {  	[tilespmem:s26], [sflag:$0x1] =	stream.indirect_vreg.gather [hbm4b:s2+s10], $0x80, v18, vm0, $0xb8;
	[tilespmem:$0x8C80] =	vst v63  }
0x61: {  	v17 =	vadd.s32 v15, v17  }
0x62: {  	[tilespmem:s28], [sflag:$0x1] =	stream.indirect_vreg.gather [hbm4b:s5+s10], $0x80, v18, vm0, $0xb8;
	[tilespmem:$0x8C80] =	vst v63  }
0x63: {  	_ = 	snop  }
0x64: {  	[tilespmem:s29], [sflag:$0x1] =	stream.indirect_vreg.gather [hbm4b:s6+s10], $0x80, v18, vm0, $0xb8;
	[tilespmem:$0x8C80] =	vst v63  }
0x65: {  	_ = 	snop  }
0x66: {  	[tilespmem:s30], [sflag:$0x1] =	stream.indirect_vreg.gather [hbm4b:s2+s10], $0x80, v17, vm0, $0xb8;
	[tilespmem:$0x8C80] =	vst v63  }
0x67: {  	_ = 	snop  }
0x68: {  	[tilespmem:s31], [sflag:$0x1] =	stream.indirect_vreg.gather [hbm4b:s5+s10], $0x80, v17, vm0, $0xb8;
	[tilespmem:$0x8C80] =	vst v63  }
0x69: {  	_ = 	snop  }
0x6a: {  	[tilespmem:s1], [sflag:$0x1] =	stream.indirect_vreg.gather [hbm4b:s6+s10], $0x80, v17, vm0, $0xb8;
	[tilespmem:$0x8C80] =	vst v63  }
0x6b: {  	v17 =	vld.msk [tilespmem:$0x1420], $0xff;
	_ =	sdelay $0x4  }
0x6c: {  	v18 =	vshrl.u32 v17, $0x3  }
0x6d: {  	v18 =	vmul.u32 $0x30, v18  }
0x6e: {  	v17 =	vand.u32 $0x7, v17  }
0x6f: {  	v17 =	vor.u32 v17, v18  }
0x70: {  	v17 =	vperm.xlane v17, v14;
	_ =	sdelay $0x1  }
0x71: {  	v17 =	vadd.s32 v15, v17;
	_ =	sdelay $0x4  }
0x72: {  	[tilespmem:s0], [sflag:$0x1] =	stream.indirect_vreg.gather [hbm4b:s2+s10], $0x80, v17, vm0, $0xb8;
	[tilespmem:$0x8C80] =	vst v63  }
0x73: {  	_ = 	snop  }
0x74: {  	[tilespmem:s4], [sflag:$0x1] =	stream.indirect_vreg.gather [hbm4b:s5+s10], $0x80, v17, vm0, $0xb8;
	[tilespmem:$0x8C80] =	vst v63  }
0x75: {  	_ = 	snop  }
0x76: {  	[tilespmem:s7], [sflag:$0x1] =	stream.indirect_vreg.gather [hbm4b:s6+s10], $0x80, v17, vm0, $0xb8;
	[tilespmem:$0x8C80] =	vst v63  }
0x77: {  	_ =	swait.ge [sflag:s8], $0x7800  }
0x78: {  	[sflag:s8] =	ssyncset.done $0x0  }
0x79: {  	s11 =	rddreg [dreg:$0x6];
	[sflag:s8] =	ssyncadd.s32 $0xFFFF8800  }
0x7a: {  	[hbm4b:s11+s10] =	stream.linear.scatter [tilespmem:s20], [sflag:$0x2], $0x7800, $0x38;
	[tilespmem:$0x8C80] =	vst v63  }
0x7b: {  	_ =	swait.ge [sflag:s17], $0x7800  }
0x7c: {  	[sflag:s17] =	ssyncset.done $0x0  }
0x7d: {  	s11 =	simm.s32 $0x0;
	[sflag:s17] =	ssyncadd.s32 $0xFFFF8800  }
.LBB2_6:
0x7e: {  	s12 =	sand.u32 $0x1F0, s10  }
0x7f: {  	v18 =	vimm.f32 $-2.000000000e+00;
	v17 =	vimm.s32 $0x0;
	s13 =	simm.s32 $0x10;
	v19 =	vld [tilespmem:s12+$0x200];
	s12 =	simm.s32 $0x0  }
.LBB2_7:
0x80: {  	p0 =	sne.s32 s13, $0x1F0  }
.Ltmp2:
0x81: {  	_ = 	snop;
	(pc) =	sbr.rel @p0 .LBB2_7-.Ltmp2, $3  }
0x82: {  	_ =	sdelay $0x1  }
0x83: {  	s14 =	sand.u32 $0x1F0, s13;
	v20 =	vor.u32 s12, v8;
	s12 =	smov.u32 s13;
	s13 =	sadd.s32 $0x10, s13;
	vm1 =	vgt.f32 v19, v18  }
0x84: {  	v18 =	vsel vm1, v19, v18;
	v19 =	vld [tilespmem:s14+$0x200];
	v17 =	vsel vm1, v20, v17  }
0x85: {  	_ =	sdelay $0x3  }
0x86: {  	vm1 =	vgt.f32 v19, v18  }
0x87: {  	v18 =	vsel vm1, v19, v18  }
0x88: {  	v19 =	vperm.xlane v18, v9;
	_ =	sdelay $0x1  }
0x89: {  	v19 =	vmax.f32 v18, v19  }
0x8a: {  	v20 =	vperm.xlane v19, v10;
	_ =	sdelay $0x1  }
0x8b: {  	v19 =	vmax.f32 v19, v20  }
0x8c: {  	v20 =	vperm.xlane v19, v11;
	_ =	sdelay $0x1  }
0x8d: {  	v19 =	vmax.f32 v19, v20  }
0x8e: {  	v20 =	vperm.xlane v19, v12;
	_ =	sdelay $0x1  }
0x8f: {  	v62 =	vor.u32 s12, v8;
	v19 =	vmax.f32 v19, v20  }
0x90: {  	v17 =	vsel vm1, v62, v17;
	vm1 =	veq.f32 v18, v19  }
0x91: {  	v17 =	vnsel vm1, $0x40000000, v17  }
0x92: {  	v18 =	vperm.xlane v17, v9;
	_ =	sdelay $0x1  }
0x93: {  	vm1 =	vlt.s32 v17, v18  }
0x94: {  	v17 =	vsel vm1, v17, v18  }
0x95: {  	v18 =	vperm.xlane v17, v10;
	_ =	sdelay $0x1  }
0x96: {  	vm1 =	vlt.s32 v17, v18  }
0x97: {  	v17 =	vsel vm1, v17, v18  }
0x98: {  	v18 =	vperm.xlane v17, v11;
	_ =	sdelay $0x1  }
0x99: {  	vm1 =	vlt.s32 v17, v18  }
0x9a: {  	v17 =	vsel vm1, v17, v18  }
0x9b: {  	v18 =	vperm.xlane v17, v12;
	_ =	sdelay $0x1  }
0x9c: {  	vm1 =	vlt.s32 v17, v18  }
0x9d: {  	v17 =	vsel vm1, v17, v18  }
0x9e: {  	v18 =	vmov s11;
	v19 =	vadd.s32 $0x200, v17  }
0x9f: {  	s11 =	sadd.s32 $0x1, s11;
	v63 =	vor.u32 $0x80, v18  }
0xa0: {  	p0 =	sne.s32 s11, $0x28  }
.Ltmp3:
0xa1: {  	_ = 	snop;
	(pc) =	sbr.rel @p0 .LBB2_6-.Ltmp3, $4  }
0xa2: {  	_ = 	snop  }
0xa3: {  	[tilespmem:v19+s3+$0x0] =	vst.idx.msk $0x1, v13  }
0xa4: {  	[tilespmem:v63+s18+$0x0] =	vst.idx.msk $0x1, v17;
	v17 =	vadd.s32 v1, v17  }
0xa5: {  	[tilespmem:v18+s19+$0x0] =	vst.idx.msk $0x1, v17  }
0xa6: {  	v17 =	vld [tilespmem:$0x1400];
	_ =	sdelay $0x4  }
0xa7: {  	v18 =	vshrl.u32 v17, $0x3  }
0xa8: {  	v18 =	vmul.u32 $0x30, v18  }
0xa9: {  	v17 =	vand.u32 $0x7, v17  }
0xaa: {  	v17 =	vor.u32 v17, v18  }
0xab: {  	v18 =	vperm.xlane v17, v14;
	_ =	sdelay $0x1  }
0xac: {  	v18 =	vadd.s32 v15, v18;
	_ =	sdelay $0x3  }
0xad: {  	s10 =	simm.s32 $0x0;
	v17 =	vperm.xlane v17, v16  }
0xae: {  	[tilespmem:s20], [sflag:$0x1] =	stream.indirect_vreg.gather [hbm4b:s2+s10], $0x80, v18, vm0, $0xb8;
	[tilespmem:$0x8C80] =	vst v63  }
0xaf: {  	v17 =	vadd.s32 v15, v17  }
0xb0: {  	[tilespmem:s21], [sflag:$0x1] =	stream.indirect_vreg.gather [hbm4b:s5+s10], $0x80, v18, vm0, $0xb8;
	[tilespmem:$0x8C80] =	vst v63  }
0xb1: {  	_ = 	snop  }
0xb2: {  	[tilespmem:s22], [sflag:$0x1] =	stream.indirect_vreg.gather [hbm4b:s6+s10], $0x80, v18, vm0, $0xb8;
	[tilespmem:$0x8C80] =	vst v63  }
0xb3: {  	_ = 	snop  }
0xb4: {  	[tilespmem:s23], [sflag:$0x1] =	stream.indirect_vreg.gather [hbm4b:s2+s10], $0x80, v17, vm0, $0xb8;
	[tilespmem:$0x8C80] =	vst v63  }
0xb5: {  	_ = 	snop  }
0xb6: {  	[tilespmem:s24], [sflag:$0x1] =	stream.indirect_vreg.gather [hbm4b:s5+s10], $0x80, v17, vm0, $0xb8;
	[tilespmem:$0x8C80] =	vst v63  }
0xb7: {  	_ = 	snop  }
0xb8: {  	[tilespmem:s25], [sflag:$0x1] =	stream.indirect_vreg.gather [hbm4b:s6+s10], $0x80, v17, vm0, $0xb8;
	[tilespmem:$0x8C80] =	vst v63  }
0xb9: {  	v17 =	vld [tilespmem:$0x1410];
	_ =	sdelay $0x4  }
0xba: {  	v18 =	vshrl.u32 v17, $0x3  }
0xbb: {  	v18 =	vmul.u32 $0x30, v18  }
0xbc: {  	v17 =	vand.u32 $0x7, v17  }
0xbd: {  	v17 =	vor.u32 v17, v18  }
0xbe: {  	v18 =	vperm.xlane v17, v14;
	_ =	sdelay $0x1  }
0xbf: {  	v18 =	vadd.s32 v15, v18;
	_ =	sdelay $0x3  }
0xc0: {  	v17 =	vperm.xlane v17, v16  }
0xc1: {  	[tilespmem:s26], [sflag:$0x1] =	stream.indirect_vreg.gather [hbm4b:s2+s10], $0x80, v18, vm0, $0xb8;
	[tilespmem:$0x8C80] =	vst v63  }
0xc2: {  	v17 =	vadd.s32 v15, v17  }
0xc3: {  	[tilespmem:s28], [sflag:$0x1] =	stream.indirect_vreg.gather [hbm4b:s5+s10], $0x80, v18, vm0, $0xb8;
	[tilespmem:$0x8C80] =	vst v63  }
0xc4: {  	_ = 	snop  }
0xc5: {  	[tilespmem:s29], [sflag:$0x1] =	stream.indirect_vreg.gather [hbm4b:s6+s10], $0x80, v18, vm0, $0xb8;
	[tilespmem:$0x8C80] =	vst v63  }
0xc6: {  	_ = 	snop  }
0xc7: {  	[tilespmem:s30], [sflag:$0x1] =	stream.indirect_vreg.gather [hbm4b:s2+s10], $0x80, v17, vm0, $0xb8;
	[tilespmem:$0x8C80] =	vst v63  }
0xc8: {  	_ = 	snop  }
0xc9: {  	[tilespmem:s31], [sflag:$0x1] =	stream.indirect_vreg.gather [hbm4b:s5+s10], $0x80, v17, vm0, $0xb8;
	[tilespmem:$0x8C80] =	vst v63  }
0xca: {  	_ = 	snop  }
0xcb: {  	[tilespmem:s1], [sflag:$0x1] =	stream.indirect_vreg.gather [hbm4b:s6+s10], $0x80, v17, vm0, $0xb8;
	[tilespmem:$0x8C80] =	vst v63  }
0xcc: {  	v17 =	vld.msk [tilespmem:$0x1420], $0xff;
	_ =	sdelay $0x4  }
0xcd: {  	v18 =	vshrl.u32 v17, $0x3  }
0xce: {  	v18 =	vmul.u32 $0x30, v18  }
0xcf: {  	v17 =	vand.u32 $0x7, v17  }
0xd0: {  	v17 =	vor.u32 v17, v18  }
0xd1: {  	v17 =	vperm.xlane v17, v14;
	_ =	sdelay $0x1  }
0xd2: {  	v17 =	vadd.s32 v15, v17;
	_ =	sdelay $0x4  }
0xd3: {  	[tilespmem:s0], [sflag:$0x1] =	stream.indirect_vreg.gather [hbm4b:s2+s10], $0x80, v17, vm0, $0xb8;
	[tilespmem:$0x8C80] =	vst v63  }
0xd4: {  	_ = 	snop  }
0xd5: {  	[tilespmem:s4], [sflag:$0x1] =	stream.indirect_vreg.gather [hbm4b:s5+s10], $0x80, v17, vm0, $0xb8;
	[tilespmem:$0x8C80] =	vst v63  }
0xd6: {  	_ = 	snop  }
0xd7: {  	[tilespmem:s7], [sflag:$0x1] =	stream.indirect_vreg.gather [hbm4b:s6+s10], $0x80, v17, vm0, $0xb8;
	[tilespmem:$0x8C80] =	vst v63  }
0xd8: {  	_ =	swait.ge [sflag:s8], $0x7800  }
0xd9: {  	[sflag:s8] =	ssyncset.done $0x0  }
0xda: {  	s11 =	rddreg [dreg:$0x5];
	[sflag:s8] =	ssyncadd.s32 $0xFFFF8800  }
0xdb: {  	[hbm4b:s11+s10] =	stream.linear.scatter [tilespmem:s20], [sflag:$0x2], $0x7800, $0x38;
	[tilespmem:$0x8C80] =	vst v63  }
0xdc: {  	_ =	swait.ge [sflag:s17], $0x7800  }
0xdd: {  	[sflag:s17] =	ssyncset.done $0x0  }
0xde: {  	s11 =	simm.s32 $0x0;
	[sflag:s17] =	ssyncadd.s32 $0xFFFF8800  }
.LBB2_10:
0xdf: {  	s12 =	sand.u32 $0x1F0, s10  }
0xe0: {  	v18 =	vimm.f32 $-2.000000000e+00;
	v17 =	vimm.s32 $0x0;
	s13 =	simm.s32 $0x10;
	v19 =	vld [tilespmem:s12+$0x400];
	s12 =	simm.s32 $0x0  }
.LBB2_11:
0xe1: {  	p0 =	sne.s32 s13, $0x1F0  }
.Ltmp4:
0xe2: {  	_ = 	snop;
	(pc) =	sbr.rel @p0 .LBB2_11-.Ltmp4, $3  }
0xe3: {  	_ =	sdelay $0x1  }
0xe4: {  	s14 =	sand.u32 $0x1F0, s13;
	v20 =	vor.u32 s12, v8;
	s12 =	smov.u32 s13;
	s13 =	sadd.s32 $0x10, s13;
	vm1 =	vgt.f32 v19, v18  }
0xe5: {  	v18 =	vsel vm1, v19, v18;
	v19 =	vld [tilespmem:s14+$0x400];
	v17 =	vsel vm1, v20, v17  }
0xe6: {  	_ =	sdelay $0x3  }
0xe7: {  	vm1 =	vgt.f32 v19, v18  }
0xe8: {  	v18 =	vsel vm1, v19, v18  }
0xe9: {  	v19 =	vperm.xlane v18, v9;
	_ =	sdelay $0x1  }
0xea: {  	v19 =	vmax.f32 v18, v19  }
0xeb: {  	v20 =	vperm.xlane v19, v10;
	_ =	sdelay $0x1  }
0xec: {  	v19 =	vmax.f32 v19, v20  }
0xed: {  	v20 =	vperm.xlane v19, v11;
	_ =	sdelay $0x1  }
0xee: {  	v19 =	vmax.f32 v19, v20  }
0xef: {  	v20 =	vperm.xlane v19, v12;
	_ =	sdelay $0x1  }
0xf0: {  	v62 =	vor.u32 s12, v8;
	v19 =	vmax.f32 v19, v20  }
0xf1: {  	v17 =	vsel vm1, v62, v17;
	vm1 =	veq.f32 v18, v19  }
0xf2: {  	v17 =	vnsel vm1, $0x40000000, v17  }
0xf3: {  	v18 =	vperm.xlane v17, v9;
	_ =	sdelay $0x1  }
0xf4: {  	vm1 =	vlt.s32 v17, v18  }
0xf5: {  	v17 =	vsel vm1, v17, v18  }
0xf6: {  	v18 =	vperm.xlane v17, v10;
	_ =	sdelay $0x1  }
0xf7: {  	vm1 =	vlt.s32 v17, v18  }
0xf8: {  	v17 =	vsel vm1, v17, v18  }
0xf9: {  	v18 =	vperm.xlane v17, v11;
	_ =	sdelay $0x1  }
0xfa: {  	vm1 =	vlt.s32 v17, v18  }
0xfb: {  	v17 =	vsel vm1, v17, v18  }
0xfc: {  	v18 =	vperm.xlane v17, v12;
	_ =	sdelay $0x1  }
0xfd: {  	vm1 =	vlt.s32 v17, v18  }
0xfe: {  	v17 =	vsel vm1, v17, v18  }
0xff: {  	v18 =	vmov s11;
	v19 =	vadd.s32 $0x400, v17  }
0x100: {  	s11 =	sadd.s32 $0x1, s11;
	v63 =	vor.u32 $0x100, v18  }
0x101: {  	p0 =	sne.s32 s11, $0x28  }
.Ltmp5:
0x102: {  	_ = 	snop;
	(pc) =	sbr.rel @p0 .LBB2_10-.Ltmp5, $4  }
0x103: {  	_ = 	snop  }
0x104: {  	[tilespmem:v19+s3+$0x0] =	vst.idx.msk $0x1, v13  }
0x105: {  	[tilespmem:v63+s18+$0x0] =	vst.idx.msk $0x1, v17;
	v17 =	vadd.s32 v2, v17  }
0x106: {  	[tilespmem:v18+s19+$0x0] =	vst.idx.msk $0x1, v17  }
0x107: {  	v17 =	vld [tilespmem:$0x1400];
	_ =	sdelay $0x4  }
0x108: {  	v18 =	vshrl.u32 v17, $0x3  }
0x109: {  	v18 =	vmul.u32 $0x30, v18  }
0x10a: {  	v17 =	vand.u32 $0x7, v17  }
0x10b: {  	v17 =	vor.u32 v17, v18  }
0x10c: {  	v18 =	vperm.xlane v17, v14;
	_ =	sdelay $0x1  }
0x10d: {  	v18 =	vadd.s32 v15, v18;
	_ =	sdelay $0x3  }
0x10e: {  	s10 =	simm.s32 $0x0;
	v17 =	vperm.xlane v17, v16  }
0x10f: {  	[tilespmem:s20], [sflag:$0x1] =	stream.indirect_vreg.gather [hbm4b:s2+s10], $0x80, v18, vm0, $0xb8;
	[tilespmem:$0x8C80] =	vst v63  }
0x110: {  	v17 =	vadd.s32 v15, v17  }
0x111: {  	[tilespmem:s21], [sflag:$0x1] =	stream.indirect_vreg.gather [hbm4b:s5+s10], $0x80, v18, vm0, $0xb8;
	[tilespmem:$0x8C80] =	vst v63  }
0x112: {  	_ = 	snop  }
0x113: {  	[tilespmem:s22], [sflag:$0x1] =	stream.indirect_vreg.gather [hbm4b:s6+s10], $0x80, v18, vm0, $0xb8;
	[tilespmem:$0x8C80] =	vst v63  }
0x114: {  	_ = 	snop  }
0x115: {  	[tilespmem:s23], [sflag:$0x1] =	stream.indirect_vreg.gather [hbm4b:s2+s10], $0x80, v17, vm0, $0xb8;
	[tilespmem:$0x8C80] =	vst v63  }
0x116: {  	_ = 	snop  }
0x117: {  	[tilespmem:s24], [sflag:$0x1] =	stream.indirect_vreg.gather [hbm4b:s5+s10], $0x80, v17, vm0, $0xb8;
	[tilespmem:$0x8C80] =	vst v63  }
0x118: {  	_ = 	snop  }
0x119: {  	[tilespmem:s25], [sflag:$0x1] =	stream.indirect_vreg.gather [hbm4b:s6+s10], $0x80, v17, vm0, $0xb8;
	[tilespmem:$0x8C80] =	vst v63  }
0x11a: {  	v17 =	vld [tilespmem:$0x1410];
	_ =	sdelay $0x4  }
0x11b: {  	v18 =	vshrl.u32 v17, $0x3  }
0x11c: {  	v18 =	vmul.u32 $0x30, v18  }
0x11d: {  	v17 =	vand.u32 $0x7, v17  }
0x11e: {  	v17 =	vor.u32 v17, v18  }
0x11f: {  	v18 =	vperm.xlane v17, v14;
	_ =	sdelay $0x1  }
0x120: {  	v18 =	vadd.s32 v15, v18;
	_ =	sdelay $0x3  }
0x121: {  	v17 =	vperm.xlane v17, v16  }
0x122: {  	[tilespmem:s26], [sflag:$0x1] =	stream.indirect_vreg.gather [hbm4b:s2+s10], $0x80, v18, vm0, $0xb8;
	[tilespmem:$0x8C80] =	vst v63  }
0x123: {  	v17 =	vadd.s32 v15, v17  }
0x124: {  	[tilespmem:s28], [sflag:$0x1] =	stream.indirect_vreg.gather [hbm4b:s5+s10], $0x80, v18, vm0, $0xb8;
	[tilespmem:$0x8C80] =	vst v63  }
0x125: {  	_ = 	snop  }
0x126: {  	[tilespmem:s29], [sflag:$0x1] =	stream.indirect_vreg.gather [hbm4b:s6+s10], $0x80, v18, vm0, $0xb8;
	[tilespmem:$0x8C80] =	vst v63  }
0x127: {  	_ = 	snop  }
0x128: {  	[tilespmem:s30], [sflag:$0x1] =	stream.indirect_vreg.gather [hbm4b:s2+s10], $0x80, v17, vm0, $0xb8;
	[tilespmem:$0x8C80] =	vst v63  }
0x129: {  	_ = 	snop  }
0x12a: {  	[tilespmem:s31], [sflag:$0x1] =	stream.indirect_vreg.gather [hbm4b:s5+s10], $0x80, v17, vm0, $0xb8;
	[tilespmem:$0x8C80] =	vst v63  }
0x12b: {  	_ = 	snop  }
0x12c: {  	[tilespmem:s1], [sflag:$0x1] =	stream.indirect_vreg.gather [hbm4b:s6+s10], $0x80, v17, vm0, $0xb8;
	[tilespmem:$0x8C80] =	vst v63  }
0x12d: {  	v17 =	vld.msk [tilespmem:$0x1420], $0xff;
	_ =	sdelay $0x4  }
0x12e: {  	v18 =	vshrl.u32 v17, $0x3  }
0x12f: {  	v18 =	vmul.u32 $0x30, v18  }
0x130: {  	v17 =	vand.u32 $0x7, v17  }
0x131: {  	v17 =	vor.u32 v17, v18  }
0x132: {  	v17 =	vperm.xlane v17, v14;
	_ =	sdelay $0x1  }
0x133: {  	v17 =	vadd.s32 v15, v17;
	_ =	sdelay $0x4  }
0x134: {  	[tilespmem:s0], [sflag:$0x1] =	stream.indirect_vreg.gather [hbm4b:s2+s10], $0x80, v17, vm0, $0xb8;
	[tilespmem:$0x8C80] =	vst v63  }
0x135: {  	_ = 	snop  }
0x136: {  	[tilespmem:s4], [sflag:$0x1] =	stream.indirect_vreg.gather [hbm4b:s5+s10], $0x80, v17, vm0, $0xb8;
	[tilespmem:$0x8C80] =	vst v63  }
0x137: {  	_ = 	snop  }
0x138: {  	[tilespmem:s7], [sflag:$0x1] =	stream.indirect_vreg.gather [hbm4b:s6+s10], $0x80, v17, vm0, $0xb8;
	[tilespmem:$0x8C80] =	vst v63  }
0x139: {  	_ =	swait.ge [sflag:s8], $0x7800  }
0x13a: {  	[sflag:s8] =	ssyncset.done $0x0  }
0x13b: {  	s11 =	rddreg [dreg:$0x7];
	[sflag:s8] =	ssyncadd.s32 $0xFFFF8800  }
0x13c: {  	[hbm4b:s11+s10] =	stream.linear.scatter [tilespmem:s20], [sflag:$0x2], $0x7800, $0x38;
	[tilespmem:$0x8C80] =	vst v63  }
0x13d: {  	_ =	swait.ge [sflag:s17], $0x7800  }
0x13e: {  	[sflag:s17] =	ssyncset.done $0x0  }
0x13f: {  	s11 =	simm.s32 $0x0;
	[sflag:s17] =	ssyncadd.s32 $0xFFFF8800  }
.LBB2_14:
0x140: {  	s12 =	sand.u32 $0x1F0, s10  }
0x141: {  	v18 =	vimm.f32 $-2.000000000e+00;
	v17 =	vimm.s32 $0x0;
	s13 =	simm.s32 $0x10;
	v19 =	vld [tilespmem:s12+$0x600];
	s12 =	simm.s32 $0x0  }
.LBB2_15:
0x142: {  	p0 =	sne.s32 s13, $0x1F0  }
.Ltmp6:
0x143: {  	_ = 	snop;
	(pc) =	sbr.rel @p0 .LBB2_15-.Ltmp6, $3  }
0x144: {  	_ =	sdelay $0x1  }
0x145: {  	s14 =	sand.u32 $0x1F0, s13;
	v20 =	vor.u32 s12, v8;
	s12 =	smov.u32 s13;
	s13 =	sadd.s32 $0x10, s13;
	vm1 =	vgt.f32 v19, v18  }
0x146: {  	v18 =	vsel vm1, v19, v18;
	v19 =	vld [tilespmem:s14+$0x600];
	v17 =	vsel vm1, v20, v17  }
0x147: {  	_ =	sdelay $0x3  }
0x148: {  	vm1 =	vgt.f32 v19, v18  }
0x149: {  	v18 =	vsel vm1, v19, v18  }
0x14a: {  	v19 =	vperm.xlane v18, v9;
	_ =	sdelay $0x1  }
0x14b: {  	v19 =	vmax.f32 v18, v19  }
0x14c: {  	v20 =	vperm.xlane v19, v10;
	_ =	sdelay $0x1  }
0x14d: {  	v19 =	vmax.f32 v19, v20  }
0x14e: {  	v20 =	vperm.xlane v19, v11;
	_ =	sdelay $0x1  }
0x14f: {  	v19 =	vmax.f32 v19, v20  }
0x150: {  	v20 =	vperm.xlane v19, v12;
	_ =	sdelay $0x1  }
0x151: {  	v62 =	vor.u32 s12, v8;
	v19 =	vmax.f32 v19, v20  }
0x152: {  	v17 =	vsel vm1, v62, v17;
	vm1 =	veq.f32 v18, v19  }
0x153: {  	v17 =	vnsel vm1, $0x40000000, v17  }
0x154: {  	v18 =	vperm.xlane v17, v9;
	_ =	sdelay $0x1  }
0x155: {  	vm1 =	vlt.s32 v17, v18  }
0x156: {  	v17 =	vsel vm1, v17, v18  }
0x157: {  	v18 =	vperm.xlane v17, v10;
	_ =	sdelay $0x1  }
0x158: {  	vm1 =	vlt.s32 v17, v18  }
0x159: {  	v17 =	vsel vm1, v17, v18  }
0x15a: {  	v18 =	vperm.xlane v17, v11;
	_ =	sdelay $0x1  }
0x15b: {  	vm1 =	vlt.s32 v17, v18  }
0x15c: {  	v17 =	vsel vm1, v17, v18  }
0x15d: {  	v18 =	vperm.xlane v17, v12;
	_ =	sdelay $0x1  }
0x15e: {  	vm1 =	vlt.s32 v17, v18  }
0x15f: {  	v17 =	vsel vm1, v17, v18  }
0x160: {  	v18 =	vmov s11;
	v19 =	vadd.s32 $0x600, v17  }
0x161: {  	s11 =	sadd.s32 $0x1, s11;
	v63 =	vor.u32 $0x180, v18  }
0x162: {  	p0 =	sne.s32 s11, $0x28  }
.Ltmp7:
0x163: {  	_ = 	snop;
	(pc) =	sbr.rel @p0 .LBB2_14-.Ltmp7, $4  }
0x164: {  	_ = 	snop  }
0x165: {  	[tilespmem:v19+s3+$0x0] =	vst.idx.msk $0x1, v13  }
0x166: {  	[tilespmem:v63+s18+$0x0] =	vst.idx.msk $0x1, v17;
	v17 =	vadd.s32 v3, v17  }
0x167: {  	[tilespmem:v18+s19+$0x0] =	vst.idx.msk $0x1, v17  }
0x168: {  	v17 =	vld [tilespmem:$0x1400];
	_ =	sdelay $0x4  }
0x169: {  	v18 =	vshrl.u32 v17, $0x3  }
0x16a: {  	v18 =	vmul.u32 $0x30, v18  }
0x16b: {  	v17 =	vand.u32 $0x7, v17  }
0x16c: {  	v17 =	vor.u32 v17, v18  }
0x16d: {  	v18 =	vperm.xlane v17, v14;
	_ =	sdelay $0x1  }
0x16e: {  	v18 =	vadd.s32 v15, v18;
	_ =	sdelay $0x3  }
0x16f: {  	s10 =	simm.s32 $0x0;
	v17 =	vperm.xlane v17, v16  }
0x170: {  	[tilespmem:s20], [sflag:$0x1] =	stream.indirect_vreg.gather [hbm4b:s2+s10], $0x80, v18, vm0, $0xb8;
	[tilespmem:$0x8C80] =	vst v63  }
0x171: {  	v17 =	vadd.s32 v15, v17  }
0x172: {  	[tilespmem:s21], [sflag:$0x1] =	stream.indirect_vreg.gather [hbm4b:s5+s10], $0x80, v18, vm0, $0xb8;
	[tilespmem:$0x8C80] =	vst v63  }
0x173: {  	_ = 	snop  }
0x174: {  	[tilespmem:s22], [sflag:$0x1] =	stream.indirect_vreg.gather [hbm4b:s6+s10], $0x80, v18, vm0, $0xb8;
	[tilespmem:$0x8C80] =	vst v63  }
0x175: {  	_ = 	snop  }
0x176: {  	[tilespmem:s23], [sflag:$0x1] =	stream.indirect_vreg.gather [hbm4b:s2+s10], $0x80, v17, vm0, $0xb8;
	[tilespmem:$0x8C80] =	vst v63  }
0x177: {  	_ = 	snop  }
0x178: {  	[tilespmem:s24], [sflag:$0x1] =	stream.indirect_vreg.gather [hbm4b:s5+s10], $0x80, v17, vm0, $0xb8;
	[tilespmem:$0x8C80] =	vst v63  }
0x179: {  	_ = 	snop  }
0x17a: {  	[tilespmem:s25], [sflag:$0x1] =	stream.indirect_vreg.gather [hbm4b:s6+s10], $0x80, v17, vm0, $0xb8;
	[tilespmem:$0x8C80] =	vst v63  }
0x17b: {  	v17 =	vld [tilespmem:$0x1410];
	_ =	sdelay $0x4  }
0x17c: {  	v18 =	vshrl.u32 v17, $0x3  }
0x17d: {  	v18 =	vmul.u32 $0x30, v18  }
0x17e: {  	v17 =	vand.u32 $0x7, v17  }
0x17f: {  	v17 =	vor.u32 v17, v18  }
0x180: {  	v18 =	vperm.xlane v17, v14;
	_ =	sdelay $0x1  }
0x181: {  	v18 =	vadd.s32 v15, v18;
	_ =	sdelay $0x3  }
0x182: {  	v17 =	vperm.xlane v17, v16  }
0x183: {  	[tilespmem:s26], [sflag:$0x1] =	stream.indirect_vreg.gather [hbm4b:s2+s10], $0x80, v18, vm0, $0xb8;
	[tilespmem:$0x8C80] =	vst v63  }
0x184: {  	v17 =	vadd.s32 v15, v17  }
0x185: {  	[tilespmem:s28], [sflag:$0x1] =	stream.indirect_vreg.gather [hbm4b:s5+s10], $0x80, v18, vm0, $0xb8;
	[tilespmem:$0x8C80] =	vst v63  }
0x186: {  	_ = 	snop  }
0x187: {  	[tilespmem:s29], [sflag:$0x1] =	stream.indirect_vreg.gather [hbm4b:s6+s10], $0x80, v18, vm0, $0xb8;
	[tilespmem:$0x8C80] =	vst v63  }
0x188: {  	_ = 	snop  }
0x189: {  	[tilespmem:s30], [sflag:$0x1] =	stream.indirect_vreg.gather [hbm4b:s2+s10], $0x80, v17, vm0, $0xb8;
	[tilespmem:$0x8C80] =	vst v63  }
0x18a: {  	_ = 	snop  }
0x18b: {  	[tilespmem:s31], [sflag:$0x1] =	stream.indirect_vreg.gather [hbm4b:s5+s10], $0x80, v17, vm0, $0xb8;
	[tilespmem:$0x8C80] =	vst v63  }
0x18c: {  	_ = 	snop  }
0x18d: {  	[tilespmem:s1], [sflag:$0x1] =	stream.indirect_vreg.gather [hbm4b:s6+s10], $0x80, v17, vm0, $0xb8;
	[tilespmem:$0x8C80] =	vst v63  }
0x18e: {  	v17 =	vld.msk [tilespmem:$0x1420], $0xff;
	_ =	sdelay $0x4  }
0x18f: {  	v18 =	vshrl.u32 v17, $0x3  }
0x190: {  	v18 =	vmul.u32 $0x30, v18  }
0x191: {  	v17 =	vand.u32 $0x7, v17  }
0x192: {  	v17 =	vor.u32 v17, v18  }
0x193: {  	v17 =	vperm.xlane v17, v14;
	_ =	sdelay $0x1  }
0x194: {  	v17 =	vadd.s32 v15, v17;
	_ =	sdelay $0x4  }
0x195: {  	[tilespmem:s0], [sflag:$0x1] =	stream.indirect_vreg.gather [hbm4b:s2+s10], $0x80, v17, vm0, $0xb8;
	[tilespmem:$0x8C80] =	vst v63  }
0x196: {  	_ = 	snop  }
0x197: {  	[tilespmem:s4], [sflag:$0x1] =	stream.indirect_vreg.gather [hbm4b:s5+s10], $0x80, v17, vm0, $0xb8;
	[tilespmem:$0x8C80] =	vst v63  }
0x198: {  	_ = 	snop  }
0x199: {  	[tilespmem:s7], [sflag:$0x1] =	stream.indirect_vreg.gather [hbm4b:s6+s10], $0x80, v17, vm0, $0xb8;
	[tilespmem:$0x8C80] =	vst v63  }
0x19a: {  	_ =	swait.ge [sflag:s8], $0x7800  }
0x19b: {  	[sflag:s8] =	ssyncset.done $0x0  }
0x19c: {  	s11 =	rddreg [dreg:$0x8];
	[sflag:s8] =	ssyncadd.s32 $0xFFFF8800  }
0x19d: {  	[hbm4b:s11+s10] =	stream.linear.scatter [tilespmem:s20], [sflag:$0x2], $0x7800, $0x38;
	[tilespmem:$0x8C80] =	vst v63  }
0x19e: {  	_ =	swait.ge [sflag:s17], $0x7800  }
0x19f: {  	[sflag:s17] =	ssyncset.done $0x0  }
0x1a0: {  	s11 =	simm.s32 $0x0;
	[sflag:s17] =	ssyncadd.s32 $0xFFFF8800  }
.LBB2_18:
0x1a1: {  	s12 =	sand.u32 $0x1F0, s10  }
0x1a2: {  	v18 =	vimm.f32 $-2.000000000e+00;
	v17 =	vimm.s32 $0x0;
	s13 =	simm.s32 $0x10;
	v19 =	vld [tilespmem:s12+$0x800];
	s12 =	simm.s32 $0x0  }
.LBB2_19:
0x1a3: {  	p0 =	sne.s32 s13, $0x1F0  }
.Ltmp8:
0x1a4: {  	_ = 	snop;
	(pc) =	sbr.rel @p0 .LBB2_19-.Ltmp8, $3  }
0x1a5: {  	_ =	sdelay $0x1  }
0x1a6: {  	s14 =	sand.u32 $0x1F0, s13;
	v20 =	vor.u32 s12, v8;
	s12 =	smov.u32 s13;
	s13 =	sadd.s32 $0x10, s13;
	vm1 =	vgt.f32 v19, v18  }
0x1a7: {  	v18 =	vsel vm1, v19, v18;
	v19 =	vld [tilespmem:s14+$0x800];
	v17 =	vsel vm1, v20, v17  }
0x1a8: {  	_ =	sdelay $0x3  }
0x1a9: {  	vm1 =	vgt.f32 v19, v18  }
0x1aa: {  	v18 =	vsel vm1, v19, v18  }
0x1ab: {  	v19 =	vperm.xlane v18, v9;
	_ =	sdelay $0x1  }
0x1ac: {  	v19 =	vmax.f32 v18, v19  }
0x1ad: {  	v20 =	vperm.xlane v19, v10;
	_ =	sdelay $0x1  }
0x1ae: {  	v19 =	vmax.f32 v19, v20  }
0x1af: {  	v20 =	vperm.xlane v19, v11;
	_ =	sdelay $0x1  }
0x1b0: {  	v19 =	vmax.f32 v19, v20  }
0x1b1: {  	v20 =	vperm.xlane v19, v12;
	_ =	sdelay $0x1  }
0x1b2: {  	v62 =	vor.u32 s12, v8;
	v19 =	vmax.f32 v19, v20  }
0x1b3: {  	v17 =	vsel vm1, v62, v17;
	vm1 =	veq.f32 v18, v19  }
0x1b4: {  	v17 =	vnsel vm1, $0x40000000, v17  }
0x1b5: {  	v18 =	vperm.xlane v17, v9;
	_ =	sdelay $0x1  }
0x1b6: {  	vm1 =	vlt.s32 v17, v18  }
0x1b7: {  	v17 =	vsel vm1, v17, v18  }
0x1b8: {  	v18 =	vperm.xlane v17, v10;
	_ =	sdelay $0x1  }
0x1b9: {  	vm1 =	vlt.s32 v17, v18  }
0x1ba: {  	v17 =	vsel vm1, v17, v18  }
0x1bb: {  	v18 =	vperm.xlane v17, v11;
	_ =	sdelay $0x1  }
0x1bc: {  	vm1 =	vlt.s32 v17, v18  }
0x1bd: {  	v17 =	vsel vm1, v17, v18  }
0x1be: {  	v18 =	vperm.xlane v17, v12;
	_ =	sdelay $0x1  }
0x1bf: {  	vm1 =	vlt.s32 v17, v18  }
0x1c0: {  	v17 =	vsel vm1, v17, v18  }
0x1c1: {  	v18 =	vmov s11;
	v19 =	vadd.s32 $0x800, v17  }
0x1c2: {  	s11 =	sadd.s32 $0x1, s11;
	v63 =	vor.u32 $0x200, v18  }
0x1c3: {  	p0 =	sne.s32 s11, $0x28  }
.Ltmp9:
0x1c4: {  	_ = 	snop;
	(pc) =	sbr.rel @p0 .LBB2_18-.Ltmp9, $4  }
0x1c5: {  	_ = 	snop  }
0x1c6: {  	[tilespmem:v19+s3+$0x0] =	vst.idx.msk $0x1, v13  }
0x1c7: {  	[tilespmem:v63+s18+$0x0] =	vst.idx.msk $0x1, v17;
	v17 =	vadd.s32 v4, v17  }
0x1c8: {  	[tilespmem:v18+s19+$0x0] =	vst.idx.msk $0x1, v17  }
0x1c9: {  	v17 =	vld [tilespmem:$0x1400];
	_ =	sdelay $0x4  }
0x1ca: {  	v18 =	vshrl.u32 v17, $0x3  }
0x1cb: {  	v18 =	vmul.u32 $0x30, v18  }
0x1cc: {  	v17 =	vand.u32 $0x7, v17  }
0x1cd: {  	v17 =	vor.u32 v17, v18  }
0x1ce: {  	v18 =	vperm.xlane v17, v14;
	_ =	sdelay $0x1  }
0x1cf: {  	v18 =	vadd.s32 v15, v18;
	_ =	sdelay $0x3  }
0x1d0: {  	s10 =	simm.s32 $0x0;
	v17 =	vperm.xlane v17, v16  }
0x1d1: {  	[tilespmem:s20], [sflag:$0x1] =	stream.indirect_vreg.gather [hbm4b:s2+s10], $0x80, v18, vm0, $0xb8;
	[tilespmem:$0x8C80] =	vst v63  }
0x1d2: {  	v17 =	vadd.s32 v15, v17  }
0x1d3: {  	[tilespmem:s21], [sflag:$0x1] =	stream.indirect_vreg.gather [hbm4b:s5+s10], $0x80, v18, vm0, $0xb8;
	[tilespmem:$0x8C80] =	vst v63  }
0x1d4: {  	_ = 	snop  }
0x1d5: {  	[tilespmem:s22], [sflag:$0x1] =	stream.indirect_vreg.gather [hbm4b:s6+s10], $0x80, v18, vm0, $0xb8;
	[tilespmem:$0x8C80] =	vst v63  }
0x1d6: {  	_ = 	snop  }
0x1d7: {  	[tilespmem:s23], [sflag:$0x1] =	stream.indirect_vreg.gather [hbm4b:s2+s10], $0x80, v17, vm0, $0xb8;
	[tilespmem:$0x8C80] =	vst v63  }
0x1d8: {  	_ = 	snop  }
0x1d9: {  	[tilespmem:s24], [sflag:$0x1] =	stream.indirect_vreg.gather [hbm4b:s5+s10], $0x80, v17, vm0, $0xb8;
	[tilespmem:$0x8C80] =	vst v63  }
0x1da: {  	_ = 	snop  }
0x1db: {  	[tilespmem:s25], [sflag:$0x1] =	stream.indirect_vreg.gather [hbm4b:s6+s10], $0x80, v17, vm0, $0xb8;
	[tilespmem:$0x8C80] =	vst v63  }
0x1dc: {  	v17 =	vld [tilespmem:$0x1410];
	_ =	sdelay $0x4  }
0x1dd: {  	v18 =	vshrl.u32 v17, $0x3  }
0x1de: {  	v18 =	vmul.u32 $0x30, v18  }
0x1df: {  	v17 =	vand.u32 $0x7, v17  }
0x1e0: {  	v17 =	vor.u32 v17, v18  }
0x1e1: {  	v18 =	vperm.xlane v17, v14;
	_ =	sdelay $0x1  }
0x1e2: {  	v18 =	vadd.s32 v15, v18;
	_ =	sdelay $0x3  }
0x1e3: {  	v17 =	vperm.xlane v17, v16  }
0x1e4: {  	[tilespmem:s26], [sflag:$0x1] =	stream.indirect_vreg.gather [hbm4b:s2+s10], $0x80, v18, vm0, $0xb8;
	[tilespmem:$0x8C80] =	vst v63  }
0x1e5: {  	v17 =	vadd.s32 v15, v17  }
0x1e6: {  	[tilespmem:s28], [sflag:$0x1] =	stream.indirect_vreg.gather [hbm4b:s5+s10], $0x80, v18, vm0, $0xb8;
	[tilespmem:$0x8C80] =	vst v63  }
0x1e7: {  	_ = 	snop  }
0x1e8: {  	[tilespmem:s29], [sflag:$0x1] =	stream.indirect_vreg.gather [hbm4b:s6+s10], $0x80, v18, vm0, $0xb8;
	[tilespmem:$0x8C80] =	vst v63  }
0x1e9: {  	_ = 	snop  }
0x1ea: {  	[tilespmem:s30], [sflag:$0x1] =	stream.indirect_vreg.gather [hbm4b:s2+s10], $0x80, v17, vm0, $0xb8;
	[tilespmem:$0x8C80] =	vst v63  }
0x1eb: {  	_ = 	snop  }
0x1ec: {  	[tilespmem:s31], [sflag:$0x1] =	stream.indirect_vreg.gather [hbm4b:s5+s10], $0x80, v17, vm0, $0xb8;
	[tilespmem:$0x8C80] =	vst v63  }
0x1ed: {  	_ = 	snop  }
0x1ee: {  	[tilespmem:s1], [sflag:$0x1] =	stream.indirect_vreg.gather [hbm4b:s6+s10], $0x80, v17, vm0, $0xb8;
	[tilespmem:$0x8C80] =	vst v63  }
0x1ef: {  	v17 =	vld.msk [tilespmem:$0x1420], $0xff;
	_ =	sdelay $0x4  }
0x1f0: {  	v18 =	vshrl.u32 v17, $0x3  }
0x1f1: {  	v18 =	vmul.u32 $0x30, v18  }
0x1f2: {  	v17 =	vand.u32 $0x7, v17  }
0x1f3: {  	v17 =	vor.u32 v17, v18  }
0x1f4: {  	v17 =	vperm.xlane v17, v14;
	_ =	sdelay $0x1  }
0x1f5: {  	v17 =	vadd.s32 v15, v17;
	_ =	sdelay $0x4  }
0x1f6: {  	[tilespmem:s0], [sflag:$0x1] =	stream.indirect_vreg.gather [hbm4b:s2+s10], $0x80, v17, vm0, $0xb8;
	[tilespmem:$0x8C80] =	vst v63  }
0x1f7: {  	_ = 	snop  }
0x1f8: {  	[tilespmem:s4], [sflag:$0x1] =	stream.indirect_vreg.gather [hbm4b:s5+s10], $0x80, v17, vm0, $0xb8;
	[tilespmem:$0x8C80] =	vst v63  }
0x1f9: {  	_ = 	snop  }
0x1fa: {  	[tilespmem:s7], [sflag:$0x1] =	stream.indirect_vreg.gather [hbm4b:s6+s10], $0x80, v17, vm0, $0xb8;
	[tilespmem:$0x8C80] =	vst v63  }
0x1fb: {  	_ =	swait.ge [sflag:s8], $0x7800  }
0x1fc: {  	[sflag:s8] =	ssyncset.done $0x0  }
0x1fd: {  	s11 =	rddreg [dreg:$0x9];
	[sflag:s8] =	ssyncadd.s32 $0xFFFF8800  }
0x1fe: {  	[hbm4b:s11+s10] =	stream.linear.scatter [tilespmem:s20], [sflag:$0x2], $0x7800, $0x38;
	[tilespmem:$0x8C80] =	vst v63  }
0x1ff: {  	_ =	swait.ge [sflag:s17], $0x7800  }
0x200: {  	[sflag:s17] =	ssyncset.done $0x0  }
0x201: {  	s11 =	simm.s32 $0x0;
	[sflag:s17] =	ssyncadd.s32 $0xFFFF8800  }
.LBB2_22:
0x202: {  	s12 =	sand.u32 $0x1F0, s10  }
0x203: {  	v18 =	vimm.f32 $-2.000000000e+00;
	v17 =	vimm.s32 $0x0;
	s13 =	simm.s32 $0x10;
	v19 =	vld [tilespmem:s12+$0xA00];
	s12 =	simm.s32 $0x0  }
.LBB2_23:
0x204: {  	p0 =	sne.s32 s13, $0x1F0  }
.Ltmp10:
0x205: {  	_ = 	snop;
	(pc) =	sbr.rel @p0 .LBB2_23-.Ltmp10, $3  }
0x206: {  	_ =	sdelay $0x1  }
0x207: {  	s14 =	sand.u32 $0x1F0, s13;
	v20 =	vor.u32 s12, v8;
	s12 =	smov.u32 s13;
	s13 =	sadd.s32 $0x10, s13;
	vm1 =	vgt.f32 v19, v18  }
0x208: {  	v18 =	vsel vm1, v19, v18;
	v19 =	vld [tilespmem:s14+$0xA00];
	v17 =	vsel vm1, v20, v17  }
0x209: {  	_ =	sdelay $0x3  }
0x20a: {  	vm1 =	vgt.f32 v19, v18  }
0x20b: {  	v18 =	vsel vm1, v19, v18  }
0x20c: {  	v19 =	vperm.xlane v18, v9;
	_ =	sdelay $0x1  }
0x20d: {  	v19 =	vmax.f32 v18, v19  }
0x20e: {  	v20 =	vperm.xlane v19, v10;
	_ =	sdelay $0x1  }
0x20f: {  	v19 =	vmax.f32 v19, v20  }
0x210: {  	v20 =	vperm.xlane v19, v11;
	_ =	sdelay $0x1  }
0x211: {  	v19 =	vmax.f32 v19, v20  }
0x212: {  	v20 =	vperm.xlane v19, v12;
	_ =	sdelay $0x1  }
0x213: {  	v62 =	vor.u32 s12, v8;
	v19 =	vmax.f32 v19, v20  }
0x214: {  	v17 =	vsel vm1, v62, v17;
	vm1 =	veq.f32 v18, v19  }
0x215: {  	v17 =	vnsel vm1, $0x40000000, v17  }
0x216: {  	v18 =	vperm.xlane v17, v9;
	_ =	sdelay $0x1  }
0x217: {  	vm1 =	vlt.s32 v17, v18  }
0x218: {  	v17 =	vsel vm1, v17, v18  }
0x219: {  	v18 =	vperm.xlane v17, v10;
	_ =	sdelay $0x1  }
0x21a: {  	vm1 =	vlt.s32 v17, v18  }
0x21b: {  	v17 =	vsel vm1, v17, v18  }
0x21c: {  	v18 =	vperm.xlane v17, v11;
	_ =	sdelay $0x1  }
0x21d: {  	vm1 =	vlt.s32 v17, v18  }
0x21e: {  	v17 =	vsel vm1, v17, v18  }
0x21f: {  	v18 =	vperm.xlane v17, v12;
	_ =	sdelay $0x1  }
0x220: {  	vm1 =	vlt.s32 v17, v18  }
0x221: {  	v17 =	vsel vm1, v17, v18  }
0x222: {  	v18 =	vmov s11;
	v19 =	vadd.s32 $0xA00, v17  }
0x223: {  	s11 =	sadd.s32 $0x1, s11;
	v63 =	vor.u32 $0x280, v18  }
0x224: {  	p0 =	sne.s32 s11, $0x28  }
.Ltmp11:
0x225: {  	_ = 	snop;
	(pc) =	sbr.rel @p0 .LBB2_22-.Ltmp11, $4  }
0x226: {  	_ = 	snop  }
0x227: {  	[tilespmem:v19+s3+$0x0] =	vst.idx.msk $0x1, v13  }
0x228: {  	[tilespmem:v63+s18+$0x0] =	vst.idx.msk $0x1, v17;
	v17 =	vadd.s32 v5, v17  }
0x229: {  	[tilespmem:v18+s19+$0x0] =	vst.idx.msk $0x1, v17  }
0x22a: {  	v17 =	vld [tilespmem:$0x1400];
	_ =	sdelay $0x4  }
0x22b: {  	v18 =	vshrl.u32 v17, $0x3  }
0x22c: {  	v18 =	vmul.u32 $0x30, v18  }
0x22d: {  	v17 =	vand.u32 $0x7, v17  }
0x22e: {  	v17 =	vor.u32 v17, v18  }
0x22f: {  	v18 =	vperm.xlane v17, v14;
	_ =	sdelay $0x1  }
0x230: {  	v18 =	vadd.s32 v15, v18;
	_ =	sdelay $0x3  }
0x231: {  	s10 =	simm.s32 $0x0;
	v17 =	vperm.xlane v17, v16  }
0x232: {  	[tilespmem:s20], [sflag:$0x1] =	stream.indirect_vreg.gather [hbm4b:s2+s10], $0x80, v18, vm0, $0xb8;
	[tilespmem:$0x8C80] =	vst v63  }
0x233: {  	v17 =	vadd.s32 v15, v17  }
0x234: {  	[tilespmem:s21], [sflag:$0x1] =	stream.indirect_vreg.gather [hbm4b:s5+s10], $0x80, v18, vm0, $0xb8;
	[tilespmem:$0x8C80] =	vst v63  }
0x235: {  	_ = 	snop  }
0x236: {  	[tilespmem:s22], [sflag:$0x1] =	stream.indirect_vreg.gather [hbm4b:s6+s10], $0x80, v18, vm0, $0xb8;
	[tilespmem:$0x8C80] =	vst v63  }
0x237: {  	_ = 	snop  }
0x238: {  	[tilespmem:s23], [sflag:$0x1] =	stream.indirect_vreg.gather [hbm4b:s2+s10], $0x80, v17, vm0, $0xb8;
	[tilespmem:$0x8C80] =	vst v63  }
0x239: {  	_ = 	snop  }
0x23a: {  	[tilespmem:s24], [sflag:$0x1] =	stream.indirect_vreg.gather [hbm4b:s5+s10], $0x80, v17, vm0, $0xb8;
	[tilespmem:$0x8C80] =	vst v63  }
0x23b: {  	_ = 	snop  }
0x23c: {  	[tilespmem:s25], [sflag:$0x1] =	stream.indirect_vreg.gather [hbm4b:s6+s10], $0x80, v17, vm0, $0xb8;
	[tilespmem:$0x8C80] =	vst v63  }
0x23d: {  	v17 =	vld [tilespmem:$0x1410];
	_ =	sdelay $0x4  }
0x23e: {  	v18 =	vshrl.u32 v17, $0x3  }
0x23f: {  	v18 =	vmul.u32 $0x30, v18  }
0x240: {  	v17 =	vand.u32 $0x7, v17  }
0x241: {  	v17 =	vor.u32 v17, v18  }
0x242: {  	v18 =	vperm.xlane v17, v14;
	_ =	sdelay $0x1  }
0x243: {  	v18 =	vadd.s32 v15, v18;
	_ =	sdelay $0x3  }
0x244: {  	v17 =	vperm.xlane v17, v16  }
0x245: {  	[tilespmem:s26], [sflag:$0x1] =	stream.indirect_vreg.gather [hbm4b:s2+s10], $0x80, v18, vm0, $0xb8;
	[tilespmem:$0x8C80] =	vst v63  }
0x246: {  	v17 =	vadd.s32 v15, v17  }
0x247: {  	[tilespmem:s28], [sflag:$0x1] =	stream.indirect_vreg.gather [hbm4b:s5+s10], $0x80, v18, vm0, $0xb8;
	[tilespmem:$0x8C80] =	vst v63  }
0x248: {  	_ = 	snop  }
0x249: {  	[tilespmem:s29], [sflag:$0x1] =	stream.indirect_vreg.gather [hbm4b:s6+s10], $0x80, v18, vm0, $0xb8;
	[tilespmem:$0x8C80] =	vst v63  }
0x24a: {  	_ = 	snop  }
0x24b: {  	[tilespmem:s30], [sflag:$0x1] =	stream.indirect_vreg.gather [hbm4b:s2+s10], $0x80, v17, vm0, $0xb8;
	[tilespmem:$0x8C80] =	vst v63  }
0x24c: {  	_ = 	snop  }
0x24d: {  	[tilespmem:s31], [sflag:$0x1] =	stream.indirect_vreg.gather [hbm4b:s5+s10], $0x80, v17, vm0, $0xb8;
	[tilespmem:$0x8C80] =	vst v63  }
0x24e: {  	_ = 	snop  }
0x24f: {  	[tilespmem:s1], [sflag:$0x1] =	stream.indirect_vreg.gather [hbm4b:s6+s10], $0x80, v17, vm0, $0xb8;
	[tilespmem:$0x8C80] =	vst v63  }
0x250: {  	v17 =	vld.msk [tilespmem:$0x1420], $0xff;
	_ =	sdelay $0x4  }
0x251: {  	v18 =	vshrl.u32 v17, $0x3  }
0x252: {  	v18 =	vmul.u32 $0x30, v18  }
0x253: {  	v17 =	vand.u32 $0x7, v17  }
0x254: {  	v17 =	vor.u32 v17, v18  }
0x255: {  	v17 =	vperm.xlane v17, v14;
	_ =	sdelay $0x1  }
0x256: {  	v17 =	vadd.s32 v15, v17;
	_ =	sdelay $0x4  }
0x257: {  	[tilespmem:s0], [sflag:$0x1] =	stream.indirect_vreg.gather [hbm4b:s2+s10], $0x80, v17, vm0, $0xb8;
	[tilespmem:$0x8C80] =	vst v63  }
0x258: {  	_ = 	snop  }
0x259: {  	[tilespmem:s4], [sflag:$0x1] =	stream.indirect_vreg.gather [hbm4b:s5+s10], $0x80, v17, vm0, $0xb8;
	[tilespmem:$0x8C80] =	vst v63  }
0x25a: {  	_ = 	snop  }
0x25b: {  	[tilespmem:s7], [sflag:$0x1] =	stream.indirect_vreg.gather [hbm4b:s6+s10], $0x80, v17, vm0, $0xb8;
	[tilespmem:$0x8C80] =	vst v63  }
0x25c: {  	_ =	swait.ge [sflag:s8], $0x7800  }
0x25d: {  	[sflag:s8] =	ssyncset.done $0x0  }
0x25e: {  	s11 =	rddreg [dreg:$0xa];
	[sflag:s8] =	ssyncadd.s32 $0xFFFF8800  }
0x25f: {  	[hbm4b:s11+s10] =	stream.linear.scatter [tilespmem:s20], [sflag:$0x2], $0x7800, $0x38;
	[tilespmem:$0x8C80] =	vst v63  }
0x260: {  	_ =	swait.ge [sflag:s17], $0x7800  }
0x261: {  	[sflag:s17] =	ssyncset.done $0x0  }
0x262: {  	s11 =	simm.s32 $0x0;
	[sflag:s17] =	ssyncadd.s32 $0xFFFF8800  }
.LBB2_26:
0x263: {  	s12 =	sand.u32 $0x1F0, s10  }
0x264: {  	v18 =	vimm.f32 $-2.000000000e+00;
	v17 =	vimm.s32 $0x0;
	s13 =	simm.s32 $0x10;
	v19 =	vld [tilespmem:s12+$0xC00];
	s12 =	simm.s32 $0x0  }
.LBB2_27:
0x265: {  	p0 =	sne.s32 s13, $0x1F0  }
.Ltmp12:
0x266: {  	_ = 	snop;
	(pc) =	sbr.rel @p0 .LBB2_27-.Ltmp12, $3  }
0x267: {  	_ =	sdelay $0x1  }
0x268: {  	s14 =	sand.u32 $0x1F0, s13;
	v20 =	vor.u32 s12, v8;
	s12 =	smov.u32 s13;
	s13 =	sadd.s32 $0x10, s13;
	vm1 =	vgt.f32 v19, v18  }
0x269: {  	v18 =	vsel vm1, v19, v18;
	v19 =	vld [tilespmem:s14+$0xC00];
	v17 =	vsel vm1, v20, v17  }
0x26a: {  	_ =	sdelay $0x3  }
0x26b: {  	vm1 =	vgt.f32 v19, v18  }
0x26c: {  	v18 =	vsel vm1, v19, v18  }
0x26d: {  	v19 =	vperm.xlane v18, v9;
	_ =	sdelay $0x1  }
0x26e: {  	v19 =	vmax.f32 v18, v19  }
0x26f: {  	v20 =	vperm.xlane v19, v10;
	_ =	sdelay $0x1  }
0x270: {  	v19 =	vmax.f32 v19, v20  }
0x271: {  	v20 =	vperm.xlane v19, v11;
	_ =	sdelay $0x1  }
0x272: {  	v19 =	vmax.f32 v19, v20  }
0x273: {  	v20 =	vperm.xlane v19, v12;
	_ =	sdelay $0x1  }
0x274: {  	v62 =	vor.u32 s12, v8;
	v19 =	vmax.f32 v19, v20  }
0x275: {  	v17 =	vsel vm1, v62, v17;
	vm1 =	veq.f32 v18, v19  }
0x276: {  	v17 =	vnsel vm1, $0x40000000, v17  }
0x277: {  	v18 =	vperm.xlane v17, v9;
	_ =	sdelay $0x1  }
0x278: {  	vm1 =	vlt.s32 v17, v18  }
0x279: {  	v17 =	vsel vm1, v17, v18  }
0x27a: {  	v18 =	vperm.xlane v17, v10;
	_ =	sdelay $0x1  }
0x27b: {  	vm1 =	vlt.s32 v17, v18  }
0x27c: {  	v17 =	vsel vm1, v17, v18  }
0x27d: {  	v18 =	vperm.xlane v17, v11;
	_ =	sdelay $0x1  }
0x27e: {  	vm1 =	vlt.s32 v17, v18  }
0x27f: {  	v17 =	vsel vm1, v17, v18  }
0x280: {  	v18 =	vperm.xlane v17, v12;
	_ =	sdelay $0x1  }
0x281: {  	vm1 =	vlt.s32 v17, v18  }
0x282: {  	v17 =	vsel vm1, v17, v18  }
0x283: {  	v18 =	vmov s11;
	v19 =	vadd.s32 $0xC00, v17  }
0x284: {  	s11 =	sadd.s32 $0x1, s11;
	v63 =	vor.u32 $0x300, v18  }
0x285: {  	p0 =	sne.s32 s11, $0x28  }
.Ltmp13:
0x286: {  	_ = 	snop;
	(pc) =	sbr.rel @p0 .LBB2_26-.Ltmp13, $4  }
0x287: {  	_ = 	snop  }
0x288: {  	[tilespmem:v19+s3+$0x0] =	vst.idx.msk $0x1, v13  }
0x289: {  	[tilespmem:v63+s18+$0x0] =	vst.idx.msk $0x1, v17;
	v17 =	vadd.s32 v6, v17  }
0x28a: {  	[tilespmem:v18+s19+$0x0] =	vst.idx.msk $0x1, v17  }
0x28b: {  	v17 =	vld [tilespmem:$0x1400];
	_ =	sdelay $0x4  }
0x28c: {  	v18 =	vshrl.u32 v17, $0x3  }
0x28d: {  	v18 =	vmul.u32 $0x30, v18  }
0x28e: {  	v17 =	vand.u32 $0x7, v17  }
0x28f: {  	v17 =	vor.u32 v17, v18  }
0x290: {  	v18 =	vperm.xlane v17, v14;
	_ =	sdelay $0x1  }
0x291: {  	v18 =	vadd.s32 v15, v18;
	_ =	sdelay $0x3  }
0x292: {  	s10 =	simm.s32 $0x0;
	v17 =	vperm.xlane v17, v16  }
0x293: {  	[tilespmem:s20], [sflag:$0x1] =	stream.indirect_vreg.gather [hbm4b:s2+s10], $0x80, v18, vm0, $0xb8;
	[tilespmem:$0x8C80] =	vst v63  }
0x294: {  	v17 =	vadd.s32 v15, v17  }
0x295: {  	[tilespmem:s21], [sflag:$0x1] =	stream.indirect_vreg.gather [hbm4b:s5+s10], $0x80, v18, vm0, $0xb8;
	[tilespmem:$0x8C80] =	vst v63  }
0x296: {  	_ = 	snop  }
0x297: {  	[tilespmem:s22], [sflag:$0x1] =	stream.indirect_vreg.gather [hbm4b:s6+s10], $0x80, v18, vm0, $0xb8;
	[tilespmem:$0x8C80] =	vst v63  }
0x298: {  	_ = 	snop  }
0x299: {  	[tilespmem:s23], [sflag:$0x1] =	stream.indirect_vreg.gather [hbm4b:s2+s10], $0x80, v17, vm0, $0xb8;
	[tilespmem:$0x8C80] =	vst v63  }
0x29a: {  	_ = 	snop  }
0x29b: {  	[tilespmem:s24], [sflag:$0x1] =	stream.indirect_vreg.gather [hbm4b:s5+s10], $0x80, v17, vm0, $0xb8;
	[tilespmem:$0x8C80] =	vst v63  }
0x29c: {  	_ = 	snop  }
0x29d: {  	[tilespmem:s25], [sflag:$0x1] =	stream.indirect_vreg.gather [hbm4b:s6+s10], $0x80, v17, vm0, $0xb8;
	[tilespmem:$0x8C80] =	vst v63  }
0x29e: {  	v17 =	vld [tilespmem:$0x1410];
	_ =	sdelay $0x4  }
0x29f: {  	v18 =	vshrl.u32 v17, $0x3  }
0x2a0: {  	v18 =	vmul.u32 $0x30, v18  }
0x2a1: {  	v17 =	vand.u32 $0x7, v17  }
0x2a2: {  	v17 =	vor.u32 v17, v18  }
0x2a3: {  	v18 =	vperm.xlane v17, v14;
	_ =	sdelay $0x1  }
0x2a4: {  	v18 =	vadd.s32 v15, v18;
	_ =	sdelay $0x3  }
0x2a5: {  	v17 =	vperm.xlane v17, v16  }
0x2a6: {  	[tilespmem:s26], [sflag:$0x1] =	stream.indirect_vreg.gather [hbm4b:s2+s10], $0x80, v18, vm0, $0xb8;
	[tilespmem:$0x8C80] =	vst v63  }
0x2a7: {  	v17 =	vadd.s32 v15, v17  }
0x2a8: {  	[tilespmem:s28], [sflag:$0x1] =	stream.indirect_vreg.gather [hbm4b:s5+s10], $0x80, v18, vm0, $0xb8;
	[tilespmem:$0x8C80] =	vst v63  }
0x2a9: {  	_ = 	snop  }
0x2aa: {  	[tilespmem:s29], [sflag:$0x1] =	stream.indirect_vreg.gather [hbm4b:s6+s10], $0x80, v18, vm0, $0xb8;
	[tilespmem:$0x8C80] =	vst v63  }
0x2ab: {  	_ = 	snop  }
0x2ac: {  	[tilespmem:s30], [sflag:$0x1] =	stream.indirect_vreg.gather [hbm4b:s2+s10], $0x80, v17, vm0, $0xb8;
	[tilespmem:$0x8C80] =	vst v63  }
0x2ad: {  	_ = 	snop  }
0x2ae: {  	[tilespmem:s31], [sflag:$0x1] =	stream.indirect_vreg.gather [hbm4b:s5+s10], $0x80, v17, vm0, $0xb8;
	[tilespmem:$0x8C80] =	vst v63  }
0x2af: {  	_ = 	snop  }
0x2b0: {  	[tilespmem:s1], [sflag:$0x1] =	stream.indirect_vreg.gather [hbm4b:s6+s10], $0x80, v17, vm0, $0xb8;
	[tilespmem:$0x8C80] =	vst v63  }
0x2b1: {  	v17 =	vld.msk [tilespmem:$0x1420], $0xff;
	_ =	sdelay $0x4  }
0x2b2: {  	v18 =	vshrl.u32 v17, $0x3  }
0x2b3: {  	v18 =	vmul.u32 $0x30, v18  }
0x2b4: {  	v17 =	vand.u32 $0x7, v17  }
0x2b5: {  	v17 =	vor.u32 v17, v18  }
0x2b6: {  	v17 =	vperm.xlane v17, v14;
	_ =	sdelay $0x1  }
0x2b7: {  	v17 =	vadd.s32 v15, v17;
	_ =	sdelay $0x4  }
0x2b8: {  	[tilespmem:s0], [sflag:$0x1] =	stream.indirect_vreg.gather [hbm4b:s2+s10], $0x80, v17, vm0, $0xb8;
	[tilespmem:$0x8C80] =	vst v63  }
0x2b9: {  	_ = 	snop  }
0x2ba: {  	[tilespmem:s4], [sflag:$0x1] =	stream.indirect_vreg.gather [hbm4b:s5+s10], $0x80, v17, vm0, $0xb8;
	[tilespmem:$0x8C80] =	vst v63  }
0x2bb: {  	_ = 	snop  }
0x2bc: {  	[tilespmem:s7], [sflag:$0x1] =	stream.indirect_vreg.gather [hbm4b:s6+s10], $0x80, v17, vm0, $0xb8;
	[tilespmem:$0x8C80] =	vst v63  }
0x2bd: {  	_ =	swait.ge [sflag:s8], $0x7800  }
0x2be: {  	[sflag:s8] =	ssyncset.done $0x0  }
0x2bf: {  	s11 =	rddreg [dreg:$0xb];
	[sflag:s8] =	ssyncadd.s32 $0xFFFF8800  }
0x2c0: {  	[hbm4b:s11+s10] =	stream.linear.scatter [tilespmem:s20], [sflag:$0x2], $0x7800, $0x38;
	[tilespmem:$0x8C80] =	vst v63  }
0x2c1: {  	_ =	swait.ge [sflag:s17], $0x7800  }
0x2c2: {  	[sflag:s17] =	ssyncset.done $0x0  }
0x2c3: {  	s11 =	simm.s32 $0x0;
	[sflag:s17] =	ssyncadd.s32 $0xFFFF8800  }
.LBB2_30:
0x2c4: {  	s12 =	sand.u32 $0x1F0, s10  }
0x2c5: {  	v18 =	vimm.f32 $-2.000000000e+00;
	v17 =	vimm.s32 $0x0;
	s13 =	simm.s32 $0x10;
	v19 =	vld [tilespmem:s12+$0xE00];
	s12 =	simm.s32 $0x0  }
.LBB2_31:
0x2c6: {  	p0 =	sne.s32 s13, $0x1F0  }
.Ltmp14:
0x2c7: {  	_ = 	snop;
	(pc) =	sbr.rel @p0 .LBB2_31-.Ltmp14, $3  }
0x2c8: {  	_ =	sdelay $0x1  }
0x2c9: {  	s14 =	sand.u32 $0x1F0, s13;
	v20 =	vor.u32 s12, v8;
	s12 =	smov.u32 s13;
	s13 =	sadd.s32 $0x10, s13;
	vm1 =	vgt.f32 v19, v18  }
0x2ca: {  	v18 =	vsel vm1, v19, v18;
	v19 =	vld [tilespmem:s14+$0xE00];
	v17 =	vsel vm1, v20, v17  }
0x2cb: {  	_ =	sdelay $0x3  }
0x2cc: {  	vm1 =	vgt.f32 v19, v18  }
0x2cd: {  	v18 =	vsel vm1, v19, v18  }
0x2ce: {  	v19 =	vperm.xlane v18, v9;
	_ =	sdelay $0x1  }
0x2cf: {  	v19 =	vmax.f32 v18, v19  }
0x2d0: {  	v20 =	vperm.xlane v19, v10;
	_ =	sdelay $0x1  }
0x2d1: {  	v19 =	vmax.f32 v19, v20  }
0x2d2: {  	v20 =	vperm.xlane v19, v11;
	_ =	sdelay $0x1  }
0x2d3: {  	v19 =	vmax.f32 v19, v20  }
0x2d4: {  	v20 =	vperm.xlane v19, v12;
	_ =	sdelay $0x1  }
0x2d5: {  	v62 =	vor.u32 s12, v8;
	v19 =	vmax.f32 v19, v20  }
0x2d6: {  	v17 =	vsel vm1, v62, v17;
	vm1 =	veq.f32 v18, v19  }
0x2d7: {  	v17 =	vnsel vm1, $0x40000000, v17  }
0x2d8: {  	v18 =	vperm.xlane v17, v9;
	_ =	sdelay $0x1  }
0x2d9: {  	vm1 =	vlt.s32 v17, v18  }
0x2da: {  	v17 =	vsel vm1, v17, v18  }
0x2db: {  	v18 =	vperm.xlane v17, v10;
	_ =	sdelay $0x1  }
0x2dc: {  	vm1 =	vlt.s32 v17, v18  }
0x2dd: {  	v17 =	vsel vm1, v17, v18  }
0x2de: {  	v18 =	vperm.xlane v17, v11;
	_ =	sdelay $0x1  }
0x2df: {  	vm1 =	vlt.s32 v17, v18  }
0x2e0: {  	v17 =	vsel vm1, v17, v18  }
0x2e1: {  	v18 =	vperm.xlane v17, v12;
	_ =	sdelay $0x1  }
0x2e2: {  	vm1 =	vlt.s32 v17, v18  }
0x2e3: {  	v17 =	vsel vm1, v17, v18  }
0x2e4: {  	v18 =	vmov s11;
	v19 =	vadd.s32 $0xE00, v17  }
0x2e5: {  	s11 =	sadd.s32 $0x1, s11;
	v63 =	vor.u32 $0x380, v18  }
0x2e6: {  	p0 =	sne.s32 s11, $0x28  }
.Ltmp15:
0x2e7: {  	_ = 	snop;
	(pc) =	sbr.rel @p0 .LBB2_30-.Ltmp15, $4  }
0x2e8: {  	_ = 	snop  }
0x2e9: {  	[tilespmem:v19+s3+$0x0] =	vst.idx.msk $0x1, v13  }
0x2ea: {  	[tilespmem:v63+s18+$0x0] =	vst.idx.msk $0x1, v17;
	v17 =	vadd.s32 v7, v17  }
0x2eb: {  	[tilespmem:v18+s19+$0x0] =	vst.idx.msk $0x1, v17  }
0x2ec: {  	v17 =	vld [tilespmem:$0x1400];
	_ =	sdelay $0x4  }
0x2ed: {  	v18 =	vshrl.u32 v17, $0x3  }
0x2ee: {  	v18 =	vmul.u32 $0x30, v18  }
0x2ef: {  	v17 =	vand.u32 $0x7, v17  }
0x2f0: {  	v17 =	vor.u32 v17, v18  }
0x2f1: {  	v18 =	vperm.xlane v17, v14;
	_ =	sdelay $0x1  }
0x2f2: {  	v18 =	vadd.s32 v15, v18;
	_ =	sdelay $0x3  }
0x2f3: {  	v17 =	vperm.xlane v17, v16  }
0x2f4: {  	[tilespmem:s20], [sflag:$0x1] =	stream.indirect_vreg.gather [hbm4b:s2+s3], $0x80, v18, vm0, $0xb8;
	[tilespmem:$0x8C80] =	vst v63  }
0x2f5: {  	v17 =	vadd.s32 v15, v17  }
0x2f6: {  	[tilespmem:s21], [sflag:$0x1] =	stream.indirect_vreg.gather [hbm4b:s5+s3], $0x80, v18, vm0, $0xb8;
	[tilespmem:$0x8C80] =	vst v63  }
0x2f7: {  	_ = 	snop  }
0x2f8: {  	[tilespmem:s22], [sflag:$0x1] =	stream.indirect_vreg.gather [hbm4b:s6+s3], $0x80, v18, vm0, $0xb8;
	[tilespmem:$0x8C80] =	vst v63  }
0x2f9: {  	_ = 	snop  }
0x2fa: {  	[tilespmem:s23], [sflag:$0x1] =	stream.indirect_vreg.gather [hbm4b:s2+s3], $0x80, v17, vm0, $0xb8;
	[tilespmem:$0x8C80] =	vst v63  }
0x2fb: {  	_ = 	snop  }
0x2fc: {  	[tilespmem:s24], [sflag:$0x1] =	stream.indirect_vreg.gather [hbm4b:s5+s3], $0x80, v17, vm0, $0xb8;
	[tilespmem:$0x8C80] =	vst v63  }
0x2fd: {  	_ = 	snop  }
0x2fe: {  	[tilespmem:s25], [sflag:$0x1] =	stream.indirect_vreg.gather [hbm4b:s6+s3], $0x80, v17, vm0, $0xb8;
	[tilespmem:$0x8C80] =	vst v63  }
0x2ff: {  	v17 =	vld [tilespmem:$0x1410];
	_ =	sdelay $0x4  }
0x300: {  	v18 =	vshrl.u32 v17, $0x3  }
0x301: {  	v18 =	vmul.u32 $0x30, v18  }
0x302: {  	v17 =	vand.u32 $0x7, v17  }
0x303: {  	v17 =	vor.u32 v17, v18  }
0x304: {  	v18 =	vperm.xlane v17, v14;
	_ =	sdelay $0x1  }
0x305: {  	v18 =	vadd.s32 v15, v18;
	_ =	sdelay $0x3  }
0x306: {  	v17 =	vperm.xlane v17, v16  }
0x307: {  	[tilespmem:s26], [sflag:$0x1] =	stream.indirect_vreg.gather [hbm4b:s2+s3], $0x80, v18, vm0, $0xb8;
	[tilespmem:$0x8C80] =	vst v63  }
0x308: {  	v17 =	vadd.s32 v15, v17  }
0x309: {  	[tilespmem:s28], [sflag:$0x1] =	stream.indirect_vreg.gather [hbm4b:s5+s3], $0x80, v18, vm0, $0xb8;
	[tilespmem:$0x8C80] =	vst v63  }
0x30a: {  	_ = 	snop  }
0x30b: {  	[tilespmem:s29], [sflag:$0x1] =	stream.indirect_vreg.gather [hbm4b:s6+s3], $0x80, v18, vm0, $0xb8;
	[tilespmem:$0x8C80] =	vst v63  }
0x30c: {  	_ = 	snop  }
0x30d: {  	[tilespmem:s30], [sflag:$0x1] =	stream.indirect_vreg.gather [hbm4b:s2+s3], $0x80, v17, vm0, $0xb8;
	[tilespmem:$0x8C80] =	vst v63  }
0x30e: {  	_ = 	snop  }
0x30f: {  	[tilespmem:s31], [sflag:$0x1] =	stream.indirect_vreg.gather [hbm4b:s5+s3], $0x80, v17, vm0, $0xb8;
	[tilespmem:$0x8C80] =	vst v63  }
0x310: {  	_ = 	snop  }
0x311: {  	[tilespmem:s1], [sflag:$0x1] =	stream.indirect_vreg.gather [hbm4b:s6+s3], $0x80, v17, vm0, $0xb8;
	[tilespmem:$0x8C80] =	vst v63  }
0x312: {  	v17 =	vld.msk [tilespmem:$0x1420], $0xff;
	_ =	sdelay $0x4  }
0x313: {  	v18 =	vshrl.u32 v17, $0x3  }
0x314: {  	v18 =	vmul.u32 $0x30, v18  }
0x315: {  	v17 =	vand.u32 $0x7, v17  }
0x316: {  	v17 =	vor.u32 v17, v18  }
0x317: {  	v17 =	vperm.xlane v17, v14;
	_ =	sdelay $0x1  }
0x318: {  	v17 =	vadd.s32 v15, v17;
	_ =	sdelay $0x4  }
0x319: {  	[tilespmem:s0], [sflag:$0x1] =	stream.indirect_vreg.gather [hbm4b:s2+s3], $0x80, v17, vm0, $0xb8;
	[tilespmem:$0x8C80] =	vst v63  }
0x31a: {  	_ = 	snop  }
0x31b: {  	[tilespmem:s4], [sflag:$0x1] =	stream.indirect_vreg.gather [hbm4b:s5+s3], $0x80, v17, vm0, $0xb8;
	[tilespmem:$0x8C80] =	vst v63  }
0x31c: {  	_ = 	snop  }
0x31d: {  	[tilespmem:s7], [sflag:$0x1] =	stream.indirect_vreg.gather [hbm4b:s6+s3], $0x80, v17, vm0, $0xb8;
	[tilespmem:$0x8C80] =	vst v63  }
0x31e: {  	_ =	swait.ge [sflag:s8], $0x7800  }
0x31f: {  	[sflag:s8] =	ssyncset.done $0x0  }
0x320: {  	s10 =	rddreg [dreg:$0xc];
	[sflag:s8] =	ssyncadd.s32 $0xFFFF8800  }
0x321: {  	[hbm4b:s10+s3] =	stream.linear.scatter [tilespmem:s20], [sflag:$0x2], $0x7800, $0x38;
	[tilespmem:$0x8C80] =	vst v63  }
0x322: {  	s9 =	sadd.s32 $0x1, s9;
	_ =	swait.ge [sflag:s17], $0x7800  }
0x323: {  	p0 =	sne.s32 s9, s16;
	[sflag:s17] =	ssyncset.done $0x0  }
.Ltmp16:
0x324: {  	[sflag:s17] =	ssyncadd.s32 $0xFFFF8800;
	(pc) =	sbr.rel @p0 .LBB2_1-.Ltmp16, $4  }
0x325: {  	[hbm4b:s15+s3] =	stream.linear.scatter [tilespmem:s18], [sflag:$0x2], $0x400, $0x38;
	[tilespmem:$0x8C80] =	vst v63  }
0x326: {  	_ =	swait.ge [sflag:s17], $0x400  }
0x327: {  	[sflag:s17] =	ssyncset.done $0x0  }
0x328: {  	[sflag:s17] =	ssyncadd.s32 $0xFFFFFC00  }
0x329: {  	_ =	sfence.sel $0x180000  }
0x32a: {  	[bflag:$0x0] =	sbarrier.arrive $0xFFFF  }
0x32b: {  	_ =	strace $0x90000047  }
0x32c: {  	s0 =	stileid.u32;
	[bflag:$0x2] =	sbarrier.arrive $0xFFFF  }
0x32d: {  	p0 =	sne.s32 s0, $0x0;
	s0 =	rddreg [dreg:$0x3]  }
0x32e: {  	s0 =	sadd.s32 @!p0 $0x100000, s0  }
0x32f: {  	[sflag:s0] =	ssyncadd.tile.s32 @!p0 $0x1;
	_ =	shalt  }
.Lfunc_end2:
_tile_overlayer_lowered:
.L_overlay_start_2:
0x330: {  	(tag) =	ssettag $0x2  }
0x331: {  	s0 =	rddreg [dreg:$0x0];
	s2 =	stileid.u32  }
0x332: {  	s1 =	rddreg [dreg:$0x1];
	p0 =	sne.s32 s2, $0x0  }
0x333: {  	s3 =	rddreg [dreg:$0x2];
	[bflag:$0x3] =	sbarrier.arrive $0xFFFF;
	s2 =	simm.s32 @!p0 $0x1C02  }
0x334: {  	[timem:s3], [sflag:s2] =	dma.local @!p0 [hbm:s0], s1  }
0x335: {  	s0 =	simm.s32 @!p0 $0x2  }
0x336: {  	_ =	swait.ge @!p0 [sflag:s0], s1  }
0x337: {  	s1 =	ssub.s32 @!p0 $0x0, s1;
	[sflag:s0] =	ssyncset.done @!p0 $0x0  }
0x338: {  	[sflag:s0] =	ssyncadd.s32 @!p0 s1  }
0x339: {  	[bflag:$0x3] =	sbarrier.arrive $0xFFFF  }
0x33a: {  	_ =	shalt  }

</sc_bundles>
